<compile_context>
chip_gen: v7x
topology: tpu7x:2x2x1
jax: 0.10.2.dev20260603
libtpu: 0.0.44.dev20260713+nightly
codegen_flags: <defaults>
</compile_context>

<pallas_src>
import functools

import jax
import jax.numpy as jnp
from jax import lax
from jax.experimental import pallas as pl
from jax.experimental.pallas import tpu as pltpu
from jax.experimental.pallas import tpu_sc as plsc

N = 10000
E = 320000
D = 64
F = 2 * D


_ROWS_BLK = 1000


def _norm_body(x_d, h_d, x_g, h_g, d_out, g_out):
    fd = jnp.concatenate([x_d[...], h_d[...]], axis=1)
    fg = jnp.concatenate([x_g[...], h_g[...]], axis=1)
    d_out[...] = fd / jnp.sqrt(jnp.sum(fd * fd, axis=1, keepdims=True))
    g_out[...] = fg / jnp.sqrt(jnp.sum(fg * fg, axis=1, keepdims=True))


def _normalized_tables(x_d, h_d, x_g, h_g):
    bs_in = pl.BlockSpec((_ROWS_BLK, D), lambda i: (i, 0))
    bs_out = pl.BlockSpec((_ROWS_BLK, F), lambda i: (i, 0))
    return pl.pallas_call(
        _norm_body,
        grid=(N // _ROWS_BLK,),
        in_specs=[bs_in] * 4,
        out_specs=[bs_out, bs_out],
        out_shape=[jax.ShapeDtypeStruct((N, F), jnp.float32)] * 2,
    )(x_d, h_d, x_g, h_g)



_info = plsc.get_sparse_core_info()
_NC, _NS, _L = _info.num_cores, _info.num_subcores, _info.num_lanes
_NW = _NC * _NS
_EPW = E // _NW
_C = 80
_NCHUNK = _EPW // _C
_GROUPS = _C // _L
_NBUF = 4

_BITREV = [int("{:04b}".format(i)[::-1], 2) for i in range(16)]

_mesh = plsc.VectorSubcoreMesh(core_axis_name="c", subcore_axis_name="s")


@functools.partial(
    pl.kernel,
    mesh=_mesh,
    out_type=jax.ShapeDtypeStruct((E,), jnp.float32),
    scratch_types=(
        [pltpu.VMEM((_EPW,), jnp.int32)] * 2
        + [pltpu.VMEM((_C, F), jnp.float32)] * (2 * _NBUF)
        + [pltpu.VMEM((_EPW,), jnp.float32)]
        + [pltpu.VMEM((_C, _L), jnp.float32)]
        + [pltpu.SemaphoreType.DMA] * (2 * _NBUF)
    ),
)
def _edge_scores(g_hbm, d_hbm, src_hbm, dst_hbm, out_hbm, *refs):
    src_v, dst_v = refs[0], refs[1]
    gbuf = refs[2:2 + _NBUF]
    dbuf = refs[2 + _NBUF:2 + 2 * _NBUF]
    out_v = refs[2 + 2 * _NBUF]
    acc_v = refs[3 + 2 * _NBUF]
    sg = refs[4 + 2 * _NBUF:4 + 3 * _NBUF]
    sd = refs[4 + 3 * _NBUF:4 + 4 * _NBUF]

    wid = lax.axis_index("s") * _NC + lax.axis_index("c")
    base = wid * _EPW
    pltpu.sync_copy(src_hbm.at[pl.ds(base, _EPW)], src_v)
    pltpu.sync_copy(dst_hbm.at[pl.ds(base, _EPW)], dst_v)

    def start(c, b):
        idx_s = src_v.at[pl.ds(c * _C, _C)]
        idx_d = dst_v.at[pl.ds(c * _C, _C)]
        pltpu.async_copy(g_hbm.at[idx_s], gbuf[b], sg[b])
        pltpu.async_copy(d_hbm.at[idx_d], dbuf[b], sd[b])

    def wait(c, b):
        idx_s = src_v.at[pl.ds(c * _C, _C)]
        idx_d = dst_v.at[pl.ds(c * _C, _C)]
        pltpu.make_async_copy(g_hbm.at[idx_s], gbuf[b], sg[b]).wait()
        pltpu.make_async_copy(d_hbm.at[idx_d], dbuf[b], sd[b]).wait()

    def compute(c, b):
        gr = gbuf[b]
        dr = dbuf[b]

        lanes = lax.iota(jnp.int32, _L)

        dnums = lax.GatherDimensionNumbers(
            offset_dims=(), collapsed_slice_dims=(0,), start_index_map=(0,))

        def vshuf(x, idx):
            return lax.gather(
                x, idx[:, None], dnums, (1,),
                mode=lax.GatherScatterMode.PROMISE_IN_BOUNDS)

        @plsc.parallel_loop(0, _C, unroll=4)
        def _edge(e):
            prods = []
            for j in range(F // _L):
                gv = gr[e, pl.ds(j * _L, _L)]
                dv = dr[e, pl.ds(j * _L, _L)]
                prods.append(gv * dv)
            while len(prods) > 1:
                prods = [a + b2 for a, b2 in zip(prods[::2], prods[1::2])]
            acc_v[e, :] = prods[0]

        @plsc.parallel_loop(0, _GROUPS)
        def _group(g):
            vs = [acc_v[g * _L + _BITREV[i], :] for i in range(_L)]
            for d in (8, 4, 2, 1):
                m = (lanes & d) == 0
                sh = lanes ^ d
                vs = [jnp.where(m, a, vshuf(b2, sh))
                      + jnp.where(m, vshuf(a, sh), b2)
                      for a, b2 in zip(vs[::2], vs[1::2])]
            out_v[pl.ds(c * _C + g * _L, _L)] = vs[0]

    for b0 in range(_NBUF - 1):
        start(b0, b0)

    def chunk_ring(i, carry):
        c0 = i * _NBUF
        for b in range(_NBUF):
            c = c0 + b

            @pl.when(c < _NCHUNK)
            def _process():
                @pl.when(c + _NBUF - 1 < _NCHUNK)
                def _prefetch():
                    start(c + _NBUF - 1, (b + _NBUF - 1) % _NBUF)

                wait(c, b)
                compute(c, b)

        return carry

    lax.fori_loop(0, (_NCHUNK + _NBUF - 1) // _NBUF, chunk_ring, 0)
    pltpu.sync_copy(out_v, out_hbm.at[pl.ds(base, _EPW)])



def kernel(h_disease, h_gene, x_disease, x_gene, edge_index):
    d_tab, g_tab = _normalized_tables(x_disease, h_disease, x_gene, h_gene)
    src = edge_index[0].astype(jnp.int32)
    dst = edge_index[1].astype(jnp.int32)
    scores = _edge_scores(g_tab, d_tab, src, dst)
    return scores.reshape(E, 1)

# --- scband reference (transcript-rebuilt; emitter-appended) ---
"""Pipeline reference for scband-herero-cat-predictor-8332236554763 (READ-ONLY COPY).

The authoritative reference and input builder live on the scoring server;
editing this copy changes nothing except your own understanding.
"""

import jax, jax.numpy as jnp
import numpy as np

N_NODES = 10000
N_EDGES = 320000
D = 64

def setup_inputs(seed: int = 0) -> dict:
    key = jax.random.key(seed)
    k1, k2, k3, k4, k5, k6 = jax.random.split(key, 6)
    h_disease = jax.random.normal(k1, (N_NODES, D), dtype=jnp.float32)
    h_gene = jax.random.normal(k2, (N_NODES, D), dtype=jnp.float32)
    x_disease = jax.random.normal(k3, (N_NODES, D), dtype=jnp.float32)
    x_gene = jax.random.normal(k4, (N_NODES, D), dtype=jnp.float32)
    src = jax.random.randint(k5, (N_EDGES,), 0, N_NODES, dtype=jnp.int64 if jax.config.read('jax_enable_x64') else jnp.int32)
    dst = jax.random.randint(k6, (N_EDGES,), 0, N_NODES, dtype=jnp.int64 if jax.config.read('jax_enable_x64') else jnp.int32)
    edge_index = jnp.stack([src, dst], axis=0)
    return {
        'h_disease': h_disease,
        'h_gene': h_gene,
        'x_disease': x_disease,
        'x_gene': x_gene,
        'edge_index': edge_index,
    }

def reference(h_disease, h_gene, x_disease, x_gene, edge_index):
    # _features_new[key] = cat([x[key], h[key]], dim=1)
    f_d = jnp.concatenate([x_disease, h_disease], axis=1)
    f_g = jnp.concatenate([x_gene, h_gene], axis=1)
    # per-node L2 norms (torch.norm p=2, dim=1, keepdim=True)
    n_d = jnp.sqrt(jnp.sum(f_d * f_d, axis=1, keepdims=True))
    n_g = jnp.sqrt(jnp.sum(f_g * f_g, axis=1, keepdims=True))
    # apply_edges fn.u_dot_v over etype (gene -> disease)
    src = edge_index[0]
    dst = edge_index[1]
    fg_e = jnp.take(f_g, src, axis=0)  # gather src (gene) features per edge
    fd_e = jnp.take(f_d, dst, axis=0)  # gather dst (disease) features per edge
    _dot = jnp.sum(fg_e * fd_e, axis=1, keepdims=True)
    ng_e = jnp.take(n_g, src, axis=0)
    nd_e = jnp.take(n_d, dst, axis=0)
    _mou = ng_e * nd_e  # u_dot_v of 1-dim norm features == product of norms
    return _dot / _mou

if __name__ == "__main__":
    import jax
    _d = setup_inputs()
    print(jax.jit(kernel)(*tuple(_d.values())))

</pallas_src>

<mosaic_0001>
#map = affine_map<(d0, d1) -> (0, 0)>
#map1 = affine_map<(d0, d1) -> (0)>
module attributes {stable_mosaic.version = 14 : i64} {
  func.func @_edge_scores(%arg0: i32, %arg1: i32, %arg2: memref<10000x128xf32, #tpu.memory_space<hbm>>, %arg3: memref<10000x128xf32, #tpu.memory_space<hbm>>, %arg4: memref<320000xi32, #tpu.memory_space<hbm>>, %arg5: memref<320000xi32, #tpu.memory_space<hbm>>, %arg6: memref<320000xf32, #tpu.memory_space<hbm>>, %arg7: memref<10000xi32, #tpu.memory_space<vmem>>, %arg8: memref<10000xi32, #tpu.memory_space<vmem>>, %arg9: memref<80x128xf32, #tpu.memory_space<vmem>>, %arg10: memref<80x128xf32, #tpu.memory_space<vmem>>, %arg11: memref<80x128xf32, #tpu.memory_space<vmem>>, %arg12: memref<80x128xf32, #tpu.memory_space<vmem>>, %arg13: memref<80x128xf32, #tpu.memory_space<vmem>>, %arg14: memref<80x128xf32, #tpu.memory_space<vmem>>, %arg15: memref<80x128xf32, #tpu.memory_space<vmem>>, %arg16: memref<80x128xf32, #tpu.memory_space<vmem>>, %arg17: memref<10000xf32, #tpu.memory_space<vmem>>, %arg18: memref<80x16xf32, #tpu.memory_space<vmem>>, %arg19: memref<!tpu.dma_semaphore, #tpu.memory_space<semaphore_mem>>, %arg20: memref<!tpu.dma_semaphore, #tpu.memory_space<semaphore_mem>>, %arg21: memref<!tpu.dma_semaphore, #tpu.memory_space<semaphore_mem>>, %arg22: memref<!tpu.dma_semaphore, #tpu.memory_space<semaphore_mem>>, %arg23: memref<!tpu.dma_semaphore, #tpu.memory_space<semaphore_mem>>, %arg24: memref<!tpu.dma_semaphore, #tpu.memory_space<semaphore_mem>>, %arg25: memref<!tpu.dma_semaphore, #tpu.memory_space<semaphore_mem>>, %arg26: memref<!tpu.dma_semaphore, #tpu.memory_space<semaphore_mem>>) attributes {dimension_semantics = [#tpu.dimension_semantics<core_parallel>, #tpu.dimension_semantics<subcore_parallel>], iteration_bounds = array<i64: 2, 16>, scalar_prefetch = 0 : i64, scratch_operands = 20 : i64, tpu.core_type = #tpu.core_type<sc_vector_subcore>, window_params = [{transform_indices = #map}, {transform_indices = #map}, {transform_indices = #map1}, {transform_indices = #map1}, {transform_indices = #map1}]} {
    %mul3A = arith.constant 2 : i32
    %mul3A_0 = arith.muli %arg1, %mul3A : i32
    %add3A = arith.addi %mul3A_0, %arg0 : i32
    %mul3A_1 = arith.constant 10000 : i32
    %mul3A_2 = arith.muli %add3A, %mul3A_1 : i32
    "tpu.region"() ({
      %run_scoped3A = tpu.sem_alloc : memref<!tpu.dma_semaphore, #tpu.memory_space<semaphore_mem>>
      %dma_start3A_37 = tpu.memref_slice %arg4[%mul3A_2] : memref<320000xi32, #tpu.memory_space<hbm>> -> memref<10000xi32, #tpu.memory_space<hbm>>
      %dma_start3A_38 = tpu.memref_slice %arg4[%mul3A_2] : memref<320000xi32, #tpu.memory_space<hbm>> -> memref<10000xi32, #tpu.memory_space<hbm>>
      tpu.enqueue_dma source(%dma_start3A_38 : memref<10000xi32, #tpu.memory_space<hbm>>) target(%arg7 : memref<10000xi32, #tpu.memory_space<vmem>>) target_semaphore(%run_scoped3A : memref<!tpu.dma_semaphore, #tpu.memory_space<semaphore_mem>>)
      %dma_wait3A = tpu.memref_slice %arg4[%mul3A_2] : memref<320000xi32, #tpu.memory_space<hbm>> -> memref<10000xi32, #tpu.memory_space<hbm>>
      %dma_wait3A_39 = tpu.memref_slice %arg4[%mul3A_2] : memref<320000xi32, #tpu.memory_space<hbm>> -> memref<10000xi32, #tpu.memory_space<hbm>>
      tpu.wait_dma2 semaphore(%run_scoped3A : memref<!tpu.dma_semaphore, #tpu.memory_space<semaphore_mem>>) src(%dma_wait3A_39 : memref<10000xi32, #tpu.memory_space<hbm>>) dst(%arg7 : memref<10000xi32, #tpu.memory_space<vmem>>)
      tpu.yield
    }) : () -> ()
    "tpu.region"() ({
      %run_scoped3A = tpu.sem_alloc : memref<!tpu.dma_semaphore, #tpu.memory_space<semaphore_mem>>
      %dma_start3A_37 = tpu.memref_slice %arg5[%mul3A_2] : memref<320000xi32, #tpu.memory_space<hbm>> -> memref<10000xi32, #tpu.memory_space<hbm>>
      %dma_start3A_38 = tpu.memref_slice %arg5[%mul3A_2] : memref<320000xi32, #tpu.memory_space<hbm>> -> memref<10000xi32, #tpu.memory_space<hbm>>
      tpu.enqueue_dma source(%dma_start3A_38 : memref<10000xi32, #tpu.memory_space<hbm>>) target(%arg8 : memref<10000xi32, #tpu.memory_space<vmem>>) target_semaphore(%run_scoped3A : memref<!tpu.dma_semaphore, #tpu.memory_space<semaphore_mem>>)
      %dma_wait3A = tpu.memref_slice %arg5[%mul3A_2] : memref<320000xi32, #tpu.memory_space<hbm>> -> memref<10000xi32, #tpu.memory_space<hbm>>
      %dma_wait3A_39 = tpu.memref_slice %arg5[%mul3A_2] : memref<320000xi32, #tpu.memory_space<hbm>> -> memref<10000xi32, #tpu.memory_space<hbm>>
      tpu.wait_dma2 semaphore(%run_scoped3A : memref<!tpu.dma_semaphore, #tpu.memory_space<semaphore_mem>>) src(%dma_wait3A_39 : memref<10000xi32, #tpu.memory_space<hbm>>) dst(%arg8 : memref<10000xi32, #tpu.memory_space<vmem>>)
      tpu.yield
    }) : () -> ()
    %dma_start3A = arith.constant 0 : i32
    %dma_start3A_3 = tpu.memref_slice %arg7[%dma_start3A] : memref<10000xi32, #tpu.memory_space<vmem>> -> memref<80xi32, #tpu.memory_space<vmem>>
    %dma_start3A_4 = arith.constant 0 : i32
    %dma_start3A_5 = arith.constant 0 : i32
    %dma_start3A_6 = tpu.memref_slice %arg2[%dma_start3A_4, %dma_start3A_5] : memref<10000x128xf32, #tpu.memory_space<hbm>> -> memref<10000x128xf32, #tpu.memory_space<hbm>>
    tpu.enqueue_indirect_dma source(%dma_start3A_6 : memref<10000x128xf32, #tpu.memory_space<hbm>>) target(%arg9 : memref<80x128xf32, #tpu.memory_space<vmem>>) offsets(%dma_start3A_3 : memref<80xi32, #tpu.memory_space<vmem>>) semaphore(%arg19 : memref<!tpu.dma_semaphore, #tpu.memory_space<semaphore_mem>>)
    %dma_start3A_7 = arith.constant 0 : i32
    %dma_start3A_8 = tpu.memref_slice %arg8[%dma_start3A_7] : memref<10000xi32, #tpu.memory_space<vmem>> -> memref<80xi32, #tpu.memory_space<vmem>>
    %dma_start3A_9 = arith.constant 0 : i32
    %dma_start3A_10 = arith.constant 0 : i32
    %dma_start3A_11 = tpu.memref_slice %arg3[%dma_start3A_9, %dma_start3A_10] : memref<10000x128xf32, #tpu.memory_space<hbm>> -> memref<10000x128xf32, #tpu.memory_space<hbm>>
    tpu.enqueue_indirect_dma source(%dma_start3A_11 : memref<10000x128xf32, #tpu.memory_space<hbm>>) target(%arg13 : memref<80x128xf32, #tpu.memory_space<vmem>>) offsets(%dma_start3A_8 : memref<80xi32, #tpu.memory_space<vmem>>) semaphore(%arg23 : memref<!tpu.dma_semaphore, #tpu.memory_space<semaphore_mem>>)
    %dma_start3A_12 = arith.constant 80 : i32
    %dma_start3A_13 = tpu.memref_slice %arg7[%dma_start3A_12] : memref<10000xi32, #tpu.memory_space<vmem>> -> memref<80xi32, #tpu.memory_space<vmem>>
    %dma_start3A_14 = arith.constant 0 : i32
    %dma_start3A_15 = arith.constant 0 : i32
    %dma_start3A_16 = tpu.memref_slice %arg2[%dma_start3A_14, %dma_start3A_15] : memref<10000x128xf32, #tpu.memory_space<hbm>> -> memref<10000x128xf32, #tpu.memory_space<hbm>>
    tpu.enqueue_indirect_dma source(%dma_start3A_16 : memref<10000x128xf32, #tpu.memory_space<hbm>>) target(%arg10 : memref<80x128xf32, #tpu.memory_space<vmem>>) offsets(%dma_start3A_13 : memref<80xi32, #tpu.memory_space<vmem>>) semaphore(%arg20 : memref<!tpu.dma_semaphore, #tpu.memory_space<semaphore_mem>>)
    %dma_start3A_17 = arith.constant 80 : i32
    %dma_start3A_18 = tpu.memref_slice %arg8[%dma_start3A_17] : memref<10000xi32, #tpu.memory_space<vmem>> -> memref<80xi32, #tpu.memory_space<vmem>>
    %dma_start3A_19 = arith.constant 0 : i32
    %dma_start3A_20 = arith.constant 0 : i32
    %dma_start3A_21 = tpu.memref_slice %arg3[%dma_start3A_19, %dma_start3A_20] : memref<10000x128xf32, #tpu.memory_space<hbm>> -> memref<10000x128xf32, #tpu.memory_space<hbm>>
    tpu.enqueue_indirect_dma source(%dma_start3A_21 : memref<10000x128xf32, #tpu.memory_space<hbm>>) target(%arg14 : memref<80x128xf32, #tpu.memory_space<vmem>>) offsets(%dma_start3A_18 : memref<80xi32, #tpu.memory_space<vmem>>) semaphore(%arg24 : memref<!tpu.dma_semaphore, #tpu.memory_space<semaphore_mem>>)
    %dma_start3A_22 = arith.constant 160 : i32
    %dma_start3A_23 = tpu.memref_slice %arg7[%dma_start3A_22] : memref<10000xi32, #tpu.memory_space<vmem>> -> memref<80xi32, #tpu.memory_space<vmem>>
    %dma_start3A_24 = arith.constant 0 : i32
    %dma_start3A_25 = arith.constant 0 : i32
    %dma_start3A_26 = tpu.memref_slice %arg2[%dma_start3A_24, %dma_start3A_25] : memref<10000x128xf32, #tpu.memory_space<hbm>> -> memref<10000x128xf32, #tpu.memory_space<hbm>>
    tpu.enqueue_indirect_dma source(%dma_start3A_26 : memref<10000x128xf32, #tpu.memory_space<hbm>>) target(%arg11 : memref<80x128xf32, #tpu.memory_space<vmem>>) offsets(%dma_start3A_23 : memref<80xi32, #tpu.memory_space<vmem>>) semaphore(%arg21 : memref<!tpu.dma_semaphore, #tpu.memory_space<semaphore_mem>>)
    %dma_start3A_27 = arith.constant 160 : i32
    %dma_start3A_28 = tpu.memref_slice %arg8[%dma_start3A_27] : memref<10000xi32, #tpu.memory_space<vmem>> -> memref<80xi32, #tpu.memory_space<vmem>>
    %dma_start3A_29 = arith.constant 0 : i32
    %dma_start3A_30 = arith.constant 0 : i32
    %dma_start3A_31 = tpu.memref_slice %arg3[%dma_start3A_29, %dma_start3A_30] : memref<10000x128xf32, #tpu.memory_space<hbm>> -> memref<10000x128xf32, #tpu.memory_space<hbm>>
    tpu.enqueue_indirect_dma source(%dma_start3A_31 : memref<10000x128xf32, #tpu.memory_space<hbm>>) target(%arg15 : memref<80x128xf32, #tpu.memory_space<vmem>>) offsets(%dma_start3A_28 : memref<80xi32, #tpu.memory_space<vmem>>) semaphore(%arg25 : memref<!tpu.dma_semaphore, #tpu.memory_space<semaphore_mem>>)
    %scan3A = arith.constant 0 : i32
    %scan3A_32 = arith.constant 0 : i32
    %scan3A_33 = arith.constant 32 : i32
    %scan3A_34 = arith.addi %scan3A_32, %scan3A_33 : i32
    %scan3A_35 = arith.constant 1 : i32
    scf.for %scan3A_37 = %scan3A_32 to %scan3A_34 step %scan3A_35  : i32 {
      %mul3A_38 = arith.constant 4 : i32
      %mul3A_39 = arith.muli %scan3A_37, %mul3A_38 : i32
      %add3A_40 = arith.constant 0 : i32
      %add3A_41 = arith.addi %mul3A_39, %add3A_40 : i32
      %lt3A = arith.constant 125 : i32
      %lt3A_42 = arith.cmpi slt, %add3A_41, %lt3A : i32
      %convert_element_type3A = arith.extui %lt3A_42 : i1 to i32
      %cond3A = arith.constant 0 : i32
      %cond3A_43 = arith.cmpi ne, %convert_element_type3A, %cond3A : i32
      scf.if %cond3A_43 {
        %add3A_65 = arith.constant 4 : i32
        %add3A_66 = arith.addi %add3A_41, %add3A_65 : i32
        %sub3A = arith.constant 1 : i32
        %sub3A_67 = arith.subi %add3A_66, %sub3A : i32
        %lt3A_68 = arith.constant 125 : i32
        %lt3A_69 = arith.cmpi slt, %sub3A_67, %lt3A_68 : i32
        %convert_element_type3A_70 = arith.extui %lt3A_69 : i1 to i32
        %cond3A_71 = arith.constant 0 : i32
        %cond3A_72 = arith.cmpi ne, %convert_element_type3A_70, %cond3A_71 : i32
        scf.if %cond3A_72 {
          %add3A_89 = arith.constant 4 : i32
          %add3A_90 = arith.addi %add3A_41, %add3A_89 : i32
          %sub3A_91 = arith.constant 1 : i32
          %sub3A_92 = arith.subi %add3A_90, %sub3A_91 : i32
          %mul3A_93 = arith.constant 80 : i32
          %mul3A_94 = arith.muli %sub3A_92, %mul3A_93 : i32
          %mul3A_95 = arith.constant 80 : i32
          %mul3A_96 = arith.muli %sub3A_92, %mul3A_95 : i32
          %dma_start3A_97 = tpu.memref_slice %arg7[%mul3A_94] : memref<10000xi32, #tpu.memory_space<vmem>> -> memref<80xi32, #tpu.memory_space<vmem>>
          %dma_start3A_98 = arith.constant 0 : i32
          %dma_start3A_99 = arith.constant 0 : i32
          %dma_start3A_100 = tpu.memref_slice %arg2[%dma_start3A_98, %dma_start3A_99] : memref<10000x128xf32, #tpu.memory_space<hbm>> -> memref<10000x128xf32, #tpu.memory_space<hbm>>
          tpu.enqueue_indirect_dma source(%dma_start3A_100 : memref<10000x128xf32, #tpu.memory_space<hbm>>) target(%arg12 : memref<80x128xf32, #tpu.memory_space<vmem>>) offsets(%dma_start3A_97 : memref<80xi32, #tpu.memory_space<vmem>>) semaphore(%arg22 : memref<!tpu.dma_semaphore, #tpu.memory_space<semaphore_mem>>)
          %dma_start3A_101 = tpu.memref_slice %arg8[%mul3A_96] : memref<10000xi32, #tpu.memory_space<vmem>> -> memref<80xi32, #tpu.memory_space<vmem>>
          %dma_start3A_102 = arith.constant 0 : i32
          %dma_start3A_103 = arith.constant 0 : i32
          %dma_start3A_104 = tpu.memref_slice %arg3[%dma_start3A_102, %dma_start3A_103] : memref<10000x128xf32, #tpu.memory_space<hbm>> -> memref<10000x128xf32, #tpu.memory_space<hbm>>
          tpu.enqueue_indirect_dma source(%dma_start3A_104 : memref<10000x128xf32, #tpu.memory_space<hbm>>) target(%arg16 : memref<80x128xf32, #tpu.memory_space<vmem>>) offsets(%dma_start3A_101 : memref<80xi32, #tpu.memory_space<vmem>>) semaphore(%arg26 : memref<!tpu.dma_semaphore, #tpu.memory_space<semaphore_mem>>)
        } else {
        }
        %mul3A_73 = arith.constant 80 : i32
        %mul3A_74 = arith.muli %add3A_41, %mul3A_73 : i32
        %mul3A_75 = arith.constant 80 : i32
        %mul3A_76 = arith.muli %add3A_41, %mul3A_75 : i32
        %dma_wait3A = tpu.memref_slice %arg7[%mul3A_74] : memref<10000xi32, #tpu.memory_space<vmem>> -> memref<80xi32, #tpu.memory_space<vmem>>
        %dma_wait3A_77 = arith.constant 0 : i32
        %dma_wait3A_78 = arith.constant 0 : i32
        %dma_wait3A_79 = tpu.memref_slice %arg2[%dma_wait3A_77, %dma_wait3A_78] : memref<10000x128xf32, #tpu.memory_space<hbm>> -> memref<10000x128xf32, #tpu.memory_space<hbm>>
        tpu.wait_indirect_dma semaphore(%arg19 : memref<!tpu.dma_semaphore, #tpu.memory_space<semaphore_mem>>) src(%dma_wait3A_79 : memref<10000x128xf32, #tpu.memory_space<hbm>>) dst(%arg9 : memref<80x128xf32, #tpu.memory_space<vmem>>)
        %dma_wait3A_80 = tpu.memref_slice %arg8[%mul3A_76] : memref<10000xi32, #tpu.memory_space<vmem>> -> memref<80xi32, #tpu.memory_space<vmem>>
        %dma_wait3A_81 = arith.constant 0 : i32
        %dma_wait3A_82 = arith.constant 0 : i32
        %dma_wait3A_83 = tpu.memref_slice %arg3[%dma_wait3A_81, %dma_wait3A_82] : memref<10000x128xf32, #tpu.memory_space<hbm>> -> memref<10000x128xf32, #tpu.memory_space<hbm>>
        tpu.wait_indirect_dma semaphore(%arg23 : memref<!tpu.dma_semaphore, #tpu.memory_space<semaphore_mem>>) src(%dma_wait3A_83 : memref<10000x128xf32, #tpu.memory_space<hbm>>) dst(%arg13 : memref<80x128xf32, #tpu.memory_space<vmem>>)
        %iota3A = tpu.iota {dimensions = array<i32: 0>} : vector<16xi32>
        %parallel_loop3A = arith.constant 0 : i32
        %parallel_loop3A_84 = arith.constant 80 : i32
        %parallel_loop3A_85 = arith.constant 1 : i32
        scf.for %parallel_loop3A_89 = %parallel_loop3A to %parallel_loop3A_84 step %parallel_loop3A_85  : i32 {
          %parallel_loop3A_90 = arith.index_cast %parallel_loop3A_89 : i32 to index
          %parallel_loop3A_91 = arith.constant 0 : index
          %parallel_loop3A_92 = tpu.vector_load %arg9[%parallel_loop3A_90, %parallel_loop3A_91] {strides = array<i32>} : memref<80x128xf32, #tpu.memory_space<vmem>>, vector<1x16xf32>,
          %parallel_loop3A_93 = vector.shape_cast %parallel_loop3A_92 : vector<1x16xf32> to vector<16xf32>
          %parallel_loop3A_94 = arith.index_cast %parallel_loop3A_89 : i32 to index
          %parallel_loop3A_95 = arith.constant 0 : index
          %parallel_loop3A_96 = tpu.vector_load %arg13[%parallel_loop3A_94, %parallel_loop3A_95] {strides = array<i32>} : memref<80x128xf32, #tpu.memory_space<vmem>>, vector<1x16xf32>,
          %parallel_loop3A_97 = vector.shape_cast %parallel_loop3A_96 : vector<1x16xf32> to vector<16xf32>
          %parallel_loop3A_98 = arith.mulf %parallel_loop3A_93, %parallel_loop3A_97 : vector<16xf32>
          %parallel_loop3A_99 = arith.index_cast %parallel_loop3A_89 : i32 to index
          %parallel_loop3A_100 = arith.constant 16 : index
          %parallel_loop3A_101 = tpu.vector_load %arg9[%parallel_loop3A_99, %parallel_loop3A_100] {strides = array<i32>} : memref<80x128xf32, #tpu.memory_space<vmem>>, vector<1x16xf32>,
          %parallel_loop3A_102 = vector.shape_cast %parallel_loop3A_101 : vector<1x16xf32> to vector<16xf32>
          %parallel_loop3A_103 = arith.index_cast %parallel_loop3A_89 : i32 to index
          %parallel_loop3A_104 = arith.constant 16 : index
          %parallel_loop3A_105 = tpu.vector_load %arg13[%parallel_loop3A_103, %parallel_loop3A_104] {strides = array<i32>} : memref<80x128xf32, #tpu.memory_space<vmem>>, vector<1x16xf32>,
          %parallel_loop3A_106 = vector.shape_cast %parallel_loop3A_105 : vector<1x16xf32> to vector<16xf32>
          %parallel_loop3A_107 = arith.mulf %parallel_loop3A_102, %parallel_loop3A_106 : vector<16xf32>
          %parallel_loop3A_108 = arith.index_cast %parallel_loop3A_89 : i32 to index
          %parallel_loop3A_109 = arith.constant 32 : index
          %parallel_loop3A_110 = tpu.vector_load %arg9[%parallel_loop3A_108, %parallel_loop3A_109] {strides = array<i32>} : memref<80x128xf32, #tpu.memory_space<vmem>>, vector<1x16xf32>,
          %parallel_loop3A_111 = vector.shape_cast %parallel_loop3A_110 : vector<1x16xf32> to vector<16xf32>
          %parallel_loop3A_112 = arith.index_cast %parallel_loop3A_89 : i32 to index
          %parallel_loop3A_113 = arith.constant 32 : index
          %parallel_loop3A_114 = tpu.vector_load %arg13[%parallel_loop3A_112, %parallel_loop3A_113] {strides = array<i32>} : memref<80x128xf32, #tpu.memory_space<vmem>>, vector<1x16xf32>,
          %parallel_loop3A_115 = vector.shape_cast %parallel_loop3A_114 : vector<1x16xf32> to vector<16xf32>
          %parallel_loop3A_116 = arith.mulf %parallel_loop3A_111, %parallel_loop3A_115 : vector<16xf32>
          %parallel_loop3A_117 = arith.index_cast %parallel_loop3A_89 : i32 to index
          %parallel_loop3A_118 = arith.constant 48 : index
          %parallel_loop3A_119 = tpu.vector_load %arg9[%parallel_loop3A_117, %parallel_loop3A_118] {strides = array<i32>} : memref<80x128xf32, #tpu.memory_space<vmem>>, vector<1x16xf32>,
          %parallel_loop3A_120 = vector.shape_cast %parallel_loop3A_119 : vector<1x16xf32> to vector<16xf32>
          %parallel_loop3A_121 = arith.index_cast %parallel_loop3A_89 : i32 to index
          %parallel_loop3A_122 = arith.constant 48 : index
          %parallel_loop3A_123 = tpu.vector_load %arg13[%parallel_loop3A_121, %parallel_loop3A_122] {strides = array<i32>} : memref<80x128xf32, #tpu.memory_space<vmem>>, vector<1x16xf32>,
          %parallel_loop3A_124 = vector.shape_cast %parallel_loop3A_123 : vector<1x16xf32> to vector<16xf32>
          %parallel_loop3A_125 = arith.mulf %parallel_loop3A_120, %parallel_loop3A_124 : vector<16xf32>
          %parallel_loop3A_126 = arith.index_cast %parallel_loop3A_89 : i32 to index
          %parallel_loop3A_127 = arith.constant 64 : index
          %parallel_loop3A_128 = tpu.vector_load %arg9[%parallel_loop3A_126, %parallel_loop3A_127] {strides = array<i32>} : memref<80x128xf32, #tpu.memory_space<vmem>>, vector<1x16xf32>,
          %parallel_loop3A_129 = vector.shape_cast %parallel_loop3A_128 : vector<1x16xf32> to vector<16xf32>
          %parallel_loop3A_130 = arith.index_cast %parallel_loop3A_89 : i32 to index
          %parallel_loop3A_131 = arith.constant 64 : index
          %parallel_loop3A_132 = tpu.vector_load %arg13[%parallel_loop3A_130, %parallel_loop3A_131] {strides = array<i32>} : memref<80x128xf32, #tpu.memory_space<vmem>>, vector<1x16xf32>,
          %parallel_loop3A_133 = vector.shape_cast %parallel_loop3A_132 : vector<1x16xf32> to vector<16xf32>
          %parallel_loop3A_134 = arith.mulf %parallel_loop3A_129, %parallel_loop3A_133 : vector<16xf32>
          %parallel_loop3A_135 = arith.index_cast %parallel_loop3A_89 : i32 to index
          %parallel_loop3A_136 = arith.constant 80 : index
          %parallel_loop3A_137 = tpu.vector_load %arg9[%parallel_loop3A_135, %parallel_loop3A_136] {strides = array<i32>} : memref<80x128xf32, #tpu.memory_space<vmem>>, vector<1x16xf32>,
          %parallel_loop3A_138 = vector.shape_cast %parallel_loop3A_137 : vector<1x16xf32> to vector<16xf32>
          %parallel_loop3A_139 = arith.index_cast %parallel_loop3A_89 : i32 to index
          %parallel_loop3A_140 = arith.constant 80 : index
          %parallel_loop3A_141 = tpu.vector_load %arg13[%parallel_loop3A_139, %parallel_loop3A_140] {strides = array<i32>} : memref<80x128xf32, #tpu.memory_space<vmem>>, vector<1x16xf32>,
          %parallel_loop3A_142 = vector.shape_cast %parallel_loop3A_141 : vector<1x16xf32> to vector<16xf32>
          %parallel_loop3A_143 = arith.mulf %parallel_loop3A_138, %parallel_loop3A_142 : vector<16xf32>
          %parallel_loop3A_144 = arith.index_cast %parallel_loop3A_89 : i32 to index
          %parallel_loop3A_145 = arith.constant 96 : index
          %parallel_loop3A_146 = tpu.vector_load %arg9[%parallel_loop3A_144, %parallel_loop3A_145] {strides = array<i32>} : memref<80x128xf32, #tpu.memory_space<vmem>>, vector<1x16xf32>,
          %parallel_loop3A_147 = vector.shape_cast %parallel_loop3A_146 : vector<1x16xf32> to vector<16xf32>
          %parallel_loop3A_148 = arith.index_cast %parallel_loop3A_89 : i32 to index
          %parallel_loop3A_149 = arith.constant 96 : index
          %parallel_loop3A_150 = tpu.vector_load %arg13[%parallel_loop3A_148, %parallel_loop3A_149] {strides = array<i32>} : memref<80x128xf32, #tpu.memory_space<vmem>>, vector<1x16xf32>,
          %parallel_loop3A_151 = vector.shape_cast %parallel_loop3A_150 : vector<1x16xf32> to vector<16xf32>
          %parallel_loop3A_152 = arith.mulf %parallel_loop3A_147, %parallel_loop3A_151 : vector<16xf32>
          %parallel_loop3A_153 = arith.index_cast %parallel_loop3A_89 : i32 to index
          %parallel_loop3A_154 = arith.constant 112 : index
          %parallel_loop3A_155 = tpu.vector_load %arg9[%parallel_loop3A_153, %parallel_loop3A_154] {strides = array<i32>} : memref<80x128xf32, #tpu.memory_space<vmem>>, vector<1x16xf32>,
          %parallel_loop3A_156 = vector.shape_cast %parallel_loop3A_155 : vector<1x16xf32> to vector<16xf32>
          %parallel_loop3A_157 = arith.index_cast %parallel_loop3A_89 : i32 to index
          %parallel_loop3A_158 = arith.constant 112 : index
          %parallel_loop3A_159 = tpu.vector_load %arg13[%parallel_loop3A_157, %parallel_loop3A_158] {strides = array<i32>} : memref<80x128xf32, #tpu.memory_space<vmem>>, vector<1x16xf32>,
          %parallel_loop3A_160 = vector.shape_cast %parallel_loop3A_159 : vector<1x16xf32> to vector<16xf32>
          %parallel_loop3A_161 = arith.mulf %parallel_loop3A_156, %parallel_loop3A_160 : vector<16xf32>
          %parallel_loop3A_162 = arith.addf %parallel_loop3A_98, %parallel_loop3A_107 : vector<16xf32>
          %parallel_loop3A_163 = arith.addf %parallel_loop3A_116, %parallel_loop3A_125 : vector<16xf32>
          %parallel_loop3A_164 = arith.addf %parallel_loop3A_134, %parallel_loop3A_143 : vector<16xf32>
          %parallel_loop3A_165 = arith.addf %parallel_loop3A_152, %parallel_loop3A_161 : vector<16xf32>
          %parallel_loop3A_166 = arith.addf %parallel_loop3A_162, %parallel_loop3A_163 : vector<16xf32>
          %parallel_loop3A_167 = arith.addf %parallel_loop3A_164, %parallel_loop3A_165 : vector<16xf32>
          %parallel_loop3A_168 = arith.addf %parallel_loop3A_166, %parallel_loop3A_167 : vector<16xf32>
          %parallel_loop3A_169 = arith.index_cast %parallel_loop3A_89 : i32 to index
          %parallel_loop3A_170 = arith.constant 0 : index
          %parallel_loop3A_171 = tpu.vector_load %arg18[%parallel_loop3A_169, %parallel_loop3A_170] {strides = array<i32>} : memref<80x16xf32, #tpu.memory_space<vmem>>, vector<1x16xf32>,
          %parallel_loop3A_172 = vector.shape_cast %parallel_loop3A_171 : vector<1x16xf32> to vector<16xf32>
          %parallel_loop3A_173 = vector.shape_cast %parallel_loop3A_168 : vector<16xf32> to vector<1x16xf32>
          tpu.vector_store %arg18[%parallel_loop3A_169, %parallel_loop3A_170], %parallel_loop3A_173 {strides = array<i32>} : memref<80x16xf32, #tpu.memory_space<vmem>>, vector<1x16xf32>,
        } {sc.loop_unroll_factor = 4 : i64, sc.parallel_access}
        %parallel_loop3A_86 = arith.constant 0 : i32
        %parallel_loop3A_87 = arith.constant 5 : i32
        %parallel_loop3A_88 = arith.constant 1 : i32
        scf.for %parallel_loop3A_89 = %parallel_loop3A_86 to %parallel_loop3A_87 step %parallel_loop3A_88  : i32 {
          %parallel_loop3A_90 = arith.constant 16 : i32
          %parallel_loop3A_91 = arith.muli %parallel_loop3A_89, %parallel_loop3A_90 : i32
          %parallel_loop3A_92 = arith.constant 0 : i32
          %parallel_loop3A_93 = arith.addi %parallel_loop3A_91, %parallel_loop3A_92 : i32
          %parallel_loop3A_94 = arith.index_cast %parallel_loop3A_93 : i32 to index
          %parallel_loop3A_95 = arith.constant 0 : index
          %parallel_loop3A_96 = tpu.vector_load %arg18[%parallel_loop3A_94, %parallel_loop3A_95] {strides = array<i32>} : memref<80x16xf32, #tpu.memory_space<vmem>>, vector<1x16xf32>,
          %parallel_loop3A_97 = vector.shape_cast %parallel_loop3A_96 : vector<1x16xf32> to vector<16xf32>
          %parallel_loop3A_98 = arith.constant 16 : i32
          %parallel_loop3A_99 = arith.muli %parallel_loop3A_89, %parallel_loop3A_98 : i32
          %parallel_loop3A_100 = arith.constant 8 : i32
          %parallel_loop3A_101 = arith.addi %parallel_loop3A_99, %parallel_loop3A_100 : i32
          %parallel_loop3A_102 = arith.index_cast %parallel_loop3A_101 : i32 to index
          %parallel_loop3A_103 = arith.constant 0 : index
          %parallel_loop3A_104 = tpu.vector_load %arg18[%parallel_loop3A_102, %parallel_loop3A_103] {strides = array<i32>} : memref<80x16xf32, #tpu.memory_space<vmem>>, vector<1x16xf32>,
          %parallel_loop3A_105 = vector.shape_cast %parallel_loop3A_104 : vector<1x16xf32> to vector<16xf32>
          %parallel_loop3A_106 = arith.constant 16 : i32
          %parallel_loop3A_107 = arith.muli %parallel_loop3A_89, %parallel_loop3A_106 : i32
          %parallel_loop3A_108 = arith.constant 4 : i32
          %parallel_loop3A_109 = arith.addi %parallel_loop3A_107, %parallel_loop3A_108 : i32
          %parallel_loop3A_110 = arith.index_cast %parallel_loop3A_109 : i32 to index
          %parallel_loop3A_111 = arith.constant 0 : index
          %parallel_loop3A_112 = tpu.vector_load %arg18[%parallel_loop3A_110, %parallel_loop3A_111] {strides = array<i32>} : memref<80x16xf32, #tpu.memory_space<vmem>>, vector<1x16xf32>,
          %parallel_loop3A_113 = vector.shape_cast %parallel_loop3A_112 : vector<1x16xf32> to vector<16xf32>
          %parallel_loop3A_114 = arith.constant 16 : i32
          %parallel_loop3A_115 = arith.muli %parallel_loop3A_89, %parallel_loop3A_114 : i32
          %parallel_loop3A_116 = arith.constant 12 : i32
          %parallel_loop3A_117 = arith.addi %parallel_loop3A_115, %parallel_loop3A_116 : i32
          %parallel_loop3A_118 = arith.index_cast %parallel_loop3A_117 : i32 to index
          %parallel_loop3A_119 = arith.constant 0 : index
          %parallel_loop3A_120 = tpu.vector_load %arg18[%parallel_loop3A_118, %parallel_loop3A_119] {strides = array<i32>} : memref<80x16xf32, #tpu.memory_space<vmem>>, vector<1x16xf32>,
          %parallel_loop3A_121 = vector.shape_cast %parallel_loop3A_120 : vector<1x16xf32> to vector<16xf32>
          %parallel_loop3A_122 = arith.constant 16 : i32
          %parallel_loop3A_123 = arith.muli %parallel_loop3A_89, %parallel_loop3A_122 : i32
          %parallel_loop3A_124 = arith.constant 2 : i32
          %parallel_loop3A_125 = arith.addi %parallel_loop3A_123, %parallel_loop3A_124 : i32
          %parallel_loop3A_126 = arith.index_cast %parallel_loop3A_125 : i32 to index
          %parallel_loop3A_127 = arith.constant 0 : index
          %parallel_loop3A_128 = tpu.vector_load %arg18[%parallel_loop3A_126, %parallel_loop3A_127] {strides = array<i32>} : memref<80x16xf32, #tpu.memory_space<vmem>>, vector<1x16xf32>,
          %parallel_loop3A_129 = vector.shape_cast %parallel_loop3A_128 : vector<1x16xf32> to vector<16xf32>
          %parallel_loop3A_130 = arith.constant 16 : i32
          %parallel_loop3A_131 = arith.muli %parallel_loop3A_89, %parallel_loop3A_130 : i32
          %parallel_loop3A_132 = arith.constant 10 : i32
          %parallel_loop3A_133 = arith.addi %parallel_loop3A_131, %parallel_loop3A_132 : i32
          %parallel_loop3A_134 = arith.index_cast %parallel_loop3A_133 : i32 to index
          %parallel_loop3A_135 = arith.constant 0 : index
          %parallel_loop3A_136 = tpu.vector_load %arg18[%parallel_loop3A_134, %parallel_loop3A_135] {strides = array<i32>} : memref<80x16xf32, #tpu.memory_space<vmem>>, vector<1x16xf32>,
          %parallel_loop3A_137 = vector.shape_cast %parallel_loop3A_136 : vector<1x16xf32> to vector<16xf32>
          %parallel_loop3A_138 = arith.constant 16 : i32
          %parallel_loop3A_139 = arith.muli %parallel_loop3A_89, %parallel_loop3A_138 : i32
          %parallel_loop3A_140 = arith.constant 6 : i32
          %parallel_loop3A_141 = arith.addi %parallel_loop3A_139, %parallel_loop3A_140 : i32
          %parallel_loop3A_142 = arith.index_cast %parallel_loop3A_141 : i32 to index
          %parallel_loop3A_143 = arith.constant 0 : index
          %parallel_loop3A_144 = tpu.vector_load %arg18[%parallel_loop3A_142, %parallel_loop3A_143] {strides = array<i32>} : memref<80x16xf32, #tpu.memory_space<vmem>>, vector<1x16xf32>,
          %parallel_loop3A_145 = vector.shape_cast %parallel_loop3A_144 : vector<1x16xf32> to vector<16xf32>
          %parallel_loop3A_146 = arith.constant 16 : i32
          %parallel_loop3A_147 = arith.muli %parallel_loop3A_89, %parallel_loop3A_146 : i32
          %parallel_loop3A_148 = arith.constant 14 : i32
          %parallel_loop3A_149 = arith.addi %parallel_loop3A_147, %parallel_loop3A_148 : i32
          %parallel_loop3A_150 = arith.index_cast %parallel_loop3A_149 : i32 to index
          %parallel_loop3A_151 = arith.constant 0 : index
          %parallel_loop3A_152 = tpu.vector_load %arg18[%parallel_loop3A_150, %parallel_loop3A_151] {strides = array<i32>} : memref<80x16xf32, #tpu.memory_space<vmem>>, vector<1x16xf32>,
          %parallel_loop3A_153 = vector.shape_cast %parallel_loop3A_152 : vector<1x16xf32> to vector<16xf32>
          %parallel_loop3A_154 = arith.constant 16 : i32
          %parallel_loop3A_155 = arith.muli %parallel_loop3A_89, %parallel_loop3A_154 : i32
          %parallel_loop3A_156 = arith.constant 1 : i32
          %parallel_loop3A_157 = arith.addi %parallel_loop3A_155, %parallel_loop3A_156 : i32
          %parallel_loop3A_158 = arith.index_cast %parallel_loop3A_157 : i32 to index
          %parallel_loop3A_159 = arith.constant 0 : index
          %parallel_loop3A_160 = tpu.vector_load %arg18[%parallel_loop3A_158, %parallel_loop3A_159] {strides = array<i32>} : memref<80x16xf32, #tpu.memory_space<vmem>>, vector<1x16xf32>,
          %parallel_loop3A_161 = vector.shape_cast %parallel_loop3A_160 : vector<1x16xf32> to vector<16xf32>
          %parallel_loop3A_162 = arith.constant 16 : i32
          %parallel_loop3A_163 = arith.muli %parallel_loop3A_89, %parallel_loop3A_162 : i32
          %parallel_loop3A_164 = arith.constant 9 : i32
          %parallel_loop3A_165 = arith.addi %parallel_loop3A_163, %parallel_loop3A_164 : i32
          %parallel_loop3A_166 = arith.index_cast %parallel_loop3A_165 : i32 to index
          %parallel_loop3A_167 = arith.constant 0 : index
          %parallel_loop3A_168 = tpu.vector_load %arg18[%parallel_loop3A_166, %parallel_loop3A_167] {strides = array<i32>} : memref<80x16xf32, #tpu.memory_space<vmem>>, vector<1x16xf32>,
          %parallel_loop3A_169 = vector.shape_cast %parallel_loop3A_168 : vector<1x16xf32> to vector<16xf32>
          %parallel_loop3A_170 = arith.constant 16 : i32
          %parallel_loop3A_171 = arith.muli %parallel_loop3A_89, %parallel_loop3A_170 : i32
          %parallel_loop3A_172 = arith.constant 5 : i32
          %parallel_loop3A_173 = arith.addi %parallel_loop3A_171, %parallel_loop3A_172 : i32
          %parallel_loop3A_174 = arith.index_cast %parallel_loop3A_173 : i32 to index
          %parallel_loop3A_175 = arith.constant 0 : index
          %parallel_loop3A_176 = tpu.vector_load %arg18[%parallel_loop3A_174, %parallel_loop3A_175] {strides = array<i32>} : memref<80x16xf32, #tpu.memory_space<vmem>>, vector<1x16xf32>,
          %parallel_loop3A_177 = vector.shape_cast %parallel_loop3A_176 : vector<1x16xf32> to vector<16xf32>
          %parallel_loop3A_178 = arith.constant 16 : i32
          %parallel_loop3A_179 = arith.muli %parallel_loop3A_89, %parallel_loop3A_178 : i32
          %parallel_loop3A_180 = arith.constant 13 : i32
          %parallel_loop3A_181 = arith.addi %parallel_loop3A_179, %parallel_loop3A_180 : i32
          %parallel_loop3A_182 = arith.index_cast %parallel_loop3A_181 : i32 to index
          %parallel_loop3A_183 = arith.constant 0 : index
          %parallel_loop3A_184 = tpu.vector_load %arg18[%parallel_loop3A_182, %parallel_loop3A_183] {strides = array<i32>} : memref<80x16xf32, #tpu.memory_space<vmem>>, vector<1x16xf32>,
          %parallel_loop3A_185 = vector.shape_cast %parallel_loop3A_184 : vector<1x16xf32> to vector<16xf32>
          %parallel_loop3A_186 = arith.constant 16 : i32
          %parallel_loop3A_187 = arith.muli %parallel_loop3A_89, %parallel_loop3A_186 : i32
          %parallel_loop3A_188 = arith.constant 3 : i32
          %parallel_loop3A_189 = arith.addi %parallel_loop3A_187, %parallel_loop3A_188 : i32
          %parallel_loop3A_190 = arith.index_cast %parallel_loop3A_189 : i32 to index
          %parallel_loop3A_191 = arith.constant 0 : index
          %parallel_loop3A_192 = tpu.vector_load %arg18[%parallel_loop3A_190, %parallel_loop3A_191] {strides = array<i32>} : memref<80x16xf32, #tpu.memory_space<vmem>>, vector<1x16xf32>,
          %parallel_loop3A_193 = vector.shape_cast %parallel_loop3A_192 : vector<1x16xf32> to vector<16xf32>
          %parallel_loop3A_194 = arith.constant 16 : i32
          %parallel_loop3A_195 = arith.muli %parallel_loop3A_89, %parallel_loop3A_194 : i32
          %parallel_loop3A_196 = arith.constant 11 : i32
          %parallel_loop3A_197 = arith.addi %parallel_loop3A_195, %parallel_loop3A_196 : i32
          %parallel_loop3A_198 = arith.index_cast %parallel_loop3A_197 : i32 to index
          %parallel_loop3A_199 = arith.constant 0 : index
          %parallel_loop3A_200 = tpu.vector_load %arg18[%parallel_loop3A_198, %parallel_loop3A_199] {strides = array<i32>} : memref<80x16xf32, #tpu.memory_space<vmem>>, vector<1x16xf32>,
          %parallel_loop3A_201 = vector.shape_cast %parallel_loop3A_200 : vector<1x16xf32> to vector<16xf32>
          %parallel_loop3A_202 = arith.constant 16 : i32
          %parallel_loop3A_203 = arith.muli %parallel_loop3A_89, %parallel_loop3A_202 : i32
          %parallel_loop3A_204 = arith.constant 7 : i32
          %parallel_loop3A_205 = arith.addi %parallel_loop3A_203, %parallel_loop3A_204 : i32
          %parallel_loop3A_206 = arith.index_cast %parallel_loop3A_205 : i32 to index
          %parallel_loop3A_207 = arith.constant 0 : index
          %parallel_loop3A_208 = tpu.vector_load %arg18[%parallel_loop3A_206, %parallel_loop3A_207] {strides = array<i32>} : memref<80x16xf32, #tpu.memory_space<vmem>>, vector<1x16xf32>,
          %parallel_loop3A_209 = vector.shape_cast %parallel_loop3A_208 : vector<1x16xf32> to vector<16xf32>
          %parallel_loop3A_210 = arith.constant 16 : i32
          %parallel_loop3A_211 = arith.muli %parallel_loop3A_89, %parallel_loop3A_210 : i32
          %parallel_loop3A_212 = arith.constant 15 : i32
          %parallel_loop3A_213 = arith.addi %parallel_loop3A_211, %parallel_loop3A_212 : i32
          %parallel_loop3A_214 = arith.index_cast %parallel_loop3A_213 : i32 to index
          %parallel_loop3A_215 = arith.constant 0 : index
          %parallel_loop3A_216 = tpu.vector_load %arg18[%parallel_loop3A_214, %parallel_loop3A_215] {strides = array<i32>} : memref<80x16xf32, #tpu.memory_space<vmem>>, vector<1x16xf32>,
          %parallel_loop3A_217 = vector.shape_cast %parallel_loop3A_216 : vector<1x16xf32> to vector<16xf32>
          %parallel_loop3A_218 = arith.constant 8 : i32
          %parallel_loop3A_219 = vector.broadcast %parallel_loop3A_218 : i32 to vector<16xi32>
          %parallel_loop3A_220 = arith.andi %iota3A, %parallel_loop3A_219 : vector<16xi32>
          %parallel_loop3A_221 = arith.constant 0 : i32
          %parallel_loop3A_222 = vector.broadcast %parallel_loop3A_221 : i32 to vector<16xi32>
          %parallel_loop3A_223 = arith.cmpi eq, %parallel_loop3A_220, %parallel_loop3A_222 : vector<16xi32>
          %parallel_loop3A_224 = arith.constant 8 : i32
          %parallel_loop3A_225 = vector.broadcast %parallel_loop3A_224 : i32 to vector<16xi32>
          %parallel_loop3A_226 = arith.xori %iota3A, %parallel_loop3A_225 : vector<16xi32>
          %parallel_loop3A_227 = vector.shape_cast %parallel_loop3A_226 : vector<16xi32> to vector<16x1xi32>
          %parallel_loop3A_228 = vector.shape_cast %parallel_loop3A_227 : vector<16x1xi32> to vector<16xi32>
          %parallel_loop3A_229 = tpu.dynamic_gather %parallel_loop3A_105[%parallel_loop3A_228] in [0] : vector<16xf32>, vector<16xi32> -> vector<16xf32>
          %parallel_loop3A_230 = arith.select %parallel_loop3A_223, %parallel_loop3A_97, %parallel_loop3A_229 : vector<16xi1>, vector<16xf32>
          %parallel_loop3A_231 = vector.shape_cast %parallel_loop3A_226 : vector<16xi32> to vector<16x1xi32>
          %parallel_loop3A_232 = vector.shape_cast %parallel_loop3A_231 : vector<16x1xi32> to vector<16xi32>
          %parallel_loop3A_233 = tpu.dynamic_gather %parallel_loop3A_97[%parallel_loop3A_232] in [0] : vector<16xf32>, vector<16xi32> -> vector<16xf32>
          %parallel_loop3A_234 = arith.select %parallel_loop3A_223, %parallel_loop3A_233, %parallel_loop3A_105 : vector<16xi1>, vector<16xf32>
          %parallel_loop3A_235 = arith.addf %parallel_loop3A_230, %parallel_loop3A_234 : vector<16xf32>
          %parallel_loop3A_236 = vector.shape_cast %parallel_loop3A_226 : vector<16xi32> to vector<16x1xi32>
          %parallel_loop3A_237 = vector.shape_cast %parallel_loop3A_236 : vector<16x1xi32> to vector<16xi32>
          %parallel_loop3A_238 = tpu.dynamic_gather %parallel_loop3A_121[%parallel_loop3A_237] in [0] : vector<16xf32>, vector<16xi32> -> vector<16xf32>
          %parallel_loop3A_239 = arith.select %parallel_loop3A_223, %parallel_loop3A_113, %parallel_loop3A_238 : vector<16xi1>, vector<16xf32>
          %parallel_loop3A_240 = vector.shape_cast %parallel_loop3A_226 : vector<16xi32> to vector<16x1xi32>
          %parallel_loop3A_241 = vector.shape_cast %parallel_loop3A_240 : vector<16x1xi32> to vector<16xi32>
          %parallel_loop3A_242 = tpu.dynamic_gather %parallel_loop3A_113[%parallel_loop3A_241] in [0] : vector<16xf32>, vector<16xi32> -> vector<16xf32>
          %parallel_loop3A_243 = arith.select %parallel_loop3A_223, %parallel_loop3A_242, %parallel_loop3A_121 : vector<16xi1>, vector<16xf32>
          %parallel_loop3A_244 = arith.addf %parallel_loop3A_239, %parallel_loop3A_243 : vector<16xf32>
          %parallel_loop3A_245 = vector.shape_cast %parallel_loop3A_226 : vector<16xi32> to vector<16x1xi32>
          %parallel_loop3A_246 = vector.shape_cast %parallel_loop3A_245 : vector<16x1xi32> to vector<16xi32>
          %parallel_loop3A_247 = tpu.dynamic_gather %parallel_loop3A_137[%parallel_loop3A_246] in [0] : vector<16xf32>, vector<16xi32> -> vector<16xf32>
          %parallel_loop3A_248 = arith.select %parallel_loop3A_223, %parallel_loop3A_129, %parallel_loop3A_247 : vector<16xi1>, vector<16xf32>
          %parallel_loop3A_249 = vector.shape_cast %parallel_loop3A_226 : vector<16xi32> to vector<16x1xi32>
          %parallel_loop3A_250 = vector.shape_cast %parallel_loop3A_249 : vector<16x1xi32> to vector<16xi32>
          %parallel_loop3A_251 = tpu.dynamic_gather %parallel_loop3A_129[%parallel_loop3A_250] in [0] : vector<16xf32>, vector<16xi32> -> vector<16xf32>
          %parallel_loop3A_252 = arith.select %parallel_loop3A_223, %parallel_loop3A_251, %parallel_loop3A_137 : vector<16xi1>, vector<16xf32>
          %parallel_loop3A_253 = arith.addf %parallel_loop3A_248, %parallel_loop3A_252 : vector<16xf32>
          %parallel_loop3A_254 = vector.shape_cast %parallel_loop3A_226 : vector<16xi32> to vector<16x1xi32>
          %parallel_loop3A_255 = vector.shape_cast %parallel_loop3A_254 : vector<16x1xi32> to vector<16xi32>
          %parallel_loop3A_256 = tpu.dynamic_gather %parallel_loop3A_153[%parallel_loop3A_255] in [0] : vector<16xf32>, vector<16xi32> -> vector<16xf32>
          %parallel_loop3A_257 = arith.select %parallel_loop3A_223, %parallel_loop3A_145, %parallel_loop3A_256 : vector<16xi1>, vector<16xf32>
          %parallel_loop3A_258 = vector.shape_cast %parallel_loop3A_226 : vector<16xi32> to vector<16x1xi32>
          %parallel_loop3A_259 = vector.shape_cast %parallel_loop3A_258 : vector<16x1xi32> to vector<16xi32>
          %parallel_loop3A_260 = tpu.dynamic_gather %parallel_loop3A_145[%parallel_loop3A_259] in [0] : vector<16xf32>, vector<16xi32> -> vector<16xf32>
          %parallel_loop3A_261 = arith.select %parallel_loop3A_223, %parallel_loop3A_260, %parallel_loop3A_153 : vector<16xi1>, vector<16xf32>
          %parallel_loop3A_262 = arith.addf %parallel_loop3A_257, %parallel_loop3A_261 : vector<16xf32>
          %parallel_loop3A_263 = vector.shape_cast %parallel_loop3A_226 : vector<16xi32> to vector<16x1xi32>
          %parallel_loop3A_264 = vector.shape_cast %parallel_loop3A_263 : vector<16x1xi32> to vector<16xi32>
          %parallel_loop3A_265 = tpu.dynamic_gather %parallel_loop3A_169[%parallel_loop3A_264] in [0] : vector<16xf32>, vector<16xi32> -> vector<16xf32>
          %parallel_loop3A_266 = arith.select %parallel_loop3A_223, %parallel_loop3A_161, %parallel_loop3A_265 : vector<16xi1>, vector<16xf32>
          %parallel_loop3A_267 = vector.shape_cast %parallel_loop3A_226 : vector<16xi32> to vector<16x1xi32>
          %parallel_loop3A_268 = vector.shape_cast %parallel_loop3A_267 : vector<16x1xi32> to vector<16xi32>
          %parallel_loop3A_269 = tpu.dynamic_gather %parallel_loop3A_161[%parallel_loop3A_268] in [0] : vector<16xf32>, vector<16xi32> -> vector<16xf32>
          %parallel_loop3A_270 = arith.select %parallel_loop3A_223, %parallel_loop3A_269, %parallel_loop3A_169 : vector<16xi1>, vector<16xf32>
          %parallel_loop3A_271 = arith.addf %parallel_loop3A_266, %parallel_loop3A_270 : vector<16xf32>
          %parallel_loop3A_272 = vector.shape_cast %parallel_loop3A_226 : vector<16xi32> to vector<16x1xi32>
          %parallel_loop3A_273 = vector.shape_cast %parallel_loop3A_272 : vector<16x1xi32> to vector<16xi32>
          %parallel_loop3A_274 = tpu.dynamic_gather %parallel_loop3A_185[%parallel_loop3A_273] in [0] : vector<16xf32>, vector<16xi32> -> vector<16xf32>
          %parallel_loop3A_275 = arith.select %parallel_loop3A_223, %parallel_loop3A_177, %parallel_loop3A_274 : vector<16xi1>, vector<16xf32>
          %parallel_loop3A_276 = vector.shape_cast %parallel_loop3A_226 : vector<16xi32> to vector<16x1xi32>
          %parallel_loop3A_277 = vector.shape_cast %parallel_loop3A_276 : vector<16x1xi32> to vector<16xi32>
          %parallel_loop3A_278 = tpu.dynamic_gather %parallel_loop3A_177[%parallel_loop3A_277] in [0] : vector<16xf32>, vector<16xi32> -> vector<16xf32>
          %parallel_loop3A_279 = arith.select %parallel_loop3A_223, %parallel_loop3A_278, %parallel_loop3A_185 : vector<16xi1>, vector<16xf32>
          %parallel_loop3A_280 = arith.addf %parallel_loop3A_275, %parallel_loop3A_279 : vector<16xf32>
          %parallel_loop3A_281 = vector.shape_cast %parallel_loop3A_226 : vector<16xi32> to vector<16x1xi32>
          %parallel_loop3A_282 = vector.shape_cast %parallel_loop3A_281 : vector<16x1xi32> to vector<16xi32>
          %parallel_loop3A_283 = tpu.dynamic_gather %parallel_loop3A_201[%parallel_loop3A_282] in [0] : vector<16xf32>, vector<16xi32> -> vector<16xf32>
          %parallel_loop3A_284 = arith.select %parallel_loop3A_223, %parallel_loop3A_193, %parallel_loop3A_283 : vector<16xi1>, vector<16xf32>
          %parallel_loop3A_285 = vector.shape_cast %parallel_loop3A_226 : vector<16xi32> to vector<16x1xi32>
          %parallel_loop3A_286 = vector.shape_cast %parallel_loop3A_285 : vector<16x1xi32> to vector<16xi32>
          %parallel_loop3A_287 = tpu.dynamic_gather %parallel_loop3A_193[%parallel_loop3A_286] in [0] : vector<16xf32>, vector<16xi32> -> vector<16xf32>
          %parallel_loop3A_288 = arith.select %parallel_loop3A_223, %parallel_loop3A_287, %parallel_loop3A_201 : vector<16xi1>, vector<16xf32>
          %parallel_loop3A_289 = arith.addf %parallel_loop3A_284, %parallel_loop3A_288 : vector<16xf32>
          %parallel_loop3A_290 = vector.shape_cast %parallel_loop3A_226 : vector<16xi32> to vector<16x1xi32>
          %parallel_loop3A_291 = vector.shape_cast %parallel_loop3A_290 : vector<16x1xi32> to vector<16xi32>
          %parallel_loop3A_292 = tpu.dynamic_gather %parallel_loop3A_217[%parallel_loop3A_291] in [0] : vector<16xf32>, vector<16xi32> -> vector<16xf32>
          %parallel_loop3A_293 = arith.select %parallel_loop3A_223, %parallel_loop3A_209, %parallel_loop3A_292 : vector<16xi1>, vector<16xf32>
          %parallel_loop3A_294 = vector.shape_cast %parallel_loop3A_226 : vector<16xi32> to vector<16x1xi32>
          %parallel_loop3A_295 = vector.shape_cast %parallel_loop3A_294 : vector<16x1xi32> to vector<16xi32>
          %parallel_loop3A_296 = tpu.dynamic_gather %parallel_loop3A_209[%parallel_loop3A_295] in [0] : vector<16xf32>, vector<16xi32> -> vector<16xf32>
          %parallel_loop3A_297 = arith.select %parallel_loop3A_223, %parallel_loop3A_296, %parallel_loop3A_217 : vector<16xi1>, vector<16xf32>
          %parallel_loop3A_298 = arith.addf %parallel_loop3A_293, %parallel_loop3A_297 : vector<16xf32>
          %parallel_loop3A_299 = arith.constant 4 : i32
          %parallel_loop3A_300 = vector.broadcast %parallel_loop3A_299 : i32 to vector<16xi32>
          %parallel_loop3A_301 = arith.andi %iota3A, %parallel_loop3A_300 : vector<16xi32>
          %parallel_loop3A_302 = arith.constant 0 : i32
          %parallel_loop3A_303 = vector.broadcast %parallel_loop3A_302 : i32 to vector<16xi32>
          %parallel_loop3A_304 = arith.cmpi eq, %parallel_loop3A_301, %parallel_loop3A_303 : vector<16xi32>
          %parallel_loop3A_305 = arith.constant 4 : i32
          %parallel_loop3A_306 = vector.broadcast %parallel_loop3A_305 : i32 to vector<16xi32>
          %parallel_loop3A_307 = arith.xori %iota3A, %parallel_loop3A_306 : vector<16xi32>
          %parallel_loop3A_308 = vector.shape_cast %parallel_loop3A_307 : vector<16xi32> to vector<16x1xi32>
          %parallel_loop3A_309 = vector.shape_cast %parallel_loop3A_308 : vector<16x1xi32> to vector<16xi32>
          %parallel_loop3A_310 = tpu.dynamic_gather %parallel_loop3A_244[%parallel_loop3A_309] in [0] : vector<16xf32>, vector<16xi32> -> vector<16xf32>
          %parallel_loop3A_311 = arith.select %parallel_loop3A_304, %parallel_loop3A_235, %parallel_loop3A_310 : vector<16xi1>, vector<16xf32>
          %parallel_loop3A_312 = vector.shape_cast %parallel_loop3A_307 : vector<16xi32> to vector<16x1xi32>
          %parallel_loop3A_313 = vector.shape_cast %parallel_loop3A_312 : vector<16x1xi32> to vector<16xi32>
          %parallel_loop3A_314 = tpu.dynamic_gather %parallel_loop3A_235[%parallel_loop3A_313] in [0] : vector<16xf32>, vector<16xi32> -> vector<16xf32>
          %parallel_loop3A_315 = arith.select %parallel_loop3A_304, %parallel_loop3A_314, %parallel_loop3A_244 : vector<16xi1>, vector<16xf32>
          %parallel_loop3A_316 = arith.addf %parallel_loop3A_311, %parallel_loop3A_315 : vector<16xf32>
          %parallel_loop3A_317 = vector.shape_cast %parallel_loop3A_307 : vector<16xi32> to vector<16x1xi32>
          %parallel_loop3A_318 = vector.shape_cast %parallel_loop3A_317 : vector<16x1xi32> to vector<16xi32>
          %parallel_loop3A_319 = tpu.dynamic_gather %parallel_loop3A_262[%parallel_loop3A_318] in [0] : vector<16xf32>, vector<16xi32> -> vector<16xf32>
          %parallel_loop3A_320 = arith.select %parallel_loop3A_304, %parallel_loop3A_253, %parallel_loop3A_319 : vector<16xi1>, vector<16xf32>
          %parallel_loop3A_321 = vector.shape_cast %parallel_loop3A_307 : vector<16xi32> to vector<16x1xi32>
          %parallel_loop3A_322 = vector.shape_cast %parallel_loop3A_321 : vector<16x1xi32> to vector<16xi32>
          %parallel_loop3A_323 = tpu.dynamic_gather %parallel_loop3A_253[%parallel_loop3A_322] in [0] : vector<16xf32>, vector<16xi32> -> vector<16xf32>
          %parallel_loop3A_324 = arith.select %parallel_loop3A_304, %parallel_loop3A_323, %parallel_loop3A_262 : vector<16xi1>, vector<16xf32>
          %parallel_loop3A_325 = arith.addf %parallel_loop3A_320, %parallel_loop3A_324 : vector<16xf32>
          %parallel_loop3A_326 = vector.shape_cast %parallel_loop3A_307 : vector<16xi32> to vector<16x1xi32>
          %parallel_loop3A_327 = vector.shape_cast %parallel_loop3A_326 : vector<16x1xi32> to vector<16xi32>
          %parallel_loop3A_328 = tpu.dynamic_gather %parallel_loop3A_280[%parallel_loop3A_327] in [0] : vector<16xf32>, vector<16xi32> -> vector<16xf32>
          %parallel_loop3A_329 = arith.select %parallel_loop3A_304, %parallel_loop3A_271, %parallel_loop3A_328 : vector<16xi1>, vector<16xf32>
          %parallel_loop3A_330 = vector.shape_cast %parallel_loop3A_307 : vector<16xi32> to vector<16x1xi32>
          %parallel_loop3A_331 = vector.shape_cast %parallel_loop3A_330 : vector<16x1xi32> to vector<16xi32>
          %parallel_loop3A_332 = tpu.dynamic_gather %parallel_loop3A_271[%parallel_loop3A_331] in [0] : vector<16xf32>, vector<16xi32> -> vector<16xf32>
          %parallel_loop3A_333 = arith.select %parallel_loop3A_304, %parallel_loop3A_332, %parallel_loop3A_280 : vector<16xi1>, vector<16xf32>
          %parallel_loop3A_334 = arith.addf %parallel_loop3A_329, %parallel_loop3A_333 : vector<16xf32>
          %parallel_loop3A_335 = vector.shape_cast %parallel_loop3A_307 : vector<16xi32> to vector<16x1xi32>
          %parallel_loop3A_336 = vector.shape_cast %parallel_loop3A_335 : vector<16x1xi32> to vector<16xi32>
          %parallel_loop3A_337 = tpu.dynamic_gather %parallel_loop3A_298[%parallel_loop3A_336] in [0] : vector<16xf32>, vector<16xi32> -> vector<16xf32>
          %parallel_loop3A_338 = arith.select %parallel_loop3A_304, %parallel_loop3A_289, %parallel_loop3A_337 : vector<16xi1>, vector<16xf32>
          %parallel_loop3A_339 = vector.shape_cast %parallel_loop3A_307 : vector<16xi32> to vector<16x1xi32>
          %parallel_loop3A_340 = vector.shape_cast %parallel_loop3A_339 : vector<16x1xi32> to vector<16xi32>
          %parallel_loop3A_341 = tpu.dynamic_gather %parallel_loop3A_289[%parallel_loop3A_340] in [0] : vector<16xf32>, vector<16xi32> -> vector<16xf32>
          %parallel_loop3A_342 = arith.select %parallel_loop3A_304, %parallel_loop3A_341, %parallel_loop3A_298 : vector<16xi1>, vector<16xf32>
          %parallel_loop3A_343 = arith.addf %parallel_loop3A_338, %parallel_loop3A_342 : vector<16xf32>
          %parallel_loop3A_344 = arith.constant 2 : i32
          %parallel_loop3A_345 = vector.broadcast %parallel_loop3A_344 : i32 to vector<16xi32>
          %parallel_loop3A_346 = arith.andi %iota3A, %parallel_loop3A_345 : vector<16xi32>
          %parallel_loop3A_347 = arith.constant 0 : i32
          %parallel_loop3A_348 = vector.broadcast %parallel_loop3A_347 : i32 to vector<16xi32>
          %parallel_loop3A_349 = arith.cmpi eq, %parallel_loop3A_346, %parallel_loop3A_348 : vector<16xi32>
          %parallel_loop3A_350 = arith.constant 2 : i32
          %parallel_loop3A_351 = vector.broadcast %parallel_loop3A_350 : i32 to vector<16xi32>
          %parallel_loop3A_352 = arith.xori %iota3A, %parallel_loop3A_351 : vector<16xi32>
          %parallel_loop3A_353 = vector.shape_cast %parallel_loop3A_352 : vector<16xi32> to vector<16x1xi32>
          %parallel_loop3A_354 = vector.shape_cast %parallel_loop3A_353 : vector<16x1xi32> to vector<16xi32>
          %parallel_loop3A_355 = tpu.dynamic_gather %parallel_loop3A_325[%parallel_loop3A_354] in [0] : vector<16xf32>, vector<16xi32> -> vector<16xf32>
          %parallel_loop3A_356 = arith.select %parallel_loop3A_349, %parallel_loop3A_316, %parallel_loop3A_355 : vector<16xi1>, vector<16xf32>
          %parallel_loop3A_357 = vector.shape_cast %parallel_loop3A_352 : vector<16xi32> to vector<16x1xi32>
          %parallel_loop3A_358 = vector.shape_cast %parallel_loop3A_357 : vector<16x1xi32> to vector<16xi32>
          %parallel_loop3A_359 = tpu.dynamic_gather %parallel_loop3A_316[%parallel_loop3A_358] in [0] : vector<16xf32>, vector<16xi32> -> vector<16xf32>
          %parallel_loop3A_360 = arith.select %parallel_loop3A_349, %parallel_loop3A_359, %parallel_loop3A_325 : vector<16xi1>, vector<16xf32>
          %parallel_loop3A_361 = arith.addf %parallel_loop3A_356, %parallel_loop3A_360 : vector<16xf32>
          %parallel_loop3A_362 = vector.shape_cast %parallel_loop3A_352 : vector<16xi32> to vector<16x1xi32>
          %parallel_loop3A_363 = vector.shape_cast %parallel_loop3A_362 : vector<16x1xi32> to vector<16xi32>
          %parallel_loop3A_364 = tpu.dynamic_gather %parallel_loop3A_343[%parallel_loop3A_363] in [0] : vector<16xf32>, vector<16xi32> -> vector<16xf32>
          %parallel_loop3A_365 = arith.select %parallel_loop3A_349, %parallel_loop3A_334, %parallel_loop3A_364 : vector<16xi1>, vector<16xf32>
          %parallel_loop3A_366 = vector.shape_cast %parallel_loop3A_352 : vector<16xi32> to vector<16x1xi32>
          %parallel_loop3A_367 = vector.shape_cast %parallel_loop3A_366 : vector<16x1xi32> to vector<16xi32>
          %parallel_loop3A_368 = tpu.dynamic_gather %parallel_loop3A_334[%parallel_loop3A_367] in [0] : vector<16xf32>, vector<16xi32> -> vector<16xf32>
          %parallel_loop3A_369 = arith.select %parallel_loop3A_349, %parallel_loop3A_368, %parallel_loop3A_343 : vector<16xi1>, vector<16xf32>
          %parallel_loop3A_370 = arith.addf %parallel_loop3A_365, %parallel_loop3A_369 : vector<16xf32>
          %parallel_loop3A_371 = arith.constant 1 : i32
          %parallel_loop3A_372 = vector.broadcast %parallel_loop3A_371 : i32 to vector<16xi32>
          %parallel_loop3A_373 = arith.andi %iota3A, %parallel_loop3A_372 : vector<16xi32>
          %parallel_loop3A_374 = arith.constant 0 : i32
          %parallel_loop3A_375 = vector.broadcast %parallel_loop3A_374 : i32 to vector<16xi32>
          %parallel_loop3A_376 = arith.cmpi eq, %parallel_loop3A_373, %parallel_loop3A_375 : vector<16xi32>
          %parallel_loop3A_377 = arith.constant 1 : i32
          %parallel_loop3A_378 = vector.broadcast %parallel_loop3A_377 : i32 to vector<16xi32>
          %parallel_loop3A_379 = arith.xori %iota3A, %parallel_loop3A_378 : vector<16xi32>
          %parallel_loop3A_380 = vector.shape_cast %parallel_loop3A_379 : vector<16xi32> to vector<16x1xi32>
          %parallel_loop3A_381 = vector.shape_cast %parallel_loop3A_380 : vector<16x1xi32> to vector<16xi32>
          %parallel_loop3A_382 = tpu.dynamic_gather %parallel_loop3A_370[%parallel_loop3A_381] in [0] : vector<16xf32>, vector<16xi32> -> vector<16xf32>
          %parallel_loop3A_383 = arith.select %parallel_loop3A_376, %parallel_loop3A_361, %parallel_loop3A_382 : vector<16xi1>, vector<16xf32>
          %parallel_loop3A_384 = vector.shape_cast %parallel_loop3A_379 : vector<16xi32> to vector<16x1xi32>
          %parallel_loop3A_385 = vector.shape_cast %parallel_loop3A_384 : vector<16x1xi32> to vector<16xi32>
          %parallel_loop3A_386 = tpu.dynamic_gather %parallel_loop3A_361[%parallel_loop3A_385] in [0] : vector<16xf32>, vector<16xi32> -> vector<16xf32>
          %parallel_loop3A_387 = arith.select %parallel_loop3A_376, %parallel_loop3A_386, %parallel_loop3A_370 : vector<16xi1>, vector<16xf32>
          %parallel_loop3A_388 = arith.addf %parallel_loop3A_383, %parallel_loop3A_387 : vector<16xf32>
          %parallel_loop3A_389 = arith.constant 80 : i32
          %parallel_loop3A_390 = arith.muli %add3A_41, %parallel_loop3A_389 : i32
          %parallel_loop3A_391 = arith.constant 16 : i32
          %parallel_loop3A_392 = arith.muli %parallel_loop3A_89, %parallel_loop3A_391 : i32
          %parallel_loop3A_393 = arith.addi %parallel_loop3A_390, %parallel_loop3A_392 : i32
          %parallel_loop3A_394 = arith.index_cast %parallel_loop3A_393 : i32 to index
          %parallel_loop3A_395 = tpu.vector_load %arg17[%parallel_loop3A_394] {strides = array<i32>} : memref<10000xf32, #tpu.memory_space<vmem>>, vector<16xf32>,
          %parallel_loop3A_396 = vector.shape_cast %parallel_loop3A_395 : vector<16xf32> to vector<16xf32>
          %parallel_loop3A_397 = vector.shape_cast %parallel_loop3A_388 : vector<16xf32> to vector<16xf32>
          tpu.vector_store %arg17[%parallel_loop3A_394], %parallel_loop3A_397 {strides = array<i32>} : memref<10000xf32, #tpu.memory_space<vmem>>, vector<16xf32>,
        } {sc.loop_unroll_factor = 1 : i64, sc.parallel_access}
      } else {
      }
      %add3A_44 = arith.constant 1 : i32
      %add3A_45 = arith.addi %mul3A_39, %add3A_44 : i32
      %lt3A_46 = arith.constant 125 : i32
      %lt3A_47 = arith.cmpi slt, %add3A_45, %lt3A_46 : i32
      %convert_element_type3A_48 = arith.extui %lt3A_47 : i1 to i32
      %cond3A_49 = arith.constant 0 : i32
      %cond3A_50 = arith.cmpi ne, %convert_element_type3A_48, %cond3A_49 : i32
      scf.if %cond3A_50 {
        %add3A_65 = arith.constant 4 : i32
        %add3A_66 = arith.addi %add3A_45, %add3A_65 : i32
        %sub3A = arith.constant 1 : i32
        %sub3A_67 = arith.subi %add3A_66, %sub3A : i32
        %lt3A_68 = arith.constant 125 : i32
        %lt3A_69 = arith.cmpi slt, %sub3A_67, %lt3A_68 : i32
        %convert_element_type3A_70 = arith.extui %lt3A_69 : i1 to i32
        %cond3A_71 = arith.constant 0 : i32
        %cond3A_72 = arith.cmpi ne, %convert_element_type3A_70, %cond3A_71 : i32
        scf.if %cond3A_72 {
          %add3A_89 = arith.constant 4 : i32
          %add3A_90 = arith.addi %add3A_45, %add3A_89 : i32
          %sub3A_91 = arith.constant 1 : i32
          %sub3A_92 = arith.subi %add3A_90, %sub3A_91 : i32
          %mul3A_93 = arith.constant 80 : i32
          %mul3A_94 = arith.muli %sub3A_92, %mul3A_93 : i32
          %mul3A_95 = arith.constant 80 : i32
          %mul3A_96 = arith.muli %sub3A_92, %mul3A_95 : i32
          %dma_start3A_97 = tpu.memref_slice %arg7[%mul3A_94] : memref<10000xi32, #tpu.memory_space<vmem>> -> memref<80xi32, #tpu.memory_space<vmem>>
          %dma_start3A_98 = arith.constant 0 : i32
          %dma_start3A_99 = arith.constant 0 : i32
          %dma_start3A_100 = tpu.memref_slice %arg2[%dma_start3A_98, %dma_start3A_99] : memref<10000x128xf32, #tpu.memory_space<hbm>> -> memref<10000x128xf32, #tpu.memory_space<hbm>>
          tpu.enqueue_indirect_dma source(%dma_start3A_100 : memref<10000x128xf32, #tpu.memory_space<hbm>>) target(%arg9 : memref<80x128xf32, #tpu.memory_space<vmem>>) offsets(%dma_start3A_97 : memref<80xi32, #tpu.memory_space<vmem>>) semaphore(%arg19 : memref<!tpu.dma_semaphore, #tpu.memory_space<semaphore_mem>>)
          %dma_start3A_101 = tpu.memref_slice %arg8[%mul3A_96] : memref<10000xi32, #tpu.memory_space<vmem>> -> memref<80xi32, #tpu.memory_space<vmem>>
          %dma_start3A_102 = arith.constant 0 : i32
          %dma_start3A_103 = arith.constant 0 : i32
          %dma_start3A_104 = tpu.memref_slice %arg3[%dma_start3A_102, %dma_start3A_103] : memref<10000x128xf32, #tpu.memory_space<hbm>> -> memref<10000x128xf32, #tpu.memory_space<hbm>>
          tpu.enqueue_indirect_dma source(%dma_start3A_104 : memref<10000x128xf32, #tpu.memory_space<hbm>>) target(%arg13 : memref<80x128xf32, #tpu.memory_space<vmem>>) offsets(%dma_start3A_101 : memref<80xi32, #tpu.memory_space<vmem>>) semaphore(%arg23 : memref<!tpu.dma_semaphore, #tpu.memory_space<semaphore_mem>>)
        } else {
        }
        %mul3A_73 = arith.constant 80 : i32
        %mul3A_74 = arith.muli %add3A_45, %mul3A_73 : i32
        %mul3A_75 = arith.constant 80 : i32
        %mul3A_76 = arith.muli %add3A_45, %mul3A_75 : i32
        %dma_wait3A = tpu.memref_slice %arg7[%mul3A_74] : memref<10000xi32, #tpu.memory_space<vmem>> -> memref<80xi32, #tpu.memory_space<vmem>>
        %dma_wait3A_77 = arith.constant 0 : i32
        %dma_wait3A_78 = arith.constant 0 : i32
        %dma_wait3A_79 = tpu.memref_slice %arg2[%dma_wait3A_77, %dma_wait3A_78] : memref<10000x128xf32, #tpu.memory_space<hbm>> -> memref<10000x128xf32, #tpu.memory_space<hbm>>
        tpu.wait_indirect_dma semaphore(%arg20 : memref<!tpu.dma_semaphore, #tpu.memory_space<semaphore_mem>>) src(%dma_wait3A_79 : memref<10000x128xf32, #tpu.memory_space<hbm>>) dst(%arg10 : memref<80x128xf32, #tpu.memory_space<vmem>>)
        %dma_wait3A_80 = tpu.memref_slice %arg8[%mul3A_76] : memref<10000xi32, #tpu.memory_space<vmem>> -> memref<80xi32, #tpu.memory_space<vmem>>
        %dma_wait3A_81 = arith.constant 0 : i32
        %dma_wait3A_82 = arith.constant 0 : i32
        %dma_wait3A_83 = tpu.memref_slice %arg3[%dma_wait3A_81, %dma_wait3A_82] : memref<10000x128xf32, #tpu.memory_space<hbm>> -> memref<10000x128xf32, #tpu.memory_space<hbm>>
        tpu.wait_indirect_dma semaphore(%arg24 : memref<!tpu.dma_semaphore, #tpu.memory_space<semaphore_mem>>) src(%dma_wait3A_83 : memref<10000x128xf32, #tpu.memory_space<hbm>>) dst(%arg14 : memref<80x128xf32, #tpu.memory_space<vmem>>)
        %iota3A = tpu.iota {dimensions = array<i32: 0>} : vector<16xi32>
        %parallel_loop3A = arith.constant 0 : i32
        %parallel_loop3A_84 = arith.constant 80 : i32
        %parallel_loop3A_85 = arith.constant 1 : i32
        scf.for %parallel_loop3A_89 = %parallel_loop3A to %parallel_loop3A_84 step %parallel_loop3A_85  : i32 {
          %parallel_loop3A_90 = arith.index_cast %parallel_loop3A_89 : i32 to index
          %parallel_loop3A_91 = arith.constant 0 : index
          %parallel_loop3A_92 = tpu.vector_load %arg10[%parallel_loop3A_90, %parallel_loop3A_91] {strides = array<i32>} : memref<80x128xf32, #tpu.memory_space<vmem>>, vector<1x16xf32>,
          %parallel_loop3A_93 = vector.shape_cast %parallel_loop3A_92 : vector<1x16xf32> to vector<16xf32>
          %parallel_loop3A_94 = arith.index_cast %parallel_loop3A_89 : i32 to index
          %parallel_loop3A_95 = arith.constant 0 : index
          %parallel_loop3A_96 = tpu.vector_load %arg14[%parallel_loop3A_94, %parallel_loop3A_95] {strides = array<i32>} : memref<80x128xf32, #tpu.memory_space<vmem>>, vector<1x16xf32>,
          %parallel_loop3A_97 = vector.shape_cast %parallel_loop3A_96 : vector<1x16xf32> to vector<16xf32>
          %parallel_loop3A_98 = arith.mulf %parallel_loop3A_93, %parallel_loop3A_97 : vector<16xf32>
          %parallel_loop3A_99 = arith.index_cast %parallel_loop3A_89 : i32 to index
          %parallel_loop3A_100 = arith.constant 16 : index
          %parallel_loop3A_101 = tpu.vector_load %arg10[%parallel_loop3A_99, %parallel_loop3A_100] {strides = array<i32>} : memref<80x128xf32, #tpu.memory_space<vmem>>, vector<1x16xf32>,
          %parallel_loop3A_102 = vector.shape_cast %parallel_loop3A_101 : vector<1x16xf32> to vector<16xf32>
          %parallel_loop3A_103 = arith.index_cast %parallel_loop3A_89 : i32 to index
          %parallel_loop3A_104 = arith.constant 16 : index
          %parallel_loop3A_105 = tpu.vector_load %arg14[%parallel_loop3A_103, %parallel_loop3A_104] {strides = array<i32>} : memref<80x128xf32, #tpu.memory_space<vmem>>, vector<1x16xf32>,
          %parallel_loop3A_106 = vector.shape_cast %parallel_loop3A_105 : vector<1x16xf32> to vector<16xf32>
          %parallel_loop3A_107 = arith.mulf %parallel_loop3A_102, %parallel_loop3A_106 : vector<16xf32>
          %parallel_loop3A_108 = arith.index_cast %parallel_loop3A_89 : i32 to index
          %parallel_loop3A_109 = arith.constant 32 : index
          %parallel_loop3A_110 = tpu.vector_load %arg10[%parallel_loop3A_108, %parallel_loop3A_109] {strides = array<i32>} : memref<80x128xf32, #tpu.memory_space<vmem>>, vector<1x16xf32>,
          %parallel_loop3A_111 = vector.shape_cast %parallel_loop3A_110 : vector<1x16xf32> to vector<16xf32>
          %parallel_loop3A_112 = arith.index_cast %parallel_loop3A_89 : i32 to index
          %parallel_loop3A_113 = arith.constant 32 : index
          %parallel_loop3A_114 = tpu.vector_load %arg14[%parallel_loop3A_112, %parallel_loop3A_113] {strides = array<i32>} : memref<80x128xf32, #tpu.memory_space<vmem>>, vector<1x16xf32>,
          %parallel_loop3A_115 = vector.shape_cast %parallel_loop3A_114 : vector<1x16xf32> to vector<16xf32>
          %parallel_loop3A_116 = arith.mulf %parallel_loop3A_111, %parallel_loop3A_115 : vector<16xf32>
          %parallel_loop3A_117 = arith.index_cast %parallel_loop3A_89 : i32 to index
          %parallel_loop3A_118 = arith.constant 48 : index
          %parallel_loop3A_119 = tpu.vector_load %arg10[%parallel_loop3A_117, %parallel_loop3A_118] {strides = array<i32>} : memref<80x128xf32, #tpu.memory_space<vmem>>, vector<1x16xf32>,
          %parallel_loop3A_120 = vector.shape_cast %parallel_loop3A_119 : vector<1x16xf32> to vector<16xf32>
          %parallel_loop3A_121 = arith.index_cast %parallel_loop3A_89 : i32 to index
          %parallel_loop3A_122 = arith.constant 48 : index
          %parallel_loop3A_123 = tpu.vector_load %arg14[%parallel_loop3A_121, %parallel_loop3A_122] {strides = array<i32>} : memref<80x128xf32, #tpu.memory_space<vmem>>, vector<1x16xf32>,
          %parallel_loop3A_124 = vector.shape_cast %parallel_loop3A_123 : vector<1x16xf32> to vector<16xf32>
          %parallel_loop3A_125 = arith.mulf %parallel_loop3A_120, %parallel_loop3A_124 : vector<16xf32>
          %parallel_loop3A_126 = arith.index_cast %parallel_loop3A_89 : i32 to index
          %parallel_loop3A_127 = arith.constant 64 : index
          %parallel_loop3A_128 = tpu.vector_load %arg10[%parallel_loop3A_126, %parallel_loop3A_127] {strides = array<i32>} : memref<80x128xf32, #tpu.memory_space<vmem>>, vector<1x16xf32>,
          %parallel_loop3A_129 = vector.shape_cast %parallel_loop3A_128 : vector<1x16xf32> to vector<16xf32>
          %parallel_loop3A_130 = arith.index_cast %parallel_loop3A_89 : i32 to index
          %parallel_loop3A_131 = arith.constant 64 : index
          %parallel_loop3A_132 = tpu.vector_load %arg14[%parallel_loop3A_130, %parallel_loop3A_131] {strides = array<i32>} : memref<80x128xf32, #tpu.memory_space<vmem>>, vector<1x16xf32>,
          %parallel_loop3A_133 = vector.shape_cast %parallel_loop3A_132 : vector<1x16xf32> to vector<16xf32>
          %parallel_loop3A_134 = arith.mulf %parallel_loop3A_129, %parallel_loop3A_133 : vector<16xf32>
          %parallel_loop3A_135 = arith.index_cast %parallel_loop3A_89 : i32 to index
          %parallel_loop3A_136 = arith.constant 80 : index
          %parallel_loop3A_137 = tpu.vector_load %arg10[%parallel_loop3A_135, %parallel_loop3A_136] {strides = array<i32>} : memref<80x128xf32, #tpu.memory_space<vmem>>, vector<1x16xf32>,
          %parallel_loop3A_138 = vector.shape_cast %parallel_loop3A_137 : vector<1x16xf32> to vector<16xf32>
          %parallel_loop3A_139 = arith.index_cast %parallel_loop3A_89 : i32 to index
          %parallel_loop3A_140 = arith.constant 80 : index
          %parallel_loop3A_141 = tpu.vector_load %arg14[%parallel_loop3A_139, %parallel_loop3A_140] {strides = array<i32>} : memref<80x128xf32, #tpu.memory_space<vmem>>, vector<1x16xf32>,
          %parallel_loop3A_142 = vector.shape_cast %parallel_loop3A_141 : vector<1x16xf32> to vector<16xf32>
          %parallel_loop3A_143 = arith.mulf %parallel_loop3A_138, %parallel_loop3A_142 : vector<16xf32>
          %parallel_loop3A_144 = arith.index_cast %parallel_loop3A_89 : i32 to index
          %parallel_loop3A_145 = arith.constant 96 : index
          %parallel_loop3A_146 = tpu.vector_load %arg10[%parallel_loop3A_144, %parallel_loop3A_145] {strides = array<i32>} : memref<80x128xf32, #tpu.memory_space<vmem>>, vector<1x16xf32>,
          %parallel_loop3A_147 = vector.shape_cast %parallel_loop3A_146 : vector<1x16xf32> to vector<16xf32>
          %parallel_loop3A_148 = arith.index_cast %parallel_loop3A_89 : i32 to index
          %parallel_loop3A_149 = arith.constant 96 : index
          %parallel_loop3A_150 = tpu.vector_load %arg14[%parallel_loop3A_148, %parallel_loop3A_149] {strides = array<i32>} : memref<80x128xf32, #tpu.memory_space<vmem>>, vector<1x16xf32>,
          %parallel_loop3A_151 = vector.shape_cast %parallel_loop3A_150 : vector<1x16xf32> to vector<16xf32>
          %parallel_loop3A_152 = arith.mulf %parallel_loop3A_147, %parallel_loop3A_151 : vector<16xf32>
          %parallel_loop3A_153 = arith.index_cast %parallel_loop3A_89 : i32 to index
          %parallel_loop3A_154 = arith.constant 112 : index
          %parallel_loop3A_155 = tpu.vector_load %arg10[%parallel_loop3A_153, %parallel_loop3A_154] {strides = array<i32>} : memref<80x128xf32, #tpu.memory_space<vmem>>, vector<1x16xf32>,
          %parallel_loop3A_156 = vector.shape_cast %parallel_loop3A_155 : vector<1x16xf32> to vector<16xf32>
          %parallel_loop3A_157 = arith.index_cast %parallel_loop3A_89 : i32 to index
          %parallel_loop3A_158 = arith.constant 112 : index
          %parallel_loop3A_159 = tpu.vector_load %arg14[%parallel_loop3A_157, %parallel_loop3A_158] {strides = array<i32>} : memref<80x128xf32, #tpu.memory_space<vmem>>, vector<1x16xf32>,
          %parallel_loop3A_160 = vector.shape_cast %parallel_loop3A_159 : vector<1x16xf32> to vector<16xf32>
          %parallel_loop3A_161 = arith.mulf %parallel_loop3A_156, %parallel_loop3A_160 : vector<16xf32>
          %parallel_loop3A_162 = arith.addf %parallel_loop3A_98, %parallel_loop3A_107 : vector<16xf32>
          %parallel_loop3A_163 = arith.addf %parallel_loop3A_116, %parallel_loop3A_125 : vector<16xf32>
          %parallel_loop3A_164 = arith.addf %parallel_loop3A_134, %parallel_loop3A_143 : vector<16xf32>
          %parallel_loop3A_165 = arith.addf %parallel_loop3A_152, %parallel_loop3A_161 : vector<16xf32>
          %parallel_loop3A_166 = arith.addf %parallel_loop3A_162, %parallel_loop3A_163 : vector<16xf32>
          %parallel_loop3A_167 = arith.addf %parallel_loop3A_164, %parallel_loop3A_165 : vector<16xf32>
          %parallel_loop3A_168 = arith.addf %parallel_loop3A_166, %parallel_loop3A_167 : vector<16xf32>
          %parallel_loop3A_169 = arith.index_cast %parallel_loop3A_89 : i32 to index
          %parallel_loop3A_170 = arith.constant 0 : index
          %parallel_loop3A_171 = tpu.vector_load %arg18[%parallel_loop3A_169, %parallel_loop3A_170] {strides = array<i32>} : memref<80x16xf32, #tpu.memory_space<vmem>>, vector<1x16xf32>,
          %parallel_loop3A_172 = vector.shape_cast %parallel_loop3A_171 : vector<1x16xf32> to vector<16xf32>
          %parallel_loop3A_173 = vector.shape_cast %parallel_loop3A_168 : vector<16xf32> to vector<1x16xf32>
          tpu.vector_store %arg18[%parallel_loop3A_169, %parallel_loop3A_170], %parallel_loop3A_173 {strides = array<i32>} : memref<80x16xf32, #tpu.memory_space<vmem>>, vector<1x16xf32>,
        } {sc.loop_unroll_factor = 4 : i64, sc.parallel_access}
        %parallel_loop3A_86 = arith.constant 0 : i32
        %parallel_loop3A_87 = arith.constant 5 : i32
        %parallel_loop3A_88 = arith.constant 1 : i32
        scf.for %parallel_loop3A_89 = %parallel_loop3A_86 to %parallel_loop3A_87 step %parallel_loop3A_88  : i32 {
          %parallel_loop3A_90 = arith.constant 16 : i32
          %parallel_loop3A_91 = arith.muli %parallel_loop3A_89, %parallel_loop3A_90 : i32
          %parallel_loop3A_92 = arith.constant 0 : i32
          %parallel_loop3A_93 = arith.addi %parallel_loop3A_91, %parallel_loop3A_92 : i32
          %parallel_loop3A_94 = arith.index_cast %parallel_loop3A_93 : i32 to index
          %parallel_loop3A_95 = arith.constant 0 : index
          %parallel_loop3A_96 = tpu.vector_load %arg18[%parallel_loop3A_94, %parallel_loop3A_95] {strides = array<i32>} : memref<80x16xf32, #tpu.memory_space<vmem>>, vector<1x16xf32>,
          %parallel_loop3A_97 = vector.shape_cast %parallel_loop3A_96 : vector<1x16xf32> to vector<16xf32>
          %parallel_loop3A_98 = arith.constant 16 : i32
          %parallel_loop3A_99 = arith.muli %parallel_loop3A_89, %parallel_loop3A_98 : i32
          %parallel_loop3A_100 = arith.constant 8 : i32
          %parallel_loop3A_101 = arith.addi %parallel_loop3A_99, %parallel_loop3A_100 : i32
          %parallel_loop3A_102 = arith.index_cast %parallel_loop3A_101 : i32 to index
          %parallel_loop3A_103 = arith.constant 0 : index
          %parallel_loop3A_104 = tpu.vector_load %arg18[%parallel_loop3A_102, %parallel_loop3A_103] {strides = array<i32>} : memref<80x16xf32, #tpu.memory_space<vmem>>, vector<1x16xf32>,
          %parallel_loop3A_105 = vector.shape_cast %parallel_loop3A_104 : vector<1x16xf32> to vector<16xf32>
          %parallel_loop3A_106 = arith.constant 16 : i32
          %parallel_loop3A_107 = arith.muli %parallel_loop3A_89, %parallel_loop3A_106 : i32
          %parallel_loop3A_108 = arith.constant 4 : i32
          %parallel_loop3A_109 = arith.addi %parallel_loop3A_107, %parallel_loop3A_108 : i32
          %parallel_loop3A_110 = arith.index_cast %parallel_loop3A_109 : i32 to index
          %parallel_loop3A_111 = arith.constant 0 : index
          %parallel_loop3A_112 = tpu.vector_load %arg18[%parallel_loop3A_110, %parallel_loop3A_111] {strides = array<i32>} : memref<80x16xf32, #tpu.memory_space<vmem>>, vector<1x16xf32>,
          %parallel_loop3A_113 = vector.shape_cast %parallel_loop3A_112 : vector<1x16xf32> to vector<16xf32>
          %parallel_loop3A_114 = arith.constant 16 : i32
          %parallel_loop3A_115 = arith.muli %parallel_loop3A_89, %parallel_loop3A_114 : i32
          %parallel_loop3A_116 = arith.constant 12 : i32
          %parallel_loop3A_117 = arith.addi %parallel_loop3A_115, %parallel_loop3A_116 : i32
          %parallel_loop3A_118 = arith.index_cast %parallel_loop3A_117 : i32 to index
          %parallel_loop3A_119 = arith.constant 0 : index
          %parallel_loop3A_120 = tpu.vector_load %arg18[%parallel_loop3A_118, %parallel_loop3A_119] {strides = array<i32>} : memref<80x16xf32, #tpu.memory_space<vmem>>, vector<1x16xf32>,
          %parallel_loop3A_121 = vector.shape_cast %parallel_loop3A_120 : vector<1x16xf32> to vector<16xf32>
          %parallel_loop3A_122 = arith.constant 16 : i32
          %parallel_loop3A_123 = arith.muli %parallel_loop3A_89, %parallel_loop3A_122 : i32
          %parallel_loop3A_124 = arith.constant 2 : i32
          %parallel_loop3A_125 = arith.addi %parallel_loop3A_123, %parallel_loop3A_124 : i32
          %parallel_loop3A_126 = arith.index_cast %parallel_loop3A_125 : i32 to index
          %parallel_loop3A_127 = arith.constant 0 : index
          %parallel_loop3A_128 = tpu.vector_load %arg18[%parallel_loop3A_126, %parallel_loop3A_127] {strides = array<i32>} : memref<80x16xf32, #tpu.memory_space<vmem>>, vector<1x16xf32>,
          %parallel_loop3A_129 = vector.shape_cast %parallel_loop3A_128 : vector<1x16xf32> to vector<16xf32>
          %parallel_loop3A_130 = arith.constant 16 : i32
          %parallel_loop3A_131 = arith.muli %parallel_loop3A_89, %parallel_loop3A_130 : i32
          %parallel_loop3A_132 = arith.constant 10 : i32
          %parallel_loop3A_133 = arith.addi %parallel_loop3A_131, %parallel_loop3A_132 : i32
          %parallel_loop3A_134 = arith.index_cast %parallel_loop3A_133 : i32 to index
          %parallel_loop3A_135 = arith.constant 0 : index
          %parallel_loop3A_136 = tpu.vector_load %arg18[%parallel_loop3A_134, %parallel_loop3A_135] {strides = array<i32>} : memref<80x16xf32, #tpu.memory_space<vmem>>, vector<1x16xf32>,
          %parallel_loop3A_137 = vector.shape_cast %parallel_loop3A_136 : vector<1x16xf32> to vector<16xf32>
          %parallel_loop3A_138 = arith.constant 16 : i32
          %parallel_loop3A_139 = arith.muli %parallel_loop3A_89, %parallel_loop3A_138 : i32
          %parallel_loop3A_140 = arith.constant 6 : i32
          %parallel_loop3A_141 = arith.addi %parallel_loop3A_139, %parallel_loop3A_140 : i32
          %parallel_loop3A_142 = arith.index_cast %parallel_loop3A_141 : i32 to index
          %parallel_loop3A_143 = arith.constant 0 : index
          %parallel_loop3A_144 = tpu.vector_load %arg18[%parallel_loop3A_142, %parallel_loop3A_143] {strides = array<i32>} : memref<80x16xf32, #tpu.memory_space<vmem>>, vector<1x16xf32>,
          %parallel_loop3A_145 = vector.shape_cast %parallel_loop3A_144 : vector<1x16xf32> to vector<16xf32>
          %parallel_loop3A_146 = arith.constant 16 : i32
          %parallel_loop3A_147 = arith.muli %parallel_loop3A_89, %parallel_loop3A_146 : i32
          %parallel_loop3A_148 = arith.constant 14 : i32
          %parallel_loop3A_149 = arith.addi %parallel_loop3A_147, %parallel_loop3A_148 : i32
          %parallel_loop3A_150 = arith.index_cast %parallel_loop3A_149 : i32 to index
          %parallel_loop3A_151 = arith.constant 0 : index
          %parallel_loop3A_152 = tpu.vector_load %arg18[%parallel_loop3A_150, %parallel_loop3A_151] {strides = array<i32>} : memref<80x16xf32, #tpu.memory_space<vmem>>, vector<1x16xf32>,
          %parallel_loop3A_153 = vector.shape_cast %parallel_loop3A_152 : vector<1x16xf32> to vector<16xf32>
          %parallel_loop3A_154 = arith.constant 16 : i32
          %parallel_loop3A_155 = arith.muli %parallel_loop3A_89, %parallel_loop3A_154 : i32
          %parallel_loop3A_156 = arith.constant 1 : i32
          %parallel_loop3A_157 = arith.addi %parallel_loop3A_155, %parallel_loop3A_156 : i32
          %parallel_loop3A_158 = arith.index_cast %parallel_loop3A_157 : i32 to index
          %parallel_loop3A_159 = arith.constant 0 : index
          %parallel_loop3A_160 = tpu.vector_load %arg18[%parallel_loop3A_158, %parallel_loop3A_159] {strides = array<i32>} : memref<80x16xf32, #tpu.memory_space<vmem>>, vector<1x16xf32>,
          %parallel_loop3A_161 = vector.shape_cast %parallel_loop3A_160 : vector<1x16xf32> to vector<16xf32>
          %parallel_loop3A_162 = arith.constant 16 : i32
          %parallel_loop3A_163 = arith.muli %parallel_loop3A_89, %parallel_loop3A_162 : i32
          %parallel_loop3A_164 = arith.constant 9 : i32
          %parallel_loop3A_165 = arith.addi %parallel_loop3A_163, %parallel_loop3A_164 : i32
          %parallel_loop3A_166 = arith.index_cast %parallel_loop3A_165 : i32 to index
          %parallel_loop3A_167 = arith.constant 0 : index
          %parallel_loop3A_168 = tpu.vector_load %arg18[%parallel_loop3A_166, %parallel_loop3A_167] {strides = array<i32>} : memref<80x16xf32, #tpu.memory_space<vmem>>, vector<1x16xf32>,
          %parallel_loop3A_169 = vector.shape_cast %parallel_loop3A_168 : vector<1x16xf32> to vector<16xf32>
          %parallel_loop3A_170 = arith.constant 16 : i32
          %parallel_loop3A_171 = arith.muli %parallel_loop3A_89, %parallel_loop3A_170 : i32
          %parallel_loop3A_172 = arith.constant 5 : i32
          %parallel_loop3A_173 = arith.addi %parallel_loop3A_171, %parallel_loop3A_172 : i32
          %parallel_loop3A_174 = arith.index_cast %parallel_loop3A_173 : i32 to index
          %parallel_loop3A_175 = arith.constant 0 : index
          %parallel_loop3A_176 = tpu.vector_load %arg18[%parallel_loop3A_174, %parallel_loop3A_175] {strides = array<i32>} : memref<80x16xf32, #tpu.memory_space<vmem>>, vector<1x16xf32>,
          %parallel_loop3A_177 = vector.shape_cast %parallel_loop3A_176 : vector<1x16xf32> to vector<16xf32>
          %parallel_loop3A_178 = arith.constant 16 : i32
          %parallel_loop3A_179 = arith.muli %parallel_loop3A_89, %parallel_loop3A_178 : i32
          %parallel_loop3A_180 = arith.constant 13 : i32
          %parallel_loop3A_181 = arith.addi %parallel_loop3A_179, %parallel_loop3A_180 : i32
          %parallel_loop3A_182 = arith.index_cast %parallel_loop3A_181 : i32 to index
          %parallel_loop3A_183 = arith.constant 0 : index
          %parallel_loop3A_184 = tpu.vector_load %arg18[%parallel_loop3A_182, %parallel_loop3A_183] {strides = array<i32>} : memref<80x16xf32, #tpu.memory_space<vmem>>, vector<1x16xf32>,
          %parallel_loop3A_185 = vector.shape_cast %parallel_loop3A_184 : vector<1x16xf32> to vector<16xf32>
          %parallel_loop3A_186 = arith.constant 16 : i32
          %parallel_loop3A_187 = arith.muli %parallel_loop3A_89, %parallel_loop3A_186 : i32
          %parallel_loop3A_188 = arith.constant 3 : i32
          %parallel_loop3A_189 = arith.addi %parallel_loop3A_187, %parallel_loop3A_188 : i32
          %parallel_loop3A_190 = arith.index_cast %parallel_loop3A_189 : i32 to index
          %parallel_loop3A_191 = arith.constant 0 : index
          %parallel_loop3A_192 = tpu.vector_load %arg18[%parallel_loop3A_190, %parallel_loop3A_191] {strides = array<i32>} : memref<80x16xf32, #tpu.memory_space<vmem>>, vector<1x16xf32>,
          %parallel_loop3A_193 = vector.shape_cast %parallel_loop3A_192 : vector<1x16xf32> to vector<16xf32>
          %parallel_loop3A_194 = arith.constant 16 : i32
          %parallel_loop3A_195 = arith.muli %parallel_loop3A_89, %parallel_loop3A_194 : i32
          %parallel_loop3A_196 = arith.constant 11 : i32
          %parallel_loop3A_197 = arith.addi %parallel_loop3A_195, %parallel_loop3A_196 : i32
          %parallel_loop3A_198 = arith.index_cast %parallel_loop3A_197 : i32 to index
          %parallel_loop3A_199 = arith.constant 0 : index
          %parallel_loop3A_200 = tpu.vector_load %arg18[%parallel_loop3A_198, %parallel_loop3A_199] {strides = array<i32>} : memref<80x16xf32, #tpu.memory_space<vmem>>, vector<1x16xf32>,
          %parallel_loop3A_201 = vector.shape_cast %parallel_loop3A_200 : vector<1x16xf32> to vector<16xf32>
          %parallel_loop3A_202 = arith.constant 16 : i32
          %parallel_loop3A_203 = arith.muli %parallel_loop3A_89, %parallel_loop3A_202 : i32
          %parallel_loop3A_204 = arith.constant 7 : i32
          %parallel_loop3A_205 = arith.addi %parallel_loop3A_203, %parallel_loop3A_204 : i32
          %parallel_loop3A_206 = arith.index_cast %parallel_loop3A_205 : i32 to index
          %parallel_loop3A_207 = arith.constant 0 : index
          %parallel_loop3A_208 = tpu.vector_load %arg18[%parallel_loop3A_206, %parallel_loop3A_207] {strides = array<i32>} : memref<80x16xf32, #tpu.memory_space<vmem>>, vector<1x16xf32>,
          %parallel_loop3A_209 = vector.shape_cast %parallel_loop3A_208 : vector<1x16xf32> to vector<16xf32>
          %parallel_loop3A_210 = arith.constant 16 : i32
          %parallel_loop3A_211 = arith.muli %parallel_loop3A_89, %parallel_loop3A_210 : i32
          %parallel_loop3A_212 = arith.constant 15 : i32
          %parallel_loop3A_213 = arith.addi %parallel_loop3A_211, %parallel_loop3A_212 : i32
          %parallel_loop3A_214 = arith.index_cast %parallel_loop3A_213 : i32 to index
          %parallel_loop3A_215 = arith.constant 0 : index
          %parallel_loop3A_216 = tpu.vector_load %arg18[%parallel_loop3A_214, %parallel_loop3A_215] {strides = array<i32>} : memref<80x16xf32, #tpu.memory_space<vmem>>, vector<1x16xf32>,
          %parallel_loop3A_217 = vector.shape_cast %parallel_loop3A_216 : vector<1x16xf32> to vector<16xf32>
          %parallel_loop3A_218 = arith.constant 8 : i32
          %parallel_loop3A_219 = vector.broadcast %parallel_loop3A_218 : i32 to vector<16xi32>
          %parallel_loop3A_220 = arith.andi %iota3A, %parallel_loop3A_219 : vector<16xi32>
          %parallel_loop3A_221 = arith.constant 0 : i32
          %parallel_loop3A_222 = vector.broadcast %parallel_loop3A_221 : i32 to vector<16xi32>
          %parallel_loop3A_223 = arith.cmpi eq, %parallel_loop3A_220, %parallel_loop3A_222 : vector<16xi32>
          %parallel_loop3A_224 = arith.constant 8 : i32
          %parallel_loop3A_225 = vector.broadcast %parallel_loop3A_224 : i32 to vector<16xi32>
          %parallel_loop3A_226 = arith.xori %iota3A, %parallel_loop3A_225 : vector<16xi32>
          %parallel_loop3A_227 = vector.shape_cast %parallel_loop3A_226 : vector<16xi32> to vector<16x1xi32>
          %parallel_loop3A_228 = vector.shape_cast %parallel_loop3A_227 : vector<16x1xi32> to vector<16xi32>
          %parallel_loop3A_229 = tpu.dynamic_gather %parallel_loop3A_105[%parallel_loop3A_228] in [0] : vector<16xf32>, vector<16xi32> -> vector<16xf32>
          %parallel_loop3A_230 = arith.select %parallel_loop3A_223, %parallel_loop3A_97, %parallel_loop3A_229 : vector<16xi1>, vector<16xf32>
          %parallel_loop3A_231 = vector.shape_cast %parallel_loop3A_226 : vector<16xi32> to vector<16x1xi32>
          %parallel_loop3A_232 = vector.shape_cast %parallel_loop3A_231 : vector<16x1xi32> to vector<16xi32>
          %parallel_loop3A_233 = tpu.dynamic_gather %parallel_loop3A_97[%parallel_loop3A_232] in [0] : vector<16xf32>, vector<16xi32> -> vector<16xf32>
          %parallel_loop3A_234 = arith.select %parallel_loop3A_223, %parallel_loop3A_233, %parallel_loop3A_105 : vector<16xi1>, vector<16xf32>
          %parallel_loop3A_235 = arith.addf %parallel_loop3A_230, %parallel_loop3A_234 : vector<16xf32>
          %parallel_loop3A_236 = vector.shape_cast %parallel_loop3A_226 : vector<16xi32> to vector<16x1xi32>
          %parallel_loop3A_237 = vector.shape_cast %parallel_loop3A_236 : vector<16x1xi32> to vector<16xi32>
          %parallel_loop3A_238 = tpu.dynamic_gather %parallel_loop3A_121[%parallel_loop3A_237] in [0] : vector<16xf32>, vector<16xi32> -> vector<16xf32>
          %parallel_loop3A_239 = arith.select %parallel_loop3A_223, %parallel_loop3A_113, %parallel_loop3A_238 : vector<16xi1>, vector<16xf32>
          %parallel_loop3A_240 = vector.shape_cast %parallel_loop3A_226 : vector<16xi32> to vector<16x1xi32>
          %parallel_loop3A_241 = vector.shape_cast %parallel_loop3A_240 : vector<16x1xi32> to vector<16xi32>
          %parallel_loop3A_242 = tpu.dynamic_gather %parallel_loop3A_113[%parallel_loop3A_241] in [0] : vector<16xf32>, vector<16xi32> -> vector<16xf32>
          %parallel_loop3A_243 = arith.select %parallel_loop3A_223, %parallel_loop3A_242, %parallel_loop3A_121 : vector<16xi1>, vector<16xf32>
          %parallel_loop3A_244 = arith.addf %parallel_loop3A_239, %parallel_loop3A_243 : vector<16xf32>
          %parallel_loop3A_245 = vector.shape_cast %parallel_loop3A_226 : vector<16xi32> to vector<16x1xi32>
          %parallel_loop3A_246 = vector.shape_cast %parallel_loop3A_245 : vector<16x1xi32> to vector<16xi32>
          %parallel_loop3A_247 = tpu.dynamic_gather %parallel_loop3A_137[%parallel_loop3A_246] in [0] : vector<16xf32>, vector<16xi32> -> vector<16xf32>
          %parallel_loop3A_248 = arith.select %parallel_loop3A_223, %parallel_loop3A_129, %parallel_loop3A_247 : vector<16xi1>, vector<16xf32>
          %parallel_loop3A_249 = vector.shape_cast %parallel_loop3A_226 : vector<16xi32> to vector<16x1xi32>
          %parallel_loop3A_250 = vector.shape_cast %parallel_loop3A_249 : vector<16x1xi32> to vector<16xi32>
          %parallel_loop3A_251 = tpu.dynamic_gather %parallel_loop3A_129[%parallel_loop3A_250] in [0] : vector<16xf32>, vector<16xi32> -> vector<16xf32>
          %parallel_loop3A_252 = arith.select %parallel_loop3A_223, %parallel_loop3A_251, %parallel_loop3A_137 : vector<16xi1>, vector<16xf32>
          %parallel_loop3A_253 = arith.addf %parallel_loop3A_248, %parallel_loop3A_252 : vector<16xf32>
          %parallel_loop3A_254 = vector.shape_cast %parallel_loop3A_226 : vector<16xi32> to vector<16x1xi32>
          %parallel_loop3A_255 = vector.shape_cast %parallel_loop3A_254 : vector<16x1xi32> to vector<16xi32>
          %parallel_loop3A_256 = tpu.dynamic_gather %parallel_loop3A_153[%parallel_loop3A_255] in [0] : vector<16xf32>, vector<16xi32> -> vector<16xf32>
          %parallel_loop3A_257 = arith.select %parallel_loop3A_223, %parallel_loop3A_145, %parallel_loop3A_256 : vector<16xi1>, vector<16xf32>
          %parallel_loop3A_258 = vector.shape_cast %parallel_loop3A_226 : vector<16xi32> to vector<16x1xi32>
          %parallel_loop3A_259 = vector.shape_cast %parallel_loop3A_258 : vector<16x1xi32> to vector<16xi32>
          %parallel_loop3A_260 = tpu.dynamic_gather %parallel_loop3A_145[%parallel_loop3A_259] in [0] : vector<16xf32>, vector<16xi32> -> vector<16xf32>
          %parallel_loop3A_261 = arith.select %parallel_loop3A_223, %parallel_loop3A_260, %parallel_loop3A_153 : vector<16xi1>, vector<16xf32>
          %parallel_loop3A_262 = arith.addf %parallel_loop3A_257, %parallel_loop3A_261 : vector<16xf32>
          %parallel_loop3A_263 = vector.shape_cast %parallel_loop3A_226 : vector<16xi32> to vector<16x1xi32>
          %parallel_loop3A_264 = vector.shape_cast %parallel_loop3A_263 : vector<16x1xi32> to vector<16xi32>
          %parallel_loop3A_265 = tpu.dynamic_gather %parallel_loop3A_169[%parallel_loop3A_264] in [0] : vector<16xf32>, vector<16xi32> -> vector<16xf32>
          %parallel_loop3A_266 = arith.select %parallel_loop3A_223, %parallel_loop3A_161, %parallel_loop3A_265 : vector<16xi1>, vector<16xf32>
          %parallel_loop3A_267 = vector.shape_cast %parallel_loop3A_226 : vector<16xi32> to vector<16x1xi32>
          %parallel_loop3A_268 = vector.shape_cast %parallel_loop3A_267 : vector<16x1xi32> to vector<16xi32>
          %parallel_loop3A_269 = tpu.dynamic_gather %parallel_loop3A_161[%parallel_loop3A_268] in [0] : vector<16xf32>, vector<16xi32> -> vector<16xf32>
          %parallel_loop3A_270 = arith.select %parallel_loop3A_223, %parallel_loop3A_269, %parallel_loop3A_169 : vector<16xi1>, vector<16xf32>
          %parallel_loop3A_271 = arith.addf %parallel_loop3A_266, %parallel_loop3A_270 : vector<16xf32>
          %parallel_loop3A_272 = vector.shape_cast %parallel_loop3A_226 : vector<16xi32> to vector<16x1xi32>
          %parallel_loop3A_273 = vector.shape_cast %parallel_loop3A_272 : vector<16x1xi32> to vector<16xi32>
          %parallel_loop3A_274 = tpu.dynamic_gather %parallel_loop3A_185[%parallel_loop3A_273] in [0] : vector<16xf32>, vector<16xi32> -> vector<16xf32>
          %parallel_loop3A_275 = arith.select %parallel_loop3A_223, %parallel_loop3A_177, %parallel_loop3A_274 : vector<16xi1>, vector<16xf32>
          %parallel_loop3A_276 = vector.shape_cast %parallel_loop3A_226 : vector<16xi32> to vector<16x1xi32>
          %parallel_loop3A_277 = vector.shape_cast %parallel_loop3A_276 : vector<16x1xi32> to vector<16xi32>
          %parallel_loop3A_278 = tpu.dynamic_gather %parallel_loop3A_177[%parallel_loop3A_277] in [0] : vector<16xf32>, vector<16xi32> -> vector<16xf32>
          %parallel_loop3A_279 = arith.select %parallel_loop3A_223, %parallel_loop3A_278, %parallel_loop3A_185 : vector<16xi1>, vector<16xf32>
          %parallel_loop3A_280 = arith.addf %parallel_loop3A_275, %parallel_loop3A_279 : vector<16xf32>
          %parallel_loop3A_281 = vector.shape_cast %parallel_loop3A_226 : vector<16xi32> to vector<16x1xi32>
          %parallel_loop3A_282 = vector.shape_cast %parallel_loop3A_281 : vector<16x1xi32> to vector<16xi32>
          %parallel_loop3A_283 = tpu.dynamic_gather %parallel_loop3A_201[%parallel_loop3A_282] in [0] : vector<16xf32>, vector<16xi32> -> vector<16xf32>
          %parallel_loop3A_284 = arith.select %parallel_loop3A_223, %parallel_loop3A_193, %parallel_loop3A_283 : vector<16xi1>, vector<16xf32>
          %parallel_loop3A_285 = vector.shape_cast %parallel_loop3A_226 : vector<16xi32> to vector<16x1xi32>
          %parallel_loop3A_286 = vector.shape_cast %parallel_loop3A_285 : vector<16x1xi32> to vector<16xi32>
          %parallel_loop3A_287 = tpu.dynamic_gather %parallel_loop3A_193[%parallel_loop3A_286] in [0] : vector<16xf32>, vector<16xi32> -> vector<16xf32>
          %parallel_loop3A_288 = arith.select %parallel_loop3A_223, %parallel_loop3A_287, %parallel_loop3A_201 : vector<16xi1>, vector<16xf32>
          %parallel_loop3A_289 = arith.addf %parallel_loop3A_284, %parallel_loop3A_288 : vector<16xf32>
          %parallel_loop3A_290 = vector.shape_cast %parallel_loop3A_226 : vector<16xi32> to vector<16x1xi32>
          %parallel_loop3A_291 = vector.shape_cast %parallel_loop3A_290 : vector<16x1xi32> to vector<16xi32>
          %parallel_loop3A_292 = tpu.dynamic_gather %parallel_loop3A_217[%parallel_loop3A_291] in [0] : vector<16xf32>, vector<16xi32> -> vector<16xf32>
          %parallel_loop3A_293 = arith.select %parallel_loop3A_223, %parallel_loop3A_209, %parallel_loop3A_292 : vector<16xi1>, vector<16xf32>
          %parallel_loop3A_294 = vector.shape_cast %parallel_loop3A_226 : vector<16xi32> to vector<16x1xi32>
          %parallel_loop3A_295 = vector.shape_cast %parallel_loop3A_294 : vector<16x1xi32> to vector<16xi32>
          %parallel_loop3A_296 = tpu.dynamic_gather %parallel_loop3A_209[%parallel_loop3A_295] in [0] : vector<16xf32>, vector<16xi32> -> vector<16xf32>
          %parallel_loop3A_297 = arith.select %parallel_loop3A_223, %parallel_loop3A_296, %parallel_loop3A_217 : vector<16xi1>, vector<16xf32>
          %parallel_loop3A_298 = arith.addf %parallel_loop3A_293, %parallel_loop3A_297 : vector<16xf32>
          %parallel_loop3A_299 = arith.constant 4 : i32
          %parallel_loop3A_300 = vector.broadcast %parallel_loop3A_299 : i32 to vector<16xi32>
          %parallel_loop3A_301 = arith.andi %iota3A, %parallel_loop3A_300 : vector<16xi32>
          %parallel_loop3A_302 = arith.constant 0 : i32
          %parallel_loop3A_303 = vector.broadcast %parallel_loop3A_302 : i32 to vector<16xi32>
          %parallel_loop3A_304 = arith.cmpi eq, %parallel_loop3A_301, %parallel_loop3A_303 : vector<16xi32>
          %parallel_loop3A_305 = arith.constant 4 : i32
          %parallel_loop3A_306 = vector.broadcast %parallel_loop3A_305 : i32 to vector<16xi32>
          %parallel_loop3A_307 = arith.xori %iota3A, %parallel_loop3A_306 : vector<16xi32>
          %parallel_loop3A_308 = vector.shape_cast %parallel_loop3A_307 : vector<16xi32> to vector<16x1xi32>
          %parallel_loop3A_309 = vector.shape_cast %parallel_loop3A_308 : vector<16x1xi32> to vector<16xi32>
          %parallel_loop3A_310 = tpu.dynamic_gather %parallel_loop3A_244[%parallel_loop3A_309] in [0] : vector<16xf32>, vector<16xi32> -> vector<16xf32>
          %parallel_loop3A_311 = arith.select %parallel_loop3A_304, %parallel_loop3A_235, %parallel_loop3A_310 : vector<16xi1>, vector<16xf32>
          %parallel_loop3A_312 = vector.shape_cast %parallel_loop3A_307 : vector<16xi32> to vector<16x1xi32>
          %parallel_loop3A_313 = vector.shape_cast %parallel_loop3A_312 : vector<16x1xi32> to vector<16xi32>
          %parallel_loop3A_314 = tpu.dynamic_gather %parallel_loop3A_235[%parallel_loop3A_313] in [0] : vector<16xf32>, vector<16xi32> -> vector<16xf32>
          %parallel_loop3A_315 = arith.select %parallel_loop3A_304, %parallel_loop3A_314, %parallel_loop3A_244 : vector<16xi1>, vector<16xf32>
          %parallel_loop3A_316 = arith.addf %parallel_loop3A_311, %parallel_loop3A_315 : vector<16xf32>
          %parallel_loop3A_317 = vector.shape_cast %parallel_loop3A_307 : vector<16xi32> to vector<16x1xi32>
          %parallel_loop3A_318 = vector.shape_cast %parallel_loop3A_317 : vector<16x1xi32> to vector<16xi32>
          %parallel_loop3A_319 = tpu.dynamic_gather %parallel_loop3A_262[%parallel_loop3A_318] in [0] : vector<16xf32>, vector<16xi32> -> vector<16xf32>
          %parallel_loop3A_320 = arith.select %parallel_loop3A_304, %parallel_loop3A_253, %parallel_loop3A_319 : vector<16xi1>, vector<16xf32>
          %parallel_loop3A_321 = vector.shape_cast %parallel_loop3A_307 : vector<16xi32> to vector<16x1xi32>
          %parallel_loop3A_322 = vector.shape_cast %parallel_loop3A_321 : vector<16x1xi32> to vector<16xi32>
          %parallel_loop3A_323 = tpu.dynamic_gather %parallel_loop3A_253[%parallel_loop3A_322] in [0] : vector<16xf32>, vector<16xi32> -> vector<16xf32>
          %parallel_loop3A_324 = arith.select %parallel_loop3A_304, %parallel_loop3A_323, %parallel_loop3A_262 : vector<16xi1>, vector<16xf32>
          %parallel_loop3A_325 = arith.addf %parallel_loop3A_320, %parallel_loop3A_324 : vector<16xf32>
          %parallel_loop3A_326 = vector.shape_cast %parallel_loop3A_307 : vector<16xi32> to vector<16x1xi32>
          %parallel_loop3A_327 = vector.shape_cast %parallel_loop3A_326 : vector<16x1xi32> to vector<16xi32>
          %parallel_loop3A_328 = tpu.dynamic_gather %parallel_loop3A_280[%parallel_loop3A_327] in [0] : vector<16xf32>, vector<16xi32> -> vector<16xf32>
          %parallel_loop3A_329 = arith.select %parallel_loop3A_304, %parallel_loop3A_271, %parallel_loop3A_328 : vector<16xi1>, vector<16xf32>
          %parallel_loop3A_330 = vector.shape_cast %parallel_loop3A_307 : vector<16xi32> to vector<16x1xi32>
          %parallel_loop3A_331 = vector.shape_cast %parallel_loop3A_330 : vector<16x1xi32> to vector<16xi32>
          %parallel_loop3A_332 = tpu.dynamic_gather %parallel_loop3A_271[%parallel_loop3A_331] in [0] : vector<16xf32>, vector<16xi32> -> vector<16xf32>
          %parallel_loop3A_333 = arith.select %parallel_loop3A_304, %parallel_loop3A_332, %parallel_loop3A_280 : vector<16xi1>, vector<16xf32>
          %parallel_loop3A_334 = arith.addf %parallel_loop3A_329, %parallel_loop3A_333 : vector<16xf32>
          %parallel_loop3A_335 = vector.shape_cast %parallel_loop3A_307 : vector<16xi32> to vector<16x1xi32>
          %parallel_loop3A_336 = vector.shape_cast %parallel_loop3A_335 : vector<16x1xi32> to vector<16xi32>
          %parallel_loop3A_337 = tpu.dynamic_gather %parallel_loop3A_298[%parallel_loop3A_336] in [0] : vector<16xf32>, vector<16xi32> -> vector<16xf32>
          %parallel_loop3A_338 = arith.select %parallel_loop3A_304, %parallel_loop3A_289, %parallel_loop3A_337 : vector<16xi1>, vector<16xf32>
          %parallel_loop3A_339 = vector.shape_cast %parallel_loop3A_307 : vector<16xi32> to vector<16x1xi32>
          %parallel_loop3A_340 = vector.shape_cast %parallel_loop3A_339 : vector<16x1xi32> to vector<16xi32>
          %parallel_loop3A_341 = tpu.dynamic_gather %parallel_loop3A_289[%parallel_loop3A_340] in [0] : vector<16xf32>, vector<16xi32> -> vector<16xf32>
          %parallel_loop3A_342 = arith.select %parallel_loop3A_304, %parallel_loop3A_341, %parallel_loop3A_298 : vector<16xi1>, vector<16xf32>
          %parallel_loop3A_343 = arith.addf %parallel_loop3A_338, %parallel_loop3A_342 : vector<16xf32>
          %parallel_loop3A_344 = arith.constant 2 : i32
          %parallel_loop3A_345 = vector.broadcast %parallel_loop3A_344 : i32 to vector<16xi32>
          %parallel_loop3A_346 = arith.andi %iota3A, %parallel_loop3A_345 : vector<16xi32>
          %parallel_loop3A_347 = arith.constant 0 : i32
          %parallel_loop3A_348 = vector.broadcast %parallel_loop3A_347 : i32 to vector<16xi32>
          %parallel_loop3A_349 = arith.cmpi eq, %parallel_loop3A_346, %parallel_loop3A_348 : vector<16xi32>
          %parallel_loop3A_350 = arith.constant 2 : i32
          %parallel_loop3A_351 = vector.broadcast %parallel_loop3A_350 : i32 to vector<16xi32>
          %parallel_loop3A_352 = arith.xori %iota3A, %parallel_loop3A_351 : vector<16xi32>
          %parallel_loop3A_353 = vector.shape_cast %parallel_loop3A_352 : vector<16xi32> to vector<16x1xi32>
          %parallel_loop3A_354 = vector.shape_cast %parallel_loop3A_353 : vector<16x1xi32> to vector<16xi32>
          %parallel_loop3A_355 = tpu.dynamic_gather %parallel_loop3A_325[%parallel_loop3A_354] in [0] : vector<16xf32>, vector<16xi32> -> vector<16xf32>
          %parallel_loop3A_356 = arith.select %parallel_loop3A_349, %parallel_loop3A_316, %parallel_loop3A_355 : vector<16xi1>, vector<16xf32>
          %parallel_loop3A_357 = vector.shape_cast %parallel_loop3A_352 : vector<16xi32> to vector<16x1xi32>
          %parallel_loop3A_358 = vector.shape_cast %parallel_loop3A_357 : vector<16x1xi32> to vector<16xi32>
          %parallel_loop3A_359 = tpu.dynamic_gather %parallel_loop3A_316[%parallel_loop3A_358] in [0] : vector<16xf32>, vector<16xi32> -> vector<16xf32>
          %parallel_loop3A_360 = arith.select %parallel_loop3A_349, %parallel_loop3A_359, %parallel_loop3A_325 : vector<16xi1>, vector<16xf32>
          %parallel_loop3A_361 = arith.addf %parallel_loop3A_356, %parallel_loop3A_360 : vector<16xf32>
          %parallel_loop3A_362 = vector.shape_cast %parallel_loop3A_352 : vector<16xi32> to vector<16x1xi32>
          %parallel_loop3A_363 = vector.shape_cast %parallel_loop3A_362 : vector<16x1xi32> to vector<16xi32>
          %parallel_loop3A_364 = tpu.dynamic_gather %parallel_loop3A_343[%parallel_loop3A_363] in [0] : vector<16xf32>, vector<16xi32> -> vector<16xf32>
          %parallel_loop3A_365 = arith.select %parallel_loop3A_349, %parallel_loop3A_334, %parallel_loop3A_364 : vector<16xi1>, vector<16xf32>
          %parallel_loop3A_366 = vector.shape_cast %parallel_loop3A_352 : vector<16xi32> to vector<16x1xi32>
          %parallel_loop3A_367 = vector.shape_cast %parallel_loop3A_366 : vector<16x1xi32> to vector<16xi32>
          %parallel_loop3A_368 = tpu.dynamic_gather %parallel_loop3A_334[%parallel_loop3A_367] in [0] : vector<16xf32>, vector<16xi32> -> vector<16xf32>
          %parallel_loop3A_369 = arith.select %parallel_loop3A_349, %parallel_loop3A_368, %parallel_loop3A_343 : vector<16xi1>, vector<16xf32>
          %parallel_loop3A_370 = arith.addf %parallel_loop3A_365, %parallel_loop3A_369 : vector<16xf32>
          %parallel_loop3A_371 = arith.constant 1 : i32
          %parallel_loop3A_372 = vector.broadcast %parallel_loop3A_371 : i32 to vector<16xi32>
          %parallel_loop3A_373 = arith.andi %iota3A, %parallel_loop3A_372 : vector<16xi32>
          %parallel_loop3A_374 = arith.constant 0 : i32
          %parallel_loop3A_375 = vector.broadcast %parallel_loop3A_374 : i32 to vector<16xi32>
          %parallel_loop3A_376 = arith.cmpi eq, %parallel_loop3A_373, %parallel_loop3A_375 : vector<16xi32>
          %parallel_loop3A_377 = arith.constant 1 : i32
          %parallel_loop3A_378 = vector.broadcast %parallel_loop3A_377 : i32 to vector<16xi32>
          %parallel_loop3A_379 = arith.xori %iota3A, %parallel_loop3A_378 : vector<16xi32>
          %parallel_loop3A_380 = vector.shape_cast %parallel_loop3A_379 : vector<16xi32> to vector<16x1xi32>
          %parallel_loop3A_381 = vector.shape_cast %parallel_loop3A_380 : vector<16x1xi32> to vector<16xi32>
          %parallel_loop3A_382 = tpu.dynamic_gather %parallel_loop3A_370[%parallel_loop3A_381] in [0] : vector<16xf32>, vector<16xi32> -> vector<16xf32>
          %parallel_loop3A_383 = arith.select %parallel_loop3A_376, %parallel_loop3A_361, %parallel_loop3A_382 : vector<16xi1>, vector<16xf32>
          %parallel_loop3A_384 = vector.shape_cast %parallel_loop3A_379 : vector<16xi32> to vector<16x1xi32>
          %parallel_loop3A_385 = vector.shape_cast %parallel_loop3A_384 : vector<16x1xi32> to vector<16xi32>
          %parallel_loop3A_386 = tpu.dynamic_gather %parallel_loop3A_361[%parallel_loop3A_385] in [0] : vector<16xf32>, vector<16xi32> -> vector<16xf32>
          %parallel_loop3A_387 = arith.select %parallel_loop3A_376, %parallel_loop3A_386, %parallel_loop3A_370 : vector<16xi1>, vector<16xf32>
          %parallel_loop3A_388 = arith.addf %parallel_loop3A_383, %parallel_loop3A_387 : vector<16xf32>
          %parallel_loop3A_389 = arith.constant 80 : i32
          %parallel_loop3A_390 = arith.muli %add3A_45, %parallel_loop3A_389 : i32
          %parallel_loop3A_391 = arith.constant 16 : i32
          %parallel_loop3A_392 = arith.muli %parallel_loop3A_89, %parallel_loop3A_391 : i32
          %parallel_loop3A_393 = arith.addi %parallel_loop3A_390, %parallel_loop3A_392 : i32
          %parallel_loop3A_394 = arith.index_cast %parallel_loop3A_393 : i32 to index
          %parallel_loop3A_395 = tpu.vector_load %arg17[%parallel_loop3A_394] {strides = array<i32>} : memref<10000xf32, #tpu.memory_space<vmem>>, vector<16xf32>,
          %parallel_loop3A_396 = vector.shape_cast %parallel_loop3A_395 : vector<16xf32> to vector<16xf32>
          %parallel_loop3A_397 = vector.shape_cast %parallel_loop3A_388 : vector<16xf32> to vector<16xf32>
          tpu.vector_store %arg17[%parallel_loop3A_394], %parallel_loop3A_397 {strides = array<i32>} : memref<10000xf32, #tpu.memory_space<vmem>>, vector<16xf32>,
        } {sc.loop_unroll_factor = 1 : i64, sc.parallel_access}
      } else {
      }
      %add3A_51 = arith.constant 2 : i32
      %add3A_52 = arith.addi %mul3A_39, %add3A_51 : i32
      %lt3A_53 = arith.constant 125 : i32
      %lt3A_54 = arith.cmpi slt, %add3A_52, %lt3A_53 : i32
      %convert_element_type3A_55 = arith.extui %lt3A_54 : i1 to i32
      %cond3A_56 = arith.constant 0 : i32
      %cond3A_57 = arith.cmpi ne, %convert_element_type3A_55, %cond3A_56 : i32
      scf.if %cond3A_57 {
        %add3A_65 = arith.constant 4 : i32
        %add3A_66 = arith.addi %add3A_52, %add3A_65 : i32
        %sub3A = arith.constant 1 : i32
        %sub3A_67 = arith.subi %add3A_66, %sub3A : i32
        %lt3A_68 = arith.constant 125 : i32
        %lt3A_69 = arith.cmpi slt, %sub3A_67, %lt3A_68 : i32
        %convert_element_type3A_70 = arith.extui %lt3A_69 : i1 to i32
        %cond3A_71 = arith.constant 0 : i32
        %cond3A_72 = arith.cmpi ne, %convert_element_type3A_70, %cond3A_71 : i32
        scf.if %cond3A_72 {
          %add3A_89 = arith.constant 4 : i32
          %add3A_90 = arith.addi %add3A_52, %add3A_89 : i32
          %sub3A_91 = arith.constant 1 : i32
          %sub3A_92 = arith.subi %add3A_90, %sub3A_91 : i32
          %mul3A_93 = arith.constant 80 : i32
          %mul3A_94 = arith.muli %sub3A_92, %mul3A_93 : i32
          %mul3A_95 = arith.constant 80 : i32
          %mul3A_96 = arith.muli %sub3A_92, %mul3A_95 : i32
          %dma_start3A_97 = tpu.memref_slice %arg7[%mul3A_94] : memref<10000xi32, #tpu.memory_space<vmem>> -> memref<80xi32, #tpu.memory_space<vmem>>
          %dma_start3A_98 = arith.constant 0 : i32
          %dma_start3A_99 = arith.constant 0 : i32
          %dma_start3A_100 = tpu.memref_slice %arg2[%dma_start3A_98, %dma_start3A_99] : memref<10000x128xf32, #tpu.memory_space<hbm>> -> memref<10000x128xf32, #tpu.memory_space<hbm>>
          tpu.enqueue_indirect_dma source(%dma_start3A_100 : memref<10000x128xf32, #tpu.memory_space<hbm>>) target(%arg10 : memref<80x128xf32, #tpu.memory_space<vmem>>) offsets(%dma_start3A_97 : memref<80xi32, #tpu.memory_space<vmem>>) semaphore(%arg20 : memref<!tpu.dma_semaphore, #tpu.memory_space<semaphore_mem>>)
          %dma_start3A_101 = tpu.memref_slice %arg8[%mul3A_96] : memref<10000xi32, #tpu.memory_space<vmem>> -> memref<80xi32, #tpu.memory_space<vmem>>
          %dma_start3A_102 = arith.constant 0 : i32
          %dma_start3A_103 = arith.constant 0 : i32
          %dma_start3A_104 = tpu.memref_slice %arg3[%dma_start3A_102, %dma_start3A_103] : memref<10000x128xf32, #tpu.memory_space<hbm>> -> memref<10000x128xf32, #tpu.memory_space<hbm>>
          tpu.enqueue_indirect_dma source(%dma_start3A_104 : memref<10000x128xf32, #tpu.memory_space<hbm>>) target(%arg14 : memref<80x128xf32, #tpu.memory_space<vmem>>) offsets(%dma_start3A_101 : memref<80xi32, #tpu.memory_space<vmem>>) semaphore(%arg24 : memref<!tpu.dma_semaphore, #tpu.memory_space<semaphore_mem>>)
        } else {
        }
        %mul3A_73 = arith.constant 80 : i32
        %mul3A_74 = arith.muli %add3A_52, %mul3A_73 : i32
        %mul3A_75 = arith.constant 80 : i32
        %mul3A_76 = arith.muli %add3A_52, %mul3A_75 : i32
        %dma_wait3A = tpu.memref_slice %arg7[%mul3A_74] : memref<10000xi32, #tpu.memory_space<vmem>> -> memref<80xi32, #tpu.memory_space<vmem>>
        %dma_wait3A_77 = arith.constant 0 : i32
        %dma_wait3A_78 = arith.constant 0 : i32
        %dma_wait3A_79 = tpu.memref_slice %arg2[%dma_wait3A_77, %dma_wait3A_78] : memref<10000x128xf32, #tpu.memory_space<hbm>> -> memref<10000x128xf32, #tpu.memory_space<hbm>>
        tpu.wait_indirect_dma semaphore(%arg21 : memref<!tpu.dma_semaphore, #tpu.memory_space<semaphore_mem>>) src(%dma_wait3A_79 : memref<10000x128xf32, #tpu.memory_space<hbm>>) dst(%arg11 : memref<80x128xf32, #tpu.memory_space<vmem>>)
        %dma_wait3A_80 = tpu.memref_slice %arg8[%mul3A_76] : memref<10000xi32, #tpu.memory_space<vmem>> -> memref<80xi32, #tpu.memory_space<vmem>>
        %dma_wait3A_81 = arith.constant 0 : i32
        %dma_wait3A_82 = arith.constant 0 : i32
        %dma_wait3A_83 = tpu.memref_slice %arg3[%dma_wait3A_81, %dma_wait3A_82] : memref<10000x128xf32, #tpu.memory_space<hbm>> -> memref<10000x128xf32, #tpu.memory_space<hbm>>
        tpu.wait_indirect_dma semaphore(%arg25 : memref<!tpu.dma_semaphore, #tpu.memory_space<semaphore_mem>>) src(%dma_wait3A_83 : memref<10000x128xf32, #tpu.memory_space<hbm>>) dst(%arg15 : memref<80x128xf32, #tpu.memory_space<vmem>>)
        %iota3A = tpu.iota {dimensions = array<i32: 0>} : vector<16xi32>
        %parallel_loop3A = arith.constant 0 : i32
        %parallel_loop3A_84 = arith.constant 80 : i32
        %parallel_loop3A_85 = arith.constant 1 : i32
        scf.for %parallel_loop3A_89 = %parallel_loop3A to %parallel_loop3A_84 step %parallel_loop3A_85  : i32 {
          %parallel_loop3A_90 = arith.index_cast %parallel_loop3A_89 : i32 to index
          %parallel_loop3A_91 = arith.constant 0 : index
          %parallel_loop3A_92 = tpu.vector_load %arg11[%parallel_loop3A_90, %parallel_loop3A_91] {strides = array<i32>} : memref<80x128xf32, #tpu.memory_space<vmem>>, vector<1x16xf32>,
          %parallel_loop3A_93 = vector.shape_cast %parallel_loop3A_92 : vector<1x16xf32> to vector<16xf32>
          %parallel_loop3A_94 = arith.index_cast %parallel_loop3A_89 : i32 to index
          %parallel_loop3A_95 = arith.constant 0 : index
          %parallel_loop3A_96 = tpu.vector_load %arg15[%parallel_loop3A_94, %parallel_loop3A_95] {strides = array<i32>} : memref<80x128xf32, #tpu.memory_space<vmem>>, vector<1x16xf32>,
          %parallel_loop3A_97 = vector.shape_cast %parallel_loop3A_96 : vector<1x16xf32> to vector<16xf32>
          %parallel_loop3A_98 = arith.mulf %parallel_loop3A_93, %parallel_loop3A_97 : vector<16xf32>
          %parallel_loop3A_99 = arith.index_cast %parallel_loop3A_89 : i32 to index
          %parallel_loop3A_100 = arith.constant 16 : index
          %parallel_loop3A_101 = tpu.vector_load %arg11[%parallel_loop3A_99, %parallel_loop3A_100] {strides = array<i32>} : memref<80x128xf32, #tpu.memory_space<vmem>>, vector<1x16xf32>,
          %parallel_loop3A_102 = vector.shape_cast %parallel_loop3A_101 : vector<1x16xf32> to vector<16xf32>
          %parallel_loop3A_103 = arith.index_cast %parallel_loop3A_89 : i32 to index
          %parallel_loop3A_104 = arith.constant 16 : index
          %parallel_loop3A_105 = tpu.vector_load %arg15[%parallel_loop3A_103, %parallel_loop3A_104] {strides = array<i32>} : memref<80x128xf32, #tpu.memory_space<vmem>>, vector<1x16xf32>,
          %parallel_loop3A_106 = vector.shape_cast %parallel_loop3A_105 : vector<1x16xf32> to vector<16xf32>
          %parallel_loop3A_107 = arith.mulf %parallel_loop3A_102, %parallel_loop3A_106 : vector<16xf32>
          %parallel_loop3A_108 = arith.index_cast %parallel_loop3A_89 : i32 to index
          %parallel_loop3A_109 = arith.constant 32 : index
          %parallel_loop3A_110 = tpu.vector_load %arg11[%parallel_loop3A_108, %parallel_loop3A_109] {strides = array<i32>} : memref<80x128xf32, #tpu.memory_space<vmem>>, vector<1x16xf32>,
          %parallel_loop3A_111 = vector.shape_cast %parallel_loop3A_110 : vector<1x16xf32> to vector<16xf32>
          %parallel_loop3A_112 = arith.index_cast %parallel_loop3A_89 : i32 to index
          %parallel_loop3A_113 = arith.constant 32 : index
          %parallel_loop3A_114 = tpu.vector_load %arg15[%parallel_loop3A_112, %parallel_loop3A_113] {strides = array<i32>} : memref<80x128xf32, #tpu.memory_space<vmem>>, vector<1x16xf32>,
          %parallel_loop3A_115 = vector.shape_cast %parallel_loop3A_114 : vector<1x16xf32> to vector<16xf32>
          %parallel_loop3A_116 = arith.mulf %parallel_loop3A_111, %parallel_loop3A_115 : vector<16xf32>
          %parallel_loop3A_117 = arith.index_cast %parallel_loop3A_89 : i32 to index
          %parallel_loop3A_118 = arith.constant 48 : index
          %parallel_loop3A_119 = tpu.vector_load %arg11[%parallel_loop3A_117, %parallel_loop3A_118] {strides = array<i32>} : memref<80x128xf32, #tpu.memory_space<vmem>>, vector<1x16xf32>,
          %parallel_loop3A_120 = vector.shape_cast %parallel_loop3A_119 : vector<1x16xf32> to vector<16xf32>
          %parallel_loop3A_121 = arith.index_cast %parallel_loop3A_89 : i32 to index
          %parallel_loop3A_122 = arith.constant 48 : index
          %parallel_loop3A_123 = tpu.vector_load %arg15[%parallel_loop3A_121, %parallel_loop3A_122] {strides = array<i32>} : memref<80x128xf32, #tpu.memory_space<vmem>>, vector<1x16xf32>,
          %parallel_loop3A_124 = vector.shape_cast %parallel_loop3A_123 : vector<1x16xf32> to vector<16xf32>
          %parallel_loop3A_125 = arith.mulf %parallel_loop3A_120, %parallel_loop3A_124 : vector<16xf32>
          %parallel_loop3A_126 = arith.index_cast %parallel_loop3A_89 : i32 to index
          %parallel_loop3A_127 = arith.constant 64 : index
          %parallel_loop3A_128 = tpu.vector_load %arg11[%parallel_loop3A_126, %parallel_loop3A_127] {strides = array<i32>} : memref<80x128xf32, #tpu.memory_space<vmem>>, vector<1x16xf32>,
          %parallel_loop3A_129 = vector.shape_cast %parallel_loop3A_128 : vector<1x16xf32> to vector<16xf32>
          %parallel_loop3A_130 = arith.index_cast %parallel_loop3A_89 : i32 to index
          %parallel_loop3A_131 = arith.constant 64 : index
          %parallel_loop3A_132 = tpu.vector_load %arg15[%parallel_loop3A_130, %parallel_loop3A_131] {strides = array<i32>} : memref<80x128xf32, #tpu.memory_space<vmem>>, vector<1x16xf32>,
          %parallel_loop3A_133 = vector.shape_cast %parallel_loop3A_132 : vector<1x16xf32> to vector<16xf32>
          %parallel_loop3A_134 = arith.mulf %parallel_loop3A_129, %parallel_loop3A_133 : vector<16xf32>
          %parallel_loop3A_135 = arith.index_cast %parallel_loop3A_89 : i32 to index
          %parallel_loop3A_136 = arith.constant 80 : index
          %parallel_loop3A_137 = tpu.vector_load %arg11[%parallel_loop3A_135, %parallel_loop3A_136] {strides = array<i32>} : memref<80x128xf32, #tpu.memory_space<vmem>>, vector<1x16xf32>,
          %parallel_loop3A_138 = vector.shape_cast %parallel_loop3A_137 : vector<1x16xf32> to vector<16xf32>
          %parallel_loop3A_139 = arith.index_cast %parallel_loop3A_89 : i32 to index
          %parallel_loop3A_140 = arith.constant 80 : index
          %parallel_loop3A_141 = tpu.vector_load %arg15[%parallel_loop3A_139, %parallel_loop3A_140] {strides = array<i32>} : memref<80x128xf32, #tpu.memory_space<vmem>>, vector<1x16xf32>,
          %parallel_loop3A_142 = vector.shape_cast %parallel_loop3A_141 : vector<1x16xf32> to vector<16xf32>
          %parallel_loop3A_143 = arith.mulf %parallel_loop3A_138, %parallel_loop3A_142 : vector<16xf32>
          %parallel_loop3A_144 = arith.index_cast %parallel_loop3A_89 : i32 to index
          %parallel_loop3A_145 = arith.constant 96 : index
          %parallel_loop3A_146 = tpu.vector_load %arg11[%parallel_loop3A_144, %parallel_loop3A_145] {strides = array<i32>} : memref<80x128xf32, #tpu.memory_space<vmem>>, vector<1x16xf32>,
          %parallel_loop3A_147 = vector.shape_cast %parallel_loop3A_146 : vector<1x16xf32> to vector<16xf32>
          %parallel_loop3A_148 = arith.index_cast %parallel_loop3A_89 : i32 to index
          %parallel_loop3A_149 = arith.constant 96 : index
          %parallel_loop3A_150 = tpu.vector_load %arg15[%parallel_loop3A_148, %parallel_loop3A_149] {strides = array<i32>} : memref<80x128xf32, #tpu.memory_space<vmem>>, vector<1x16xf32>,
          %parallel_loop3A_151 = vector.shape_cast %parallel_loop3A_150 : vector<1x16xf32> to vector<16xf32>
          %parallel_loop3A_152 = arith.mulf %parallel_loop3A_147, %parallel_loop3A_151 : vector<16xf32>
          %parallel_loop3A_153 = arith.index_cast %parallel_loop3A_89 : i32 to index
          %parallel_loop3A_154 = arith.constant 112 : index
          %parallel_loop3A_155 = tpu.vector_load %arg11[%parallel_loop3A_153, %parallel_loop3A_154] {strides = array<i32>} : memref<80x128xf32, #tpu.memory_space<vmem>>, vector<1x16xf32>,
          %parallel_loop3A_156 = vector.shape_cast %parallel_loop3A_155 : vector<1x16xf32> to vector<16xf32>
          %parallel_loop3A_157 = arith.index_cast %parallel_loop3A_89 : i32 to index
          %parallel_loop3A_158 = arith.constant 112 : index
          %parallel_loop3A_159 = tpu.vector_load %arg15[%parallel_loop3A_157, %parallel_loop3A_158] {strides = array<i32>} : memref<80x128xf32, #tpu.memory_space<vmem>>, vector<1x16xf32>,
          %parallel_loop3A_160 = vector.shape_cast %parallel_loop3A_159 : vector<1x16xf32> to vector<16xf32>
          %parallel_loop3A_161 = arith.mulf %parallel_loop3A_156, %parallel_loop3A_160 : vector<16xf32>
          %parallel_loop3A_162 = arith.addf %parallel_loop3A_98, %parallel_loop3A_107 : vector<16xf32>
          %parallel_loop3A_163 = arith.addf %parallel_loop3A_116, %parallel_loop3A_125 : vector<16xf32>
          %parallel_loop3A_164 = arith.addf %parallel_loop3A_134, %parallel_loop3A_143 : vector<16xf32>
          %parallel_loop3A_165 = arith.addf %parallel_loop3A_152, %parallel_loop3A_161 : vector<16xf32>
          %parallel_loop3A_166 = arith.addf %parallel_loop3A_162, %parallel_loop3A_163 : vector<16xf32>
          %parallel_loop3A_167 = arith.addf %parallel_loop3A_164, %parallel_loop3A_165 : vector<16xf32>
          %parallel_loop3A_168 = arith.addf %parallel_loop3A_166, %parallel_loop3A_167 : vector<16xf32>
          %parallel_loop3A_169 = arith.index_cast %parallel_loop3A_89 : i32 to index
          %parallel_loop3A_170 = arith.constant 0 : index
          %parallel_loop3A_171 = tpu.vector_load %arg18[%parallel_loop3A_169, %parallel_loop3A_170] {strides = array<i32>} : memref<80x16xf32, #tpu.memory_space<vmem>>, vector<1x16xf32>,
          %parallel_loop3A_172 = vector.shape_cast %parallel_loop3A_171 : vector<1x16xf32> to vector<16xf32>
          %parallel_loop3A_173 = vector.shape_cast %parallel_loop3A_168 : vector<16xf32> to vector<1x16xf32>
          tpu.vector_store %arg18[%parallel_loop3A_169, %parallel_loop3A_170], %parallel_loop3A_173 {strides = array<i32>} : memref<80x16xf32, #tpu.memory_space<vmem>>, vector<1x16xf32>,
        } {sc.loop_unroll_factor = 4 : i64, sc.parallel_access}
        %parallel_loop3A_86 = arith.constant 0 : i32
        %parallel_loop3A_87 = arith.constant 5 : i32
        %parallel_loop3A_88 = arith.constant 1 : i32
        scf.for %parallel_loop3A_89 = %parallel_loop3A_86 to %parallel_loop3A_87 step %parallel_loop3A_88  : i32 {
          %parallel_loop3A_90 = arith.constant 16 : i32
          %parallel_loop3A_91 = arith.muli %parallel_loop3A_89, %parallel_loop3A_90 : i32
          %parallel_loop3A_92 = arith.constant 0 : i32
          %parallel_loop3A_93 = arith.addi %parallel_loop3A_91, %parallel_loop3A_92 : i32
          %parallel_loop3A_94 = arith.index_cast %parallel_loop3A_93 : i32 to index
          %parallel_loop3A_95 = arith.constant 0 : index
          %parallel_loop3A_96 = tpu.vector_load %arg18[%parallel_loop3A_94, %parallel_loop3A_95] {strides = array<i32>} : memref<80x16xf32, #tpu.memory_space<vmem>>, vector<1x16xf32>,
          %parallel_loop3A_97 = vector.shape_cast %parallel_loop3A_96 : vector<1x16xf32> to vector<16xf32>
          %parallel_loop3A_98 = arith.constant 16 : i32
          %parallel_loop3A_99 = arith.muli %parallel_loop3A_89, %parallel_loop3A_98 : i32
          %parallel_loop3A_100 = arith.constant 8 : i32
          %parallel_loop3A_101 = arith.addi %parallel_loop3A_99, %parallel_loop3A_100 : i32
          %parallel_loop3A_102 = arith.index_cast %parallel_loop3A_101 : i32 to index
          %parallel_loop3A_103 = arith.constant 0 : index
          %parallel_loop3A_104 = tpu.vector_load %arg18[%parallel_loop3A_102, %parallel_loop3A_103] {strides = array<i32>} : memref<80x16xf32, #tpu.memory_space<vmem>>, vector<1x16xf32>,
          %parallel_loop3A_105 = vector.shape_cast %parallel_loop3A_104 : vector<1x16xf32> to vector<16xf32>
          %parallel_loop3A_106 = arith.constant 16 : i32
          %parallel_loop3A_107 = arith.muli %parallel_loop3A_89, %parallel_loop3A_106 : i32
          %parallel_loop3A_108 = arith.constant 4 : i32
          %parallel_loop3A_109 = arith.addi %parallel_loop3A_107, %parallel_loop3A_108 : i32
          %parallel_loop3A_110 = arith.index_cast %parallel_loop3A_109 : i32 to index
          %parallel_loop3A_111 = arith.constant 0 : index
          %parallel_loop3A_112 = tpu.vector_load %arg18[%parallel_loop3A_110, %parallel_loop3A_111] {strides = array<i32>} : memref<80x16xf32, #tpu.memory_space<vmem>>, vector<1x16xf32>,
          %parallel_loop3A_113 = vector.shape_cast %parallel_loop3A_112 : vector<1x16xf32> to vector<16xf32>
          %parallel_loop3A_114 = arith.constant 16 : i32
          %parallel_loop3A_115 = arith.muli %parallel_loop3A_89, %parallel_loop3A_114 : i32
          %parallel_loop3A_116 = arith.constant 12 : i32
          %parallel_loop3A_117 = arith.addi %parallel_loop3A_115, %parallel_loop3A_116 : i32
          %parallel_loop3A_118 = arith.index_cast %parallel_loop3A_117 : i32 to index
          %parallel_loop3A_119 = arith.constant 0 : index
          %parallel_loop3A_120 = tpu.vector_load %arg18[%parallel_loop3A_118, %parallel_loop3A_119] {strides = array<i32>} : memref<80x16xf32, #tpu.memory_space<vmem>>, vector<1x16xf32>,
          %parallel_loop3A_121 = vector.shape_cast %parallel_loop3A_120 : vector<1x16xf32> to vector<16xf32>
          %parallel_loop3A_122 = arith.constant 16 : i32
          %parallel_loop3A_123 = arith.muli %parallel_loop3A_89, %parallel_loop3A_122 : i32
          %parallel_loop3A_124 = arith.constant 2 : i32
          %parallel_loop3A_125 = arith.addi %parallel_loop3A_123, %parallel_loop3A_124 : i32
          %parallel_loop3A_126 = arith.index_cast %parallel_loop3A_125 : i32 to index
          %parallel_loop3A_127 = arith.constant 0 : index
          %parallel_loop3A_128 = tpu.vector_load %arg18[%parallel_loop3A_126, %parallel_loop3A_127] {strides = array<i32>} : memref<80x16xf32, #tpu.memory_space<vmem>>, vector<1x16xf32>,
          %parallel_loop3A_129 = vector.shape_cast %parallel_loop3A_128 : vector<1x16xf32> to vector<16xf32>
          %parallel_loop3A_130 = arith.constant 16 : i32
          %parallel_loop3A_131 = arith.muli %parallel_loop3A_89, %parallel_loop3A_130 : i32
          %parallel_loop3A_132 = arith.constant 10 : i32
          %parallel_loop3A_133 = arith.addi %parallel_loop3A_131, %parallel_loop3A_132 : i32
          %parallel_loop3A_134 = arith.index_cast %parallel_loop3A_133 : i32 to index
          %parallel_loop3A_135 = arith.constant 0 : index
          %parallel_loop3A_136 = tpu.vector_load %arg18[%parallel_loop3A_134, %parallel_loop3A_135] {strides = array<i32>} : memref<80x16xf32, #tpu.memory_space<vmem>>, vector<1x16xf32>,
          %parallel_loop3A_137 = vector.shape_cast %parallel_loop3A_136 : vector<1x16xf32> to vector<16xf32>
          %parallel_loop3A_138 = arith.constant 16 : i32
          %parallel_loop3A_139 = arith.muli %parallel_loop3A_89, %parallel_loop3A_138 : i32
          %parallel_loop3A_140 = arith.constant 6 : i32
          %parallel_loop3A_141 = arith.addi %parallel_loop3A_139, %parallel_loop3A_140 : i32
          %parallel_loop3A_142 = arith.index_cast %parallel_loop3A_141 : i32 to index
          %parallel_loop3A_143 = arith.constant 0 : index
          %parallel_loop3A_144 = tpu.vector_load %arg18[%parallel_loop3A_142, %parallel_loop3A_143] {strides = array<i32>} : memref<80x16xf32, #tpu.memory_space<vmem>>, vector<1x16xf32>,
          %parallel_loop3A_145 = vector.shape_cast %parallel_loop3A_144 : vector<1x16xf32> to vector<16xf32>
          %parallel_loop3A_146 = arith.constant 16 : i32
          %parallel_loop3A_147 = arith.muli %parallel_loop3A_89, %parallel_loop3A_146 : i32
          %parallel_loop3A_148 = arith.constant 14 : i32
          %parallel_loop3A_149 = arith.addi %parallel_loop3A_147, %parallel_loop3A_148 : i32
          %parallel_loop3A_150 = arith.index_cast %parallel_loop3A_149 : i32 to index
          %parallel_loop3A_151 = arith.constant 0 : index
          %parallel_loop3A_152 = tpu.vector_load %arg18[%parallel_loop3A_150, %parallel_loop3A_151] {strides = array<i32>} : memref<80x16xf32, #tpu.memory_space<vmem>>, vector<1x16xf32>,
          %parallel_loop3A_153 = vector.shape_cast %parallel_loop3A_152 : vector<1x16xf32> to vector<16xf32>
          %parallel_loop3A_154 = arith.constant 16 : i32
          %parallel_loop3A_155 = arith.muli %parallel_loop3A_89, %parallel_loop3A_154 : i32
          %parallel_loop3A_156 = arith.constant 1 : i32
          %parallel_loop3A_157 = arith.addi %parallel_loop3A_155, %parallel_loop3A_156 : i32
          %parallel_loop3A_158 = arith.index_cast %parallel_loop3A_157 : i32 to index
          %parallel_loop3A_159 = arith.constant 0 : index
          %parallel_loop3A_160 = tpu.vector_load %arg18[%parallel_loop3A_158, %parallel_loop3A_159] {strides = array<i32>} : memref<80x16xf32, #tpu.memory_space<vmem>>, vector<1x16xf32>,
          %parallel_loop3A_161 = vector.shape_cast %parallel_loop3A_160 : vector<1x16xf32> to vector<16xf32>
          %parallel_loop3A_162 = arith.constant 16 : i32
          %parallel_loop3A_163 = arith.muli %parallel_loop3A_89, %parallel_loop3A_162 : i32
          %parallel_loop3A_164 = arith.constant 9 : i32
          %parallel_loop3A_165 = arith.addi %parallel_loop3A_163, %parallel_loop3A_164 : i32
          %parallel_loop3A_166 = arith.index_cast %parallel_loop3A_165 : i32 to index
          %parallel_loop3A_167 = arith.constant 0 : index
          %parallel_loop3A_168 = tpu.vector_load %arg18[%parallel_loop3A_166, %parallel_loop3A_167] {strides = array<i32>} : memref<80x16xf32, #tpu.memory_space<vmem>>, vector<1x16xf32>,
          %parallel_loop3A_169 = vector.shape_cast %parallel_loop3A_168 : vector<1x16xf32> to vector<16xf32>
          %parallel_loop3A_170 = arith.constant 16 : i32
          %parallel_loop3A_171 = arith.muli %parallel_loop3A_89, %parallel_loop3A_170 : i32
          %parallel_loop3A_172 = arith.constant 5 : i32
          %parallel_loop3A_173 = arith.addi %parallel_loop3A_171, %parallel_loop3A_172 : i32
          %parallel_loop3A_174 = arith.index_cast %parallel_loop3A_173 : i32 to index
          %parallel_loop3A_175 = arith.constant 0 : index
          %parallel_loop3A_176 = tpu.vector_load %arg18[%parallel_loop3A_174, %parallel_loop3A_175] {strides = array<i32>} : memref<80x16xf32, #tpu.memory_space<vmem>>, vector<1x16xf32>,
          %parallel_loop3A_177 = vector.shape_cast %parallel_loop3A_176 : vector<1x16xf32> to vector<16xf32>
          %parallel_loop3A_178 = arith.constant 16 : i32
          %parallel_loop3A_179 = arith.muli %parallel_loop3A_89, %parallel_loop3A_178 : i32
          %parallel_loop3A_180 = arith.constant 13 : i32
          %parallel_loop3A_181 = arith.addi %parallel_loop3A_179, %parallel_loop3A_180 : i32
          %parallel_loop3A_182 = arith.index_cast %parallel_loop3A_181 : i32 to index
          %parallel_loop3A_183 = arith.constant 0 : index
          %parallel_loop3A_184 = tpu.vector_load %arg18[%parallel_loop3A_182, %parallel_loop3A_183] {strides = array<i32>} : memref<80x16xf32, #tpu.memory_space<vmem>>, vector<1x16xf32>,
          %parallel_loop3A_185 = vector.shape_cast %parallel_loop3A_184 : vector<1x16xf32> to vector<16xf32>
          %parallel_loop3A_186 = arith.constant 16 : i32
          %parallel_loop3A_187 = arith.muli %parallel_loop3A_89, %parallel_loop3A_186 : i32
          %parallel_loop3A_188 = arith.constant 3 : i32
          %parallel_loop3A_189 = arith.addi %parallel_loop3A_187, %parallel_loop3A_188 : i32
          %parallel_loop3A_190 = arith.index_cast %parallel_loop3A_189 : i32 to index
          %parallel_loop3A_191 = arith.constant 0 : index
          %parallel_loop3A_192 = tpu.vector_load %arg18[%parallel_loop3A_190, %parallel_loop3A_191] {strides = array<i32>} : memref<80x16xf32, #tpu.memory_space<vmem>>, vector<1x16xf32>,
          %parallel_loop3A_193 = vector.shape_cast %parallel_loop3A_192 : vector<1x16xf32> to vector<16xf32>
          %parallel_loop3A_194 = arith.constant 16 : i32
          %parallel_loop3A_195 = arith.muli %parallel_loop3A_89, %parallel_loop3A_194 : i32
          %parallel_loop3A_196 = arith.constant 11 : i32
          %parallel_loop3A_197 = arith.addi %parallel_loop3A_195, %parallel_loop3A_196 : i32
          %parallel_loop3A_198 = arith.index_cast %parallel_loop3A_197 : i32 to index
          %parallel_loop3A_199 = arith.constant 0 : index
          %parallel_loop3A_200 = tpu.vector_load %arg18[%parallel_loop3A_198, %parallel_loop3A_199] {strides = array<i32>} : memref<80x16xf32, #tpu.memory_space<vmem>>, vector<1x16xf32>,
          %parallel_loop3A_201 = vector.shape_cast %parallel_loop3A_200 : vector<1x16xf32> to vector<16xf32>
          %parallel_loop3A_202 = arith.constant 16 : i32
          %parallel_loop3A_203 = arith.muli %parallel_loop3A_89, %parallel_loop3A_202 : i32
          %parallel_loop3A_204 = arith.constant 7 : i32
          %parallel_loop3A_205 = arith.addi %parallel_loop3A_203, %parallel_loop3A_204 : i32
          %parallel_loop3A_206 = arith.index_cast %parallel_loop3A_205 : i32 to index
          %parallel_loop3A_207 = arith.constant 0 : index
          %parallel_loop3A_208 = tpu.vector_load %arg18[%parallel_loop3A_206, %parallel_loop3A_207] {strides = array<i32>} : memref<80x16xf32, #tpu.memory_space<vmem>>, vector<1x16xf32>,
          %parallel_loop3A_209 = vector.shape_cast %parallel_loop3A_208 : vector<1x16xf32> to vector<16xf32>
          %parallel_loop3A_210 = arith.constant 16 : i32
          %parallel_loop3A_211 = arith.muli %parallel_loop3A_89, %parallel_loop3A_210 : i32
          %parallel_loop3A_212 = arith.constant 15 : i32
          %parallel_loop3A_213 = arith.addi %parallel_loop3A_211, %parallel_loop3A_212 : i32
          %parallel_loop3A_214 = arith.index_cast %parallel_loop3A_213 : i32 to index
          %parallel_loop3A_215 = arith.constant 0 : index
          %parallel_loop3A_216 = tpu.vector_load %arg18[%parallel_loop3A_214, %parallel_loop3A_215] {strides = array<i32>} : memref<80x16xf32, #tpu.memory_space<vmem>>, vector<1x16xf32>,
          %parallel_loop3A_217 = vector.shape_cast %parallel_loop3A_216 : vector<1x16xf32> to vector<16xf32>
          %parallel_loop3A_218 = arith.constant 8 : i32
          %parallel_loop3A_219 = vector.broadcast %parallel_loop3A_218 : i32 to vector<16xi32>
          %parallel_loop3A_220 = arith.andi %iota3A, %parallel_loop3A_219 : vector<16xi32>
          %parallel_loop3A_221 = arith.constant 0 : i32
          %parallel_loop3A_222 = vector.broadcast %parallel_loop3A_221 : i32 to vector<16xi32>
          %parallel_loop3A_223 = arith.cmpi eq, %parallel_loop3A_220, %parallel_loop3A_222 : vector<16xi32>
          %parallel_loop3A_224 = arith.constant 8 : i32
          %parallel_loop3A_225 = vector.broadcast %parallel_loop3A_224 : i32 to vector<16xi32>
          %parallel_loop3A_226 = arith.xori %iota3A, %parallel_loop3A_225 : vector<16xi32>
          %parallel_loop3A_227 = vector.shape_cast %parallel_loop3A_226 : vector<16xi32> to vector<16x1xi32>
          %parallel_loop3A_228 = vector.shape_cast %parallel_loop3A_227 : vector<16x1xi32> to vector<16xi32>
          %parallel_loop3A_229 = tpu.dynamic_gather %parallel_loop3A_105[%parallel_loop3A_228] in [0] : vector<16xf32>, vector<16xi32> -> vector<16xf32>
          %parallel_loop3A_230 = arith.select %parallel_loop3A_223, %parallel_loop3A_97, %parallel_loop3A_229 : vector<16xi1>, vector<16xf32>
          %parallel_loop3A_231 = vector.shape_cast %parallel_loop3A_226 : vector<16xi32> to vector<16x1xi32>
          %parallel_loop3A_232 = vector.shape_cast %parallel_loop3A_231 : vector<16x1xi32> to vector<16xi32>
          %parallel_loop3A_233 = tpu.dynamic_gather %parallel_loop3A_97[%parallel_loop3A_232] in [0] : vector<16xf32>, vector<16xi32> -> vector<16xf32>
          %parallel_loop3A_234 = arith.select %parallel_loop3A_223, %parallel_loop3A_233, %parallel_loop3A_105 : vector<16xi1>, vector<16xf32>
          %parallel_loop3A_235 = arith.addf %parallel_loop3A_230, %parallel_loop3A_234 : vector<16xf32>
          %parallel_loop3A_236 = vector.shape_cast %parallel_loop3A_226 : vector<16xi32> to vector<16x1xi32>
          %parallel_loop3A_237 = vector.shape_cast %parallel_loop3A_236 : vector<16x1xi32> to vector<16xi32>
          %parallel_loop3A_238 = tpu.dynamic_gather %parallel_loop3A_121[%parallel_loop3A_237] in [0] : vector<16xf32>, vector<16xi32> -> vector<16xf32>
          %parallel_loop3A_239 = arith.select %parallel_loop3A_223, %parallel_loop3A_113, %parallel_loop3A_238 : vector<16xi1>, vector<16xf32>
          %parallel_loop3A_240 = vector.shape_cast %parallel_loop3A_226 : vector<16xi32> to vector<16x1xi32>
          %parallel_loop3A_241 = vector.shape_cast %parallel_loop3A_240 : vector<16x1xi32> to vector<16xi32>
          %parallel_loop3A_242 = tpu.dynamic_gather %parallel_loop3A_113[%parallel_loop3A_241] in [0] : vector<16xf32>, vector<16xi32> -> vector<16xf32>
          %parallel_loop3A_243 = arith.select %parallel_loop3A_223, %parallel_loop3A_242, %parallel_loop3A_121 : vector<16xi1>, vector<16xf32>
          %parallel_loop3A_244 = arith.addf %parallel_loop3A_239, %parallel_loop3A_243 : vector<16xf32>
          %parallel_loop3A_245 = vector.shape_cast %parallel_loop3A_226 : vector<16xi32> to vector<16x1xi32>
          %parallel_loop3A_246 = vector.shape_cast %parallel_loop3A_245 : vector<16x1xi32> to vector<16xi32>
          %parallel_loop3A_247 = tpu.dynamic_gather %parallel_loop3A_137[%parallel_loop3A_246] in [0] : vector<16xf32>, vector<16xi32> -> vector<16xf32>
          %parallel_loop3A_248 = arith.select %parallel_loop3A_223, %parallel_loop3A_129, %parallel_loop3A_247 : vector<16xi1>, vector<16xf32>
          %parallel_loop3A_249 = vector.shape_cast %parallel_loop3A_226 : vector<16xi32> to vector<16x1xi32>
          %parallel_loop3A_250 = vector.shape_cast %parallel_loop3A_249 : vector<16x1xi32> to vector<16xi32>
          %parallel_loop3A_251 = tpu.dynamic_gather %parallel_loop3A_129[%parallel_loop3A_250] in [0] : vector<16xf32>, vector<16xi32> -> vector<16xf32>
          %parallel_loop3A_252 = arith.select %parallel_loop3A_223, %parallel_loop3A_251, %parallel_loop3A_137 : vector<16xi1>, vector<16xf32>
          %parallel_loop3A_253 = arith.addf %parallel_loop3A_248, %parallel_loop3A_252 : vector<16xf32>
          %parallel_loop3A_254 = vector.shape_cast %parallel_loop3A_226 : vector<16xi32> to vector<16x1xi32>
          %parallel_loop3A_255 = vector.shape_cast %parallel_loop3A_254 : vector<16x1xi32> to vector<16xi32>
          %parallel_loop3A_256 = tpu.dynamic_gather %parallel_loop3A_153[%parallel_loop3A_255] in [0] : vector<16xf32>, vector<16xi32> -> vector<16xf32>
          %parallel_loop3A_257 = arith.select %parallel_loop3A_223, %parallel_loop3A_145, %parallel_loop3A_256 : vector<16xi1>, vector<16xf32>
          %parallel_loop3A_258 = vector.shape_cast %parallel_loop3A_226 : vector<16xi32> to vector<16x1xi32>
          %parallel_loop3A_259 = vector.shape_cast %parallel_loop3A_258 : vector<16x1xi32> to vector<16xi32>
          %parallel_loop3A_260 = tpu.dynamic_gather %parallel_loop3A_145[%parallel_loop3A_259] in [0] : vector<16xf32>, vector<16xi32> -> vector<16xf32>
          %parallel_loop3A_261 = arith.select %parallel_loop3A_223, %parallel_loop3A_260, %parallel_loop3A_153 : vector<16xi1>, vector<16xf32>
          %parallel_loop3A_262 = arith.addf %parallel_loop3A_257, %parallel_loop3A_261 : vector<16xf32>
          %parallel_loop3A_263 = vector.shape_cast %parallel_loop3A_226 : vector<16xi32> to vector<16x1xi32>
          %parallel_loop3A_264 = vector.shape_cast %parallel_loop3A_263 : vector<16x1xi32> to vector<16xi32>
          %parallel_loop3A_265 = tpu.dynamic_gather %parallel_loop3A_169[%parallel_loop3A_264] in [0] : vector<16xf32>, vector<16xi32> -> vector<16xf32>
          %parallel_loop3A_266 = arith.select %parallel_loop3A_223, %parallel_loop3A_161, %parallel_loop3A_265 : vector<16xi1>, vector<16xf32>
          %parallel_loop3A_267 = vector.shape_cast %parallel_loop3A_226 : vector<16xi32> to vector<16x1xi32>
          %parallel_loop3A_268 = vector.shape_cast %parallel_loop3A_267 : vector<16x1xi32> to vector<16xi32>
          %parallel_loop3A_269 = tpu.dynamic_gather %parallel_loop3A_161[%parallel_loop3A_268] in [0] : vector<16xf32>, vector<16xi32> -> vector<16xf32>
          %parallel_loop3A_270 = arith.select %parallel_loop3A_223, %parallel_loop3A_269, %parallel_loop3A_169 : vector<16xi1>, vector<16xf32>
          %parallel_loop3A_271 = arith.addf %parallel_loop3A_266, %parallel_loop3A_270 : vector<16xf32>
          %parallel_loop3A_272 = vector.shape_cast %parallel_loop3A_226 : vector<16xi32> to vector<16x1xi32>
          %parallel_loop3A_273 = vector.shape_cast %parallel_loop3A_272 : vector<16x1xi32> to vector<16xi32>
          %parallel_loop3A_274 = tpu.dynamic_gather %parallel_loop3A_185[%parallel_loop3A_273] in [0] : vector<16xf32>, vector<16xi32> -> vector<16xf32>
          %parallel_loop3A_275 = arith.select %parallel_loop3A_223, %parallel_loop3A_177, %parallel_loop3A_274 : vector<16xi1>, vector<16xf32>
          %parallel_loop3A_276 = vector.shape_cast %parallel_loop3A_226 : vector<16xi32> to vector<16x1xi32>
          %parallel_loop3A_277 = vector.shape_cast %parallel_loop3A_276 : vector<16x1xi32> to vector<16xi32>
          %parallel_loop3A_278 = tpu.dynamic_gather %parallel_loop3A_177[%parallel_loop3A_277] in [0] : vector<16xf32>, vector<16xi32> -> vector<16xf32>
          %parallel_loop3A_279 = arith.select %parallel_loop3A_223, %parallel_loop3A_278, %parallel_loop3A_185 : vector<16xi1>, vector<16xf32>
          %parallel_loop3A_280 = arith.addf %parallel_loop3A_275, %parallel_loop3A_279 : vector<16xf32>
          %parallel_loop3A_281 = vector.shape_cast %parallel_loop3A_226 : vector<16xi32> to vector<16x1xi32>
          %parallel_loop3A_282 = vector.shape_cast %parallel_loop3A_281 : vector<16x1xi32> to vector<16xi32>
          %parallel_loop3A_283 = tpu.dynamic_gather %parallel_loop3A_201[%parallel_loop3A_282] in [0] : vector<16xf32>, vector<16xi32> -> vector<16xf32>
          %parallel_loop3A_284 = arith.select %parallel_loop3A_223, %parallel_loop3A_193, %parallel_loop3A_283 : vector<16xi1>, vector<16xf32>
          %parallel_loop3A_285 = vector.shape_cast %parallel_loop3A_226 : vector<16xi32> to vector<16x1xi32>
          %parallel_loop3A_286 = vector.shape_cast %parallel_loop3A_285 : vector<16x1xi32> to vector<16xi32>
          %parallel_loop3A_287 = tpu.dynamic_gather %parallel_loop3A_193[%parallel_loop3A_286] in [0] : vector<16xf32>, vector<16xi32> -> vector<16xf32>
          %parallel_loop3A_288 = arith.select %parallel_loop3A_223, %parallel_loop3A_287, %parallel_loop3A_201 : vector<16xi1>, vector<16xf32>
          %parallel_loop3A_289 = arith.addf %parallel_loop3A_284, %parallel_loop3A_288 : vector<16xf32>
          %parallel_loop3A_290 = vector.shape_cast %parallel_loop3A_226 : vector<16xi32> to vector<16x1xi32>
          %parallel_loop3A_291 = vector.shape_cast %parallel_loop3A_290 : vector<16x1xi32> to vector<16xi32>
          %parallel_loop3A_292 = tpu.dynamic_gather %parallel_loop3A_217[%parallel_loop3A_291] in [0] : vector<16xf32>, vector<16xi32> -> vector<16xf32>
          %parallel_loop3A_293 = arith.select %parallel_loop3A_223, %parallel_loop3A_209, %parallel_loop3A_292 : vector<16xi1>, vector<16xf32>
          %parallel_loop3A_294 = vector.shape_cast %parallel_loop3A_226 : vector<16xi32> to vector<16x1xi32>
          %parallel_loop3A_295 = vector.shape_cast %parallel_loop3A_294 : vector<16x1xi32> to vector<16xi32>
          %parallel_loop3A_296 = tpu.dynamic_gather %parallel_loop3A_209[%parallel_loop3A_295] in [0] : vector<16xf32>, vector<16xi32> -> vector<16xf32>
          %parallel_loop3A_297 = arith.select %parallel_loop3A_223, %parallel_loop3A_296, %parallel_loop3A_217 : vector<16xi1>, vector<16xf32>
          %parallel_loop3A_298 = arith.addf %parallel_loop3A_293, %parallel_loop3A_297 : vector<16xf32>
          %parallel_loop3A_299 = arith.constant 4 : i32
          %parallel_loop3A_300 = vector.broadcast %parallel_loop3A_299 : i32 to vector<16xi32>
          %parallel_loop3A_301 = arith.andi %iota3A, %parallel_loop3A_300 : vector<16xi32>
          %parallel_loop3A_302 = arith.constant 0 : i32
          %parallel_loop3A_303 = vector.broadcast %parallel_loop3A_302 : i32 to vector<16xi32>
          %parallel_loop3A_304 = arith.cmpi eq, %parallel_loop3A_301, %parallel_loop3A_303 : vector<16xi32>
          %parallel_loop3A_305 = arith.constant 4 : i32
          %parallel_loop3A_306 = vector.broadcast %parallel_loop3A_305 : i32 to vector<16xi32>
          %parallel_loop3A_307 = arith.xori %iota3A, %parallel_loop3A_306 : vector<16xi32>
          %parallel_loop3A_308 = vector.shape_cast %parallel_loop3A_307 : vector<16xi32> to vector<16x1xi32>
          %parallel_loop3A_309 = vector.shape_cast %parallel_loop3A_308 : vector<16x1xi32> to vector<16xi32>
          %parallel_loop3A_310 = tpu.dynamic_gather %parallel_loop3A_244[%parallel_loop3A_309] in [0] : vector<16xf32>, vector<16xi32> -> vector<16xf32>
          %parallel_loop3A_311 = arith.select %parallel_loop3A_304, %parallel_loop3A_235, %parallel_loop3A_310 : vector<16xi1>, vector<16xf32>
          %parallel_loop3A_312 = vector.shape_cast %parallel_loop3A_307 : vector<16xi32> to vector<16x1xi32>
          %parallel_loop3A_313 = vector.shape_cast %parallel_loop3A_312 : vector<16x1xi32> to vector<16xi32>
          %parallel_loop3A_314 = tpu.dynamic_gather %parallel_loop3A_235[%parallel_loop3A_313] in [0] : vector<16xf32>, vector<16xi32> -> vector<16xf32>
          %parallel_loop3A_315 = arith.select %parallel_loop3A_304, %parallel_loop3A_314, %parallel_loop3A_244 : vector<16xi1>, vector<16xf32>
          %parallel_loop3A_316 = arith.addf %parallel_loop3A_311, %parallel_loop3A_315 : vector<16xf32>
          %parallel_loop3A_317 = vector.shape_cast %parallel_loop3A_307 : vector<16xi32> to vector<16x1xi32>
          %parallel_loop3A_318 = vector.shape_cast %parallel_loop3A_317 : vector<16x1xi32> to vector<16xi32>
          %parallel_loop3A_319 = tpu.dynamic_gather %parallel_loop3A_262[%parallel_loop3A_318] in [0] : vector<16xf32>, vector<16xi32> -> vector<16xf32>
          %parallel_loop3A_320 = arith.select %parallel_loop3A_304, %parallel_loop3A_253, %parallel_loop3A_319 : vector<16xi1>, vector<16xf32>
          %parallel_loop3A_321 = vector.shape_cast %parallel_loop3A_307 : vector<16xi32> to vector<16x1xi32>
          %parallel_loop3A_322 = vector.shape_cast %parallel_loop3A_321 : vector<16x1xi32> to vector<16xi32>
          %parallel_loop3A_323 = tpu.dynamic_gather %parallel_loop3A_253[%parallel_loop3A_322] in [0] : vector<16xf32>, vector<16xi32> -> vector<16xf32>
          %parallel_loop3A_324 = arith.select %parallel_loop3A_304, %parallel_loop3A_323, %parallel_loop3A_262 : vector<16xi1>, vector<16xf32>
          %parallel_loop3A_325 = arith.addf %parallel_loop3A_320, %parallel_loop3A_324 : vector<16xf32>
          %parallel_loop3A_326 = vector.shape_cast %parallel_loop3A_307 : vector<16xi32> to vector<16x1xi32>
          %parallel_loop3A_327 = vector.shape_cast %parallel_loop3A_326 : vector<16x1xi32> to vector<16xi32>
          %parallel_loop3A_328 = tpu.dynamic_gather %parallel_loop3A_280[%parallel_loop3A_327] in [0] : vector<16xf32>, vector<16xi32> -> vector<16xf32>
          %parallel_loop3A_329 = arith.select %parallel_loop3A_304, %parallel_loop3A_271, %parallel_loop3A_328 : vector<16xi1>, vector<16xf32>
          %parallel_loop3A_330 = vector.shape_cast %parallel_loop3A_307 : vector<16xi32> to vector<16x1xi32>
          %parallel_loop3A_331 = vector.shape_cast %parallel_loop3A_330 : vector<16x1xi32> to vector<16xi32>
          %parallel_loop3A_332 = tpu.dynamic_gather %parallel_loop3A_271[%parallel_loop3A_331] in [0] : vector<16xf32>, vector<16xi32> -> vector<16xf32>
          %parallel_loop3A_333 = arith.select %parallel_loop3A_304, %parallel_loop3A_332, %parallel_loop3A_280 : vector<16xi1>, vector<16xf32>
          %parallel_loop3A_334 = arith.addf %parallel_loop3A_329, %parallel_loop3A_333 : vector<16xf32>
          %parallel_loop3A_335 = vector.shape_cast %parallel_loop3A_307 : vector<16xi32> to vector<16x1xi32>
          %parallel_loop3A_336 = vector.shape_cast %parallel_loop3A_335 : vector<16x1xi32> to vector<16xi32>
          %parallel_loop3A_337 = tpu.dynamic_gather %parallel_loop3A_298[%parallel_loop3A_336] in [0] : vector<16xf32>, vector<16xi32> -> vector<16xf32>
          %parallel_loop3A_338 = arith.select %parallel_loop3A_304, %parallel_loop3A_289, %parallel_loop3A_337 : vector<16xi1>, vector<16xf32>
          %parallel_loop3A_339 = vector.shape_cast %parallel_loop3A_307 : vector<16xi32> to vector<16x1xi32>
          %parallel_loop3A_340 = vector.shape_cast %parallel_loop3A_339 : vector<16x1xi32> to vector<16xi32>
          %parallel_loop3A_341 = tpu.dynamic_gather %parallel_loop3A_289[%parallel_loop3A_340] in [0] : vector<16xf32>, vector<16xi32> -> vector<16xf32>
          %parallel_loop3A_342 = arith.select %parallel_loop3A_304, %parallel_loop3A_341, %parallel_loop3A_298 : vector<16xi1>, vector<16xf32>
          %parallel_loop3A_343 = arith.addf %parallel_loop3A_338, %parallel_loop3A_342 : vector<16xf32>
          %parallel_loop3A_344 = arith.constant 2 : i32
          %parallel_loop3A_345 = vector.broadcast %parallel_loop3A_344 : i32 to vector<16xi32>
          %parallel_loop3A_346 = arith.andi %iota3A, %parallel_loop3A_345 : vector<16xi32>
          %parallel_loop3A_347 = arith.constant 0 : i32
          %parallel_loop3A_348 = vector.broadcast %parallel_loop3A_347 : i32 to vector<16xi32>
          %parallel_loop3A_349 = arith.cmpi eq, %parallel_loop3A_346, %parallel_loop3A_348 : vector<16xi32>
          %parallel_loop3A_350 = arith.constant 2 : i32
          %parallel_loop3A_351 = vector.broadcast %parallel_loop3A_350 : i32 to vector<16xi32>
          %parallel_loop3A_352 = arith.xori %iota3A, %parallel_loop3A_351 : vector<16xi32>
          %parallel_loop3A_353 = vector.shape_cast %parallel_loop3A_352 : vector<16xi32> to vector<16x1xi32>
          %parallel_loop3A_354 = vector.shape_cast %parallel_loop3A_353 : vector<16x1xi32> to vector<16xi32>
          %parallel_loop3A_355 = tpu.dynamic_gather %parallel_loop3A_325[%parallel_loop3A_354] in [0] : vector<16xf32>, vector<16xi32> -> vector<16xf32>
          %parallel_loop3A_356 = arith.select %parallel_loop3A_349, %parallel_loop3A_316, %parallel_loop3A_355 : vector<16xi1>, vector<16xf32>
          %parallel_loop3A_357 = vector.shape_cast %parallel_loop3A_352 : vector<16xi32> to vector<16x1xi32>
          %parallel_loop3A_358 = vector.shape_cast %parallel_loop3A_357 : vector<16x1xi32> to vector<16xi32>
          %parallel_loop3A_359 = tpu.dynamic_gather %parallel_loop3A_316[%parallel_loop3A_358] in [0] : vector<16xf32>, vector<16xi32> -> vector<16xf32>
          %parallel_loop3A_360 = arith.select %parallel_loop3A_349, %parallel_loop3A_359, %parallel_loop3A_325 : vector<16xi1>, vector<16xf32>
          %parallel_loop3A_361 = arith.addf %parallel_loop3A_356, %parallel_loop3A_360 : vector<16xf32>
          %parallel_loop3A_362 = vector.shape_cast %parallel_loop3A_352 : vector<16xi32> to vector<16x1xi32>
          %parallel_loop3A_363 = vector.shape_cast %parallel_loop3A_362 : vector<16x1xi32> to vector<16xi32>
          %parallel_loop3A_364 = tpu.dynamic_gather %parallel_loop3A_343[%parallel_loop3A_363] in [0] : vector<16xf32>, vector<16xi32> -> vector<16xf32>
          %parallel_loop3A_365 = arith.select %parallel_loop3A_349, %parallel_loop3A_334, %parallel_loop3A_364 : vector<16xi1>, vector<16xf32>
          %parallel_loop3A_366 = vector.shape_cast %parallel_loop3A_352 : vector<16xi32> to vector<16x1xi32>
          %parallel_loop3A_367 = vector.shape_cast %parallel_loop3A_366 : vector<16x1xi32> to vector<16xi32>
          %parallel_loop3A_368 = tpu.dynamic_gather %parallel_loop3A_334[%parallel_loop3A_367] in [0] : vector<16xf32>, vector<16xi32> -> vector<16xf32>
          %parallel_loop3A_369 = arith.select %parallel_loop3A_349, %parallel_loop3A_368, %parallel_loop3A_343 : vector<16xi1>, vector<16xf32>
          %parallel_loop3A_370 = arith.addf %parallel_loop3A_365, %parallel_loop3A_369 : vector<16xf32>
          %parallel_loop3A_371 = arith.constant 1 : i32
          %parallel_loop3A_372 = vector.broadcast %parallel_loop3A_371 : i32 to vector<16xi32>
          %parallel_loop3A_373 = arith.andi %iota3A, %parallel_loop3A_372 : vector<16xi32>
          %parallel_loop3A_374 = arith.constant 0 : i32
          %parallel_loop3A_375 = vector.broadcast %parallel_loop3A_374 : i32 to vector<16xi32>
          %parallel_loop3A_376 = arith.cmpi eq, %parallel_loop3A_373, %parallel_loop3A_375 : vector<16xi32>
          %parallel_loop3A_377 = arith.constant 1 : i32
          %parallel_loop3A_378 = vector.broadcast %parallel_loop3A_377 : i32 to vector<16xi32>
          %parallel_loop3A_379 = arith.xori %iota3A, %parallel_loop3A_378 : vector<16xi32>
          %parallel_loop3A_380 = vector.shape_cast %parallel_loop3A_379 : vector<16xi32> to vector<16x1xi32>
          %parallel_loop3A_381 = vector.shape_cast %parallel_loop3A_380 : vector<16x1xi32> to vector<16xi32>
          %parallel_loop3A_382 = tpu.dynamic_gather %parallel_loop3A_370[%parallel_loop3A_381] in [0] : vector<16xf32>, vector<16xi32> -> vector<16xf32>
          %parallel_loop3A_383 = arith.select %parallel_loop3A_376, %parallel_loop3A_361, %parallel_loop3A_382 : vector<16xi1>, vector<16xf32>
          %parallel_loop3A_384 = vector.shape_cast %parallel_loop3A_379 : vector<16xi32> to vector<16x1xi32>
          %parallel_loop3A_385 = vector.shape_cast %parallel_loop3A_384 : vector<16x1xi32> to vector<16xi32>
          %parallel_loop3A_386 = tpu.dynamic_gather %parallel_loop3A_361[%parallel_loop3A_385] in [0] : vector<16xf32>, vector<16xi32> -> vector<16xf32>
          %parallel_loop3A_387 = arith.select %parallel_loop3A_376, %parallel_loop3A_386, %parallel_loop3A_370 : vector<16xi1>, vector<16xf32>
          %parallel_loop3A_388 = arith.addf %parallel_loop3A_383, %parallel_loop3A_387 : vector<16xf32>
          %parallel_loop3A_389 = arith.constant 80 : i32
          %parallel_loop3A_390 = arith.muli %add3A_52, %parallel_loop3A_389 : i32
          %parallel_loop3A_391 = arith.constant 16 : i32
          %parallel_loop3A_392 = arith.muli %parallel_loop3A_89, %parallel_loop3A_391 : i32
          %parallel_loop3A_393 = arith.addi %parallel_loop3A_390, %parallel_loop3A_392 : i32
          %parallel_loop3A_394 = arith.index_cast %parallel_loop3A_393 : i32 to index
          %parallel_loop3A_395 = tpu.vector_load %arg17[%parallel_loop3A_394] {strides = array<i32>} : memref<10000xf32, #tpu.memory_space<vmem>>, vector<16xf32>,
          %parallel_loop3A_396 = vector.shape_cast %parallel_loop3A_395 : vector<16xf32> to vector<16xf32>
          %parallel_loop3A_397 = vector.shape_cast %parallel_loop3A_388 : vector<16xf32> to vector<16xf32>
          tpu.vector_store %arg17[%parallel_loop3A_394], %parallel_loop3A_397 {strides = array<i32>} : memref<10000xf32, #tpu.memory_space<vmem>>, vector<16xf32>,
        } {sc.loop_unroll_factor = 1 : i64, sc.parallel_access}
      } else {
      }
      %add3A_58 = arith.constant 3 : i32
      %add3A_59 = arith.addi %mul3A_39, %add3A_58 : i32
      %lt3A_60 = arith.constant 125 : i32
      %lt3A_61 = arith.cmpi slt, %add3A_59, %lt3A_60 : i32
      %convert_element_type3A_62 = arith.extui %lt3A_61 : i1 to i32
      %cond3A_63 = arith.constant 0 : i32
      %cond3A_64 = arith.cmpi ne, %convert_element_type3A_62, %cond3A_63 : i32
      scf.if %cond3A_64 {
        %add3A_65 = arith.constant 4 : i32
        %add3A_66 = arith.addi %add3A_59, %add3A_65 : i32
        %sub3A = arith.constant 1 : i32
        %sub3A_67 = arith.subi %add3A_66, %sub3A : i32
        %lt3A_68 = arith.constant 125 : i32
        %lt3A_69 = arith.cmpi slt, %sub3A_67, %lt3A_68 : i32
        %convert_element_type3A_70 = arith.extui %lt3A_69 : i1 to i32
        %cond3A_71 = arith.constant 0 : i32
        %cond3A_72 = arith.cmpi ne, %convert_element_type3A_70, %cond3A_71 : i32
        scf.if %cond3A_72 {
          %add3A_89 = arith.constant 4 : i32
          %add3A_90 = arith.addi %add3A_59, %add3A_89 : i32
          %sub3A_91 = arith.constant 1 : i32
          %sub3A_92 = arith.subi %add3A_90, %sub3A_91 : i32
          %mul3A_93 = arith.constant 80 : i32
          %mul3A_94 = arith.muli %sub3A_92, %mul3A_93 : i32
          %mul3A_95 = arith.constant 80 : i32
          %mul3A_96 = arith.muli %sub3A_92, %mul3A_95 : i32
          %dma_start3A_97 = tpu.memref_slice %arg7[%mul3A_94] : memref<10000xi32, #tpu.memory_space<vmem>> -> memref<80xi32, #tpu.memory_space<vmem>>
          %dma_start3A_98 = arith.constant 0 : i32
          %dma_start3A_99 = arith.constant 0 : i32
          %dma_start3A_100 = tpu.memref_slice %arg2[%dma_start3A_98, %dma_start3A_99] : memref<10000x128xf32, #tpu.memory_space<hbm>> -> memref<10000x128xf32, #tpu.memory_space<hbm>>
          tpu.enqueue_indirect_dma source(%dma_start3A_100 : memref<10000x128xf32, #tpu.memory_space<hbm>>) target(%arg11 : memref<80x128xf32, #tpu.memory_space<vmem>>) offsets(%dma_start3A_97 : memref<80xi32, #tpu.memory_space<vmem>>) semaphore(%arg21 : memref<!tpu.dma_semaphore, #tpu.memory_space<semaphore_mem>>)
          %dma_start3A_101 = tpu.memref_slice %arg8[%mul3A_96] : memref<10000xi32, #tpu.memory_space<vmem>> -> memref<80xi32, #tpu.memory_space<vmem>>
          %dma_start3A_102 = arith.constant 0 : i32
          %dma_start3A_103 = arith.constant 0 : i32
          %dma_start3A_104 = tpu.memref_slice %arg3[%dma_start3A_102, %dma_start3A_103] : memref<10000x128xf32, #tpu.memory_space<hbm>> -> memref<10000x128xf32, #tpu.memory_space<hbm>>
          tpu.enqueue_indirect_dma source(%dma_start3A_104 : memref<10000x128xf32, #tpu.memory_space<hbm>>) target(%arg15 : memref<80x128xf32, #tpu.memory_space<vmem>>) offsets(%dma_start3A_101 : memref<80xi32, #tpu.memory_space<vmem>>) semaphore(%arg25 : memref<!tpu.dma_semaphore, #tpu.memory_space<semaphore_mem>>)
        } else {
        }
        %mul3A_73 = arith.constant 80 : i32
        %mul3A_74 = arith.muli %add3A_59, %mul3A_73 : i32
        %mul3A_75 = arith.constant 80 : i32
        %mul3A_76 = arith.muli %add3A_59, %mul3A_75 : i32
        %dma_wait3A = tpu.memref_slice %arg7[%mul3A_74] : memref<10000xi32, #tpu.memory_space<vmem>> -> memref<80xi32, #tpu.memory_space<vmem>>
        %dma_wait3A_77 = arith.constant 0 : i32
        %dma_wait3A_78 = arith.constant 0 : i32
        %dma_wait3A_79 = tpu.memref_slice %arg2[%dma_wait3A_77, %dma_wait3A_78] : memref<10000x128xf32, #tpu.memory_space<hbm>> -> memref<10000x128xf32, #tpu.memory_space<hbm>>
        tpu.wait_indirect_dma semaphore(%arg22 : memref<!tpu.dma_semaphore, #tpu.memory_space<semaphore_mem>>) src(%dma_wait3A_79 : memref<10000x128xf32, #tpu.memory_space<hbm>>) dst(%arg12 : memref<80x128xf32, #tpu.memory_space<vmem>>)
        %dma_wait3A_80 = tpu.memref_slice %arg8[%mul3A_76] : memref<10000xi32, #tpu.memory_space<vmem>> -> memref<80xi32, #tpu.memory_space<vmem>>
        %dma_wait3A_81 = arith.constant 0 : i32
        %dma_wait3A_82 = arith.constant 0 : i32
        %dma_wait3A_83 = tpu.memref_slice %arg3[%dma_wait3A_81, %dma_wait3A_82] : memref<10000x128xf32, #tpu.memory_space<hbm>> -> memref<10000x128xf32, #tpu.memory_space<hbm>>
        tpu.wait_indirect_dma semaphore(%arg26 : memref<!tpu.dma_semaphore, #tpu.memory_space<semaphore_mem>>) src(%dma_wait3A_83 : memref<10000x128xf32, #tpu.memory_space<hbm>>) dst(%arg16 : memref<80x128xf32, #tpu.memory_space<vmem>>)
        %iota3A = tpu.iota {dimensions = array<i32: 0>} : vector<16xi32>
        %parallel_loop3A = arith.constant 0 : i32
        %parallel_loop3A_84 = arith.constant 80 : i32
        %parallel_loop3A_85 = arith.constant 1 : i32
        scf.for %parallel_loop3A_89 = %parallel_loop3A to %parallel_loop3A_84 step %parallel_loop3A_85  : i32 {
          %parallel_loop3A_90 = arith.index_cast %parallel_loop3A_89 : i32 to index
          %parallel_loop3A_91 = arith.constant 0 : index
          %parallel_loop3A_92 = tpu.vector_load %arg12[%parallel_loop3A_90, %parallel_loop3A_91] {strides = array<i32>} : memref<80x128xf32, #tpu.memory_space<vmem>>, vector<1x16xf32>,
          %parallel_loop3A_93 = vector.shape_cast %parallel_loop3A_92 : vector<1x16xf32> to vector<16xf32>
          %parallel_loop3A_94 = arith.index_cast %parallel_loop3A_89 : i32 to index
          %parallel_loop3A_95 = arith.constant 0 : index
          %parallel_loop3A_96 = tpu.vector_load %arg16[%parallel_loop3A_94, %parallel_loop3A_95] {strides = array<i32>} : memref<80x128xf32, #tpu.memory_space<vmem>>, vector<1x16xf32>,
          %parallel_loop3A_97 = vector.shape_cast %parallel_loop3A_96 : vector<1x16xf32> to vector<16xf32>
          %parallel_loop3A_98 = arith.mulf %parallel_loop3A_93, %parallel_loop3A_97 : vector<16xf32>
          %parallel_loop3A_99 = arith.index_cast %parallel_loop3A_89 : i32 to index
          %parallel_loop3A_100 = arith.constant 16 : index
          %parallel_loop3A_101 = tpu.vector_load %arg12[%parallel_loop3A_99, %parallel_loop3A_100] {strides = array<i32>} : memref<80x128xf32, #tpu.memory_space<vmem>>, vector<1x16xf32>,
          %parallel_loop3A_102 = vector.shape_cast %parallel_loop3A_101 : vector<1x16xf32> to vector<16xf32>
          %parallel_loop3A_103 = arith.index_cast %parallel_loop3A_89 : i32 to index
          %parallel_loop3A_104 = arith.constant 16 : index
          %parallel_loop3A_105 = tpu.vector_load %arg16[%parallel_loop3A_103, %parallel_loop3A_104] {strides = array<i32>} : memref<80x128xf32, #tpu.memory_space<vmem>>, vector<1x16xf32>,
          %parallel_loop3A_106 = vector.shape_cast %parallel_loop3A_105 : vector<1x16xf32> to vector<16xf32>
          %parallel_loop3A_107 = arith.mulf %parallel_loop3A_102, %parallel_loop3A_106 : vector<16xf32>
          %parallel_loop3A_108 = arith.index_cast %parallel_loop3A_89 : i32 to index
          %parallel_loop3A_109 = arith.constant 32 : index
          %parallel_loop3A_110 = tpu.vector_load %arg12[%parallel_loop3A_108, %parallel_loop3A_109] {strides = array<i32>} : memref<80x128xf32, #tpu.memory_space<vmem>>, vector<1x16xf32>,
          %parallel_loop3A_111 = vector.shape_cast %parallel_loop3A_110 : vector<1x16xf32> to vector<16xf32>
          %parallel_loop3A_112 = arith.index_cast %parallel_loop3A_89 : i32 to index
          %parallel_loop3A_113 = arith.constant 32 : index
          %parallel_loop3A_114 = tpu.vector_load %arg16[%parallel_loop3A_112, %parallel_loop3A_113] {strides = array<i32>} : memref<80x128xf32, #tpu.memory_space<vmem>>, vector<1x16xf32>,
          %parallel_loop3A_115 = vector.shape_cast %parallel_loop3A_114 : vector<1x16xf32> to vector<16xf32>
          %parallel_loop3A_116 = arith.mulf %parallel_loop3A_111, %parallel_loop3A_115 : vector<16xf32>
          %parallel_loop3A_117 = arith.index_cast %parallel_loop3A_89 : i32 to index
          %parallel_loop3A_118 = arith.constant 48 : index
          %parallel_loop3A_119 = tpu.vector_load %arg12[%parallel_loop3A_117, %parallel_loop3A_118] {strides = array<i32>} : memref<80x128xf32, #tpu.memory_space<vmem>>, vector<1x16xf32>,
          %parallel_loop3A_120 = vector.shape_cast %parallel_loop3A_119 : vector<1x16xf32> to vector<16xf32>
          %parallel_loop3A_121 = arith.index_cast %parallel_loop3A_89 : i32 to index
          %parallel_loop3A_122 = arith.constant 48 : index
          %parallel_loop3A_123 = tpu.vector_load %arg16[%parallel_loop3A_121, %parallel_loop3A_122] {strides = array<i32>} : memref<80x128xf32, #tpu.memory_space<vmem>>, vector<1x16xf32>,
          %parallel_loop3A_124 = vector.shape_cast %parallel_loop3A_123 : vector<1x16xf32> to vector<16xf32>
          %parallel_loop3A_125 = arith.mulf %parallel_loop3A_120, %parallel_loop3A_124 : vector<16xf32>
          %parallel_loop3A_126 = arith.index_cast %parallel_loop3A_89 : i32 to index
          %parallel_loop3A_127 = arith.constant 64 : index
          %parallel_loop3A_128 = tpu.vector_load %arg12[%parallel_loop3A_126, %parallel_loop3A_127] {strides = array<i32>} : memref<80x128xf32, #tpu.memory_space<vmem>>, vector<1x16xf32>,
          %parallel_loop3A_129 = vector.shape_cast %parallel_loop3A_128 : vector<1x16xf32> to vector<16xf32>
          %parallel_loop3A_130 = arith.index_cast %parallel_loop3A_89 : i32 to index
          %parallel_loop3A_131 = arith.constant 64 : index
          %parallel_loop3A_132 = tpu.vector_load %arg16[%parallel_loop3A_130, %parallel_loop3A_131] {strides = array<i32>} : memref<80x128xf32, #tpu.memory_space<vmem>>, vector<1x16xf32>,
          %parallel_loop3A_133 = vector.shape_cast %parallel_loop3A_132 : vector<1x16xf32> to vector<16xf32>
          %parallel_loop3A_134 = arith.mulf %parallel_loop3A_129, %parallel_loop3A_133 : vector<16xf32>
          %parallel_loop3A_135 = arith.index_cast %parallel_loop3A_89 : i32 to index
          %parallel_loop3A_136 = arith.constant 80 : index
          %parallel_loop3A_137 = tpu.vector_load %arg12[%parallel_loop3A_135, %parallel_loop3A_136] {strides = array<i32>} : memref<80x128xf32, #tpu.memory_space<vmem>>, vector<1x16xf32>,
          %parallel_loop3A_138 = vector.shape_cast %parallel_loop3A_137 : vector<1x16xf32> to vector<16xf32>
          %parallel_loop3A_139 = arith.index_cast %parallel_loop3A_89 : i32 to index
          %parallel_loop3A_140 = arith.constant 80 : index
          %parallel_loop3A_141 = tpu.vector_load %arg16[%parallel_loop3A_139, %parallel_loop3A_140] {strides = array<i32>} : memref<80x128xf32, #tpu.memory_space<vmem>>, vector<1x16xf32>,
          %parallel_loop3A_142 = vector.shape_cast %parallel_loop3A_141 : vector<1x16xf32> to vector<16xf32>
          %parallel_loop3A_143 = arith.mulf %parallel_loop3A_138, %parallel_loop3A_142 : vector<16xf32>
          %parallel_loop3A_144 = arith.index_cast %parallel_loop3A_89 : i32 to index
          %parallel_loop3A_145 = arith.constant 96 : index
          %parallel_loop3A_146 = tpu.vector_load %arg12[%parallel_loop3A_144, %parallel_loop3A_145] {strides = array<i32>} : memref<80x128xf32, #tpu.memory_space<vmem>>, vector<1x16xf32>,
          %parallel_loop3A_147 = vector.shape_cast %parallel_loop3A_146 : vector<1x16xf32> to vector<16xf32>
          %parallel_loop3A_148 = arith.index_cast %parallel_loop3A_89 : i32 to index
          %parallel_loop3A_149 = arith.constant 96 : index
          %parallel_loop3A_150 = tpu.vector_load %arg16[%parallel_loop3A_148, %parallel_loop3A_149] {strides = array<i32>} : memref<80x128xf32, #tpu.memory_space<vmem>>, vector<1x16xf32>,
          %parallel_loop3A_151 = vector.shape_cast %parallel_loop3A_150 : vector<1x16xf32> to vector<16xf32>
          %parallel_loop3A_152 = arith.mulf %parallel_loop3A_147, %parallel_loop3A_151 : vector<16xf32>
          %parallel_loop3A_153 = arith.index_cast %parallel_loop3A_89 : i32 to index
          %parallel_loop3A_154 = arith.constant 112 : index
          %parallel_loop3A_155 = tpu.vector_load %arg12[%parallel_loop3A_153, %parallel_loop3A_154] {strides = array<i32>} : memref<80x128xf32, #tpu.memory_space<vmem>>, vector<1x16xf32>,
          %parallel_loop3A_156 = vector.shape_cast %parallel_loop3A_155 : vector<1x16xf32> to vector<16xf32>
          %parallel_loop3A_157 = arith.index_cast %parallel_loop3A_89 : i32 to index
          %parallel_loop3A_158 = arith.constant 112 : index
          %parallel_loop3A_159 = tpu.vector_load %arg16[%parallel_loop3A_157, %parallel_loop3A_158] {strides = array<i32>} : memref<80x128xf32, #tpu.memory_space<vmem>>, vector<1x16xf32>,
          %parallel_loop3A_160 = vector.shape_cast %parallel_loop3A_159 : vector<1x16xf32> to vector<16xf32>
          %parallel_loop3A_161 = arith.mulf %parallel_loop3A_156, %parallel_loop3A_160 : vector<16xf32>
          %parallel_loop3A_162 = arith.addf %parallel_loop3A_98, %parallel_loop3A_107 : vector<16xf32>
          %parallel_loop3A_163 = arith.addf %parallel_loop3A_116, %parallel_loop3A_125 : vector<16xf32>
          %parallel_loop3A_164 = arith.addf %parallel_loop3A_134, %parallel_loop3A_143 : vector<16xf32>
          %parallel_loop3A_165 = arith.addf %parallel_loop3A_152, %parallel_loop3A_161 : vector<16xf32>
          %parallel_loop3A_166 = arith.addf %parallel_loop3A_162, %parallel_loop3A_163 : vector<16xf32>
          %parallel_loop3A_167 = arith.addf %parallel_loop3A_164, %parallel_loop3A_165 : vector<16xf32>
          %parallel_loop3A_168 = arith.addf %parallel_loop3A_166, %parallel_loop3A_167 : vector<16xf32>
          %parallel_loop3A_169 = arith.index_cast %parallel_loop3A_89 : i32 to index
          %parallel_loop3A_170 = arith.constant 0 : index
          %parallel_loop3A_171 = tpu.vector_load %arg18[%parallel_loop3A_169, %parallel_loop3A_170] {strides = array<i32>} : memref<80x16xf32, #tpu.memory_space<vmem>>, vector<1x16xf32>,
          %parallel_loop3A_172 = vector.shape_cast %parallel_loop3A_171 : vector<1x16xf32> to vector<16xf32>
          %parallel_loop3A_173 = vector.shape_cast %parallel_loop3A_168 : vector<16xf32> to vector<1x16xf32>
          tpu.vector_store %arg18[%parallel_loop3A_169, %parallel_loop3A_170], %parallel_loop3A_173 {strides = array<i32>} : memref<80x16xf32, #tpu.memory_space<vmem>>, vector<1x16xf32>,
        } {sc.loop_unroll_factor = 4 : i64, sc.parallel_access}
        %parallel_loop3A_86 = arith.constant 0 : i32
        %parallel_loop3A_87 = arith.constant 5 : i32
        %parallel_loop3A_88 = arith.constant 1 : i32
        scf.for %parallel_loop3A_89 = %parallel_loop3A_86 to %parallel_loop3A_87 step %parallel_loop3A_88  : i32 {
          %parallel_loop3A_90 = arith.constant 16 : i32
          %parallel_loop3A_91 = arith.muli %parallel_loop3A_89, %parallel_loop3A_90 : i32
          %parallel_loop3A_92 = arith.constant 0 : i32
          %parallel_loop3A_93 = arith.addi %parallel_loop3A_91, %parallel_loop3A_92 : i32
          %parallel_loop3A_94 = arith.index_cast %parallel_loop3A_93 : i32 to index
          %parallel_loop3A_95 = arith.constant 0 : index
          %parallel_loop3A_96 = tpu.vector_load %arg18[%parallel_loop3A_94, %parallel_loop3A_95] {strides = array<i32>} : memref<80x16xf32, #tpu.memory_space<vmem>>, vector<1x16xf32>,
          %parallel_loop3A_97 = vector.shape_cast %parallel_loop3A_96 : vector<1x16xf32> to vector<16xf32>
          %parallel_loop3A_98 = arith.constant 16 : i32
          %parallel_loop3A_99 = arith.muli %parallel_loop3A_89, %parallel_loop3A_98 : i32
          %parallel_loop3A_100 = arith.constant 8 : i32
          %parallel_loop3A_101 = arith.addi %parallel_loop3A_99, %parallel_loop3A_100 : i32
          %parallel_loop3A_102 = arith.index_cast %parallel_loop3A_101 : i32 to index
          %parallel_loop3A_103 = arith.constant 0 : index
          %parallel_loop3A_104 = tpu.vector_load %arg18[%parallel_loop3A_102, %parallel_loop3A_103] {strides = array<i32>} : memref<80x16xf32, #tpu.memory_space<vmem>>, vector<1x16xf32>,
          %parallel_loop3A_105 = vector.shape_cast %parallel_loop3A_104 : vector<1x16xf32> to vector<16xf32>
          %parallel_loop3A_106 = arith.constant 16 : i32
          %parallel_loop3A_107 = arith.muli %parallel_loop3A_89, %parallel_loop3A_106 : i32
          %parallel_loop3A_108 = arith.constant 4 : i32
          %parallel_loop3A_109 = arith.addi %parallel_loop3A_107, %parallel_loop3A_108 : i32
          %parallel_loop3A_110 = arith.index_cast %parallel_loop3A_109 : i32 to index
          %parallel_loop3A_111 = arith.constant 0 : index
          %parallel_loop3A_112 = tpu.vector_load %arg18[%parallel_loop3A_110, %parallel_loop3A_111] {strides = array<i32>} : memref<80x16xf32, #tpu.memory_space<vmem>>, vector<1x16xf32>,
          %parallel_loop3A_113 = vector.shape_cast %parallel_loop3A_112 : vector<1x16xf32> to vector<16xf32>
          %parallel_loop3A_114 = arith.constant 16 : i32
          %parallel_loop3A_115 = arith.muli %parallel_loop3A_89, %parallel_loop3A_114 : i32
          %parallel_loop3A_116 = arith.constant 12 : i32
          %parallel_loop3A_117 = arith.addi %parallel_loop3A_115, %parallel_loop3A_116 : i32
          %parallel_loop3A_118 = arith.index_cast %parallel_loop3A_117 : i32 to index
          %parallel_loop3A_119 = arith.constant 0 : index
          %parallel_loop3A_120 = tpu.vector_load %arg18[%parallel_loop3A_118, %parallel_loop3A_119] {strides = array<i32>} : memref<80x16xf32, #tpu.memory_space<vmem>>, vector<1x16xf32>,
          %parallel_loop3A_121 = vector.shape_cast %parallel_loop3A_120 : vector<1x16xf32> to vector<16xf32>
          %parallel_loop3A_122 = arith.constant 16 : i32
          %parallel_loop3A_123 = arith.muli %parallel_loop3A_89, %parallel_loop3A_122 : i32
          %parallel_loop3A_124 = arith.constant 2 : i32
          %parallel_loop3A_125 = arith.addi %parallel_loop3A_123, %parallel_loop3A_124 : i32
          %parallel_loop3A_126 = arith.index_cast %parallel_loop3A_125 : i32 to index
          %parallel_loop3A_127 = arith.constant 0 : index
          %parallel_loop3A_128 = tpu.vector_load %arg18[%parallel_loop3A_126, %parallel_loop3A_127] {strides = array<i32>} : memref<80x16xf32, #tpu.memory_space<vmem>>, vector<1x16xf32>,
          %parallel_loop3A_129 = vector.shape_cast %parallel_loop3A_128 : vector<1x16xf32> to vector<16xf32>
          %parallel_loop3A_130 = arith.constant 16 : i32
          %parallel_loop3A_131 = arith.muli %parallel_loop3A_89, %parallel_loop3A_130 : i32
          %parallel_loop3A_132 = arith.constant 10 : i32
          %parallel_loop3A_133 = arith.addi %parallel_loop3A_131, %parallel_loop3A_132 : i32
          %parallel_loop3A_134 = arith.index_cast %parallel_loop3A_133 : i32 to index
          %parallel_loop3A_135 = arith.constant 0 : index
          %parallel_loop3A_136 = tpu.vector_load %arg18[%parallel_loop3A_134, %parallel_loop3A_135] {strides = array<i32>} : memref<80x16xf32, #tpu.memory_space<vmem>>, vector<1x16xf32>,
          %parallel_loop3A_137 = vector.shape_cast %parallel_loop3A_136 : vector<1x16xf32> to vector<16xf32>
          %parallel_loop3A_138 = arith.constant 16 : i32
          %parallel_loop3A_139 = arith.muli %parallel_loop3A_89, %parallel_loop3A_138 : i32
          %parallel_loop3A_140 = arith.constant 6 : i32
          %parallel_loop3A_141 = arith.addi %parallel_loop3A_139, %parallel_loop3A_140 : i32
          %parallel_loop3A_142 = arith.index_cast %parallel_loop3A_141 : i32 to index
          %parallel_loop3A_143 = arith.constant 0 : index
          %parallel_loop3A_144 = tpu.vector_load %arg18[%parallel_loop3A_142, %parallel_loop3A_143] {strides = array<i32>} : memref<80x16xf32, #tpu.memory_space<vmem>>, vector<1x16xf32>,
          %parallel_loop3A_145 = vector.shape_cast %parallel_loop3A_144 : vector<1x16xf32> to vector<16xf32>
          %parallel_loop3A_146 = arith.constant 16 : i32
          %parallel_loop3A_147 = arith.muli %parallel_loop3A_89, %parallel_loop3A_146 : i32
          %parallel_loop3A_148 = arith.constant 14 : i32
          %parallel_loop3A_149 = arith.addi %parallel_loop3A_147, %parallel_loop3A_148 : i32
          %parallel_loop3A_150 = arith.index_cast %parallel_loop3A_149 : i32 to index
          %parallel_loop3A_151 = arith.constant 0 : index
          %parallel_loop3A_152 = tpu.vector_load %arg18[%parallel_loop3A_150, %parallel_loop3A_151] {strides = array<i32>} : memref<80x16xf32, #tpu.memory_space<vmem>>, vector<1x16xf32>,
          %parallel_loop3A_153 = vector.shape_cast %parallel_loop3A_152 : vector<1x16xf32> to vector<16xf32>
          %parallel_loop3A_154 = arith.constant 16 : i32
          %parallel_loop3A_155 = arith.muli %parallel_loop3A_89, %parallel_loop3A_154 : i32
          %parallel_loop3A_156 = arith.constant 1 : i32
          %parallel_loop3A_157 = arith.addi %parallel_loop3A_155, %parallel_loop3A_156 : i32
          %parallel_loop3A_158 = arith.index_cast %parallel_loop3A_157 : i32 to index
          %parallel_loop3A_159 = arith.constant 0 : index
          %parallel_loop3A_160 = tpu.vector_load %arg18[%parallel_loop3A_158, %parallel_loop3A_159] {strides = array<i32>} : memref<80x16xf32, #tpu.memory_space<vmem>>, vector<1x16xf32>,
          %parallel_loop3A_161 = vector.shape_cast %parallel_loop3A_160 : vector<1x16xf32> to vector<16xf32>
          %parallel_loop3A_162 = arith.constant 16 : i32
          %parallel_loop3A_163 = arith.muli %parallel_loop3A_89, %parallel_loop3A_162 : i32
          %parallel_loop3A_164 = arith.constant 9 : i32
          %parallel_loop3A_165 = arith.addi %parallel_loop3A_163, %parallel_loop3A_164 : i32
          %parallel_loop3A_166 = arith.index_cast %parallel_loop3A_165 : i32 to index
          %parallel_loop3A_167 = arith.constant 0 : index
          %parallel_loop3A_168 = tpu.vector_load %arg18[%parallel_loop3A_166, %parallel_loop3A_167] {strides = array<i32>} : memref<80x16xf32, #tpu.memory_space<vmem>>, vector<1x16xf32>,
          %parallel_loop3A_169 = vector.shape_cast %parallel_loop3A_168 : vector<1x16xf32> to vector<16xf32>
          %parallel_loop3A_170 = arith.constant 16 : i32
          %parallel_loop3A_171 = arith.muli %parallel_loop3A_89, %parallel_loop3A_170 : i32
          %parallel_loop3A_172 = arith.constant 5 : i32
          %parallel_loop3A_173 = arith.addi %parallel_loop3A_171, %parallel_loop3A_172 : i32
          %parallel_loop3A_174 = arith.index_cast %parallel_loop3A_173 : i32 to index
          %parallel_loop3A_175 = arith.constant 0 : index
          %parallel_loop3A_176 = tpu.vector_load %arg18[%parallel_loop3A_174, %parallel_loop3A_175] {strides = array<i32>} : memref<80x16xf32, #tpu.memory_space<vmem>>, vector<1x16xf32>,
          %parallel_loop3A_177 = vector.shape_cast %parallel_loop3A_176 : vector<1x16xf32> to vector<16xf32>
          %parallel_loop3A_178 = arith.constant 16 : i32
          %parallel_loop3A_179 = arith.muli %parallel_loop3A_89, %parallel_loop3A_178 : i32
          %parallel_loop3A_180 = arith.constant 13 : i32
          %parallel_loop3A_181 = arith.addi %parallel_loop3A_179, %parallel_loop3A_180 : i32
          %parallel_loop3A_182 = arith.index_cast %parallel_loop3A_181 : i32 to index
          %parallel_loop3A_183 = arith.constant 0 : index
          %parallel_loop3A_184 = tpu.vector_load %arg18[%parallel_loop3A_182, %parallel_loop3A_183] {strides = array<i32>} : memref<80x16xf32, #tpu.memory_space<vmem>>, vector<1x16xf32>,
          %parallel_loop3A_185 = vector.shape_cast %parallel_loop3A_184 : vector<1x16xf32> to vector<16xf32>
          %parallel_loop3A_186 = arith.constant 16 : i32
          %parallel_loop3A_187 = arith.muli %parallel_loop3A_89, %parallel_loop3A_186 : i32
          %parallel_loop3A_188 = arith.constant 3 : i32
          %parallel_loop3A_189 = arith.addi %parallel_loop3A_187, %parallel_loop3A_188 : i32
          %parallel_loop3A_190 = arith.index_cast %parallel_loop3A_189 : i32 to index
          %parallel_loop3A_191 = arith.constant 0 : index
          %parallel_loop3A_192 = tpu.vector_load %arg18[%parallel_loop3A_190, %parallel_loop3A_191] {strides = array<i32>} : memref<80x16xf32, #tpu.memory_space<vmem>>, vector<1x16xf32>,
          %parallel_loop3A_193 = vector.shape_cast %parallel_loop3A_192 : vector<1x16xf32> to vector<16xf32>
          %parallel_loop3A_194 = arith.constant 16 : i32
          %parallel_loop3A_195 = arith.muli %parallel_loop3A_89, %parallel_loop3A_194 : i32
          %parallel_loop3A_196 = arith.constant 11 : i32
          %parallel_loop3A_197 = arith.addi %parallel_loop3A_195, %parallel_loop3A_196 : i32
          %parallel_loop3A_198 = arith.index_cast %parallel_loop3A_197 : i32 to index
          %parallel_loop3A_199 = arith.constant 0 : index
          %parallel_loop3A_200 = tpu.vector_load %arg18[%parallel_loop3A_198, %parallel_loop3A_199] {strides = array<i32>} : memref<80x16xf32, #tpu.memory_space<vmem>>, vector<1x16xf32>,
          %parallel_loop3A_201 = vector.shape_cast %parallel_loop3A_200 : vector<1x16xf32> to vector<16xf32>
          %parallel_loop3A_202 = arith.constant 16 : i32
          %parallel_loop3A_203 = arith.muli %parallel_loop3A_89, %parallel_loop3A_202 : i32
          %parallel_loop3A_204 = arith.constant 7 : i32
          %parallel_loop3A_205 = arith.addi %parallel_loop3A_203, %parallel_loop3A_204 : i32
          %parallel_loop3A_206 = arith.index_cast %parallel_loop3A_205 : i32 to index
          %parallel_loop3A_207 = arith.constant 0 : index
          %parallel_loop3A_208 = tpu.vector_load %arg18[%parallel_loop3A_206, %parallel_loop3A_207] {strides = array<i32>} : memref<80x16xf32, #tpu.memory_space<vmem>>, vector<1x16xf32>,
          %parallel_loop3A_209 = vector.shape_cast %parallel_loop3A_208 : vector<1x16xf32> to vector<16xf32>
          %parallel_loop3A_210 = arith.constant 16 : i32
          %parallel_loop3A_211 = arith.muli %parallel_loop3A_89, %parallel_loop3A_210 : i32
          %parallel_loop3A_212 = arith.constant 15 : i32
          %parallel_loop3A_213 = arith.addi %parallel_loop3A_211, %parallel_loop3A_212 : i32
          %parallel_loop3A_214 = arith.index_cast %parallel_loop3A_213 : i32 to index
          %parallel_loop3A_215 = arith.constant 0 : index
          %parallel_loop3A_216 = tpu.vector_load %arg18[%parallel_loop3A_214, %parallel_loop3A_215] {strides = array<i32>} : memref<80x16xf32, #tpu.memory_space<vmem>>, vector<1x16xf32>,
          %parallel_loop3A_217 = vector.shape_cast %parallel_loop3A_216 : vector<1x16xf32> to vector<16xf32>
          %parallel_loop3A_218 = arith.constant 8 : i32
          %parallel_loop3A_219 = vector.broadcast %parallel_loop3A_218 : i32 to vector<16xi32>
          %parallel_loop3A_220 = arith.andi %iota3A, %parallel_loop3A_219 : vector<16xi32>
          %parallel_loop3A_221 = arith.constant 0 : i32
          %parallel_loop3A_222 = vector.broadcast %parallel_loop3A_221 : i32 to vector<16xi32>
          %parallel_loop3A_223 = arith.cmpi eq, %parallel_loop3A_220, %parallel_loop3A_222 : vector<16xi32>
          %parallel_loop3A_224 = arith.constant 8 : i32
          %parallel_loop3A_225 = vector.broadcast %parallel_loop3A_224 : i32 to vector<16xi32>
          %parallel_loop3A_226 = arith.xori %iota3A, %parallel_loop3A_225 : vector<16xi32>
          %parallel_loop3A_227 = vector.shape_cast %parallel_loop3A_226 : vector<16xi32> to vector<16x1xi32>
          %parallel_loop3A_228 = vector.shape_cast %parallel_loop3A_227 : vector<16x1xi32> to vector<16xi32>
          %parallel_loop3A_229 = tpu.dynamic_gather %parallel_loop3A_105[%parallel_loop3A_228] in [0] : vector<16xf32>, vector<16xi32> -> vector<16xf32>
          %parallel_loop3A_230 = arith.select %parallel_loop3A_223, %parallel_loop3A_97, %parallel_loop3A_229 : vector<16xi1>, vector<16xf32>
          %parallel_loop3A_231 = vector.shape_cast %parallel_loop3A_226 : vector<16xi32> to vector<16x1xi32>
          %parallel_loop3A_232 = vector.shape_cast %parallel_loop3A_231 : vector<16x1xi32> to vector<16xi32>
          %parallel_loop3A_233 = tpu.dynamic_gather %parallel_loop3A_97[%parallel_loop3A_232] in [0] : vector<16xf32>, vector<16xi32> -> vector<16xf32>
          %parallel_loop3A_234 = arith.select %parallel_loop3A_223, %parallel_loop3A_233, %parallel_loop3A_105 : vector<16xi1>, vector<16xf32>
          %parallel_loop3A_235 = arith.addf %parallel_loop3A_230, %parallel_loop3A_234 : vector<16xf32>
          %parallel_loop3A_236 = vector.shape_cast %parallel_loop3A_226 : vector<16xi32> to vector<16x1xi32>
          %parallel_loop3A_237 = vector.shape_cast %parallel_loop3A_236 : vector<16x1xi32> to vector<16xi32>
          %parallel_loop3A_238 = tpu.dynamic_gather %parallel_loop3A_121[%parallel_loop3A_237] in [0] : vector<16xf32>, vector<16xi32> -> vector<16xf32>
          %parallel_loop3A_239 = arith.select %parallel_loop3A_223, %parallel_loop3A_113, %parallel_loop3A_238 : vector<16xi1>, vector<16xf32>
          %parallel_loop3A_240 = vector.shape_cast %parallel_loop3A_226 : vector<16xi32> to vector<16x1xi32>
          %parallel_loop3A_241 = vector.shape_cast %parallel_loop3A_240 : vector<16x1xi32> to vector<16xi32>
          %parallel_loop3A_242 = tpu.dynamic_gather %parallel_loop3A_113[%parallel_loop3A_241] in [0] : vector<16xf32>, vector<16xi32> -> vector<16xf32>
          %parallel_loop3A_243 = arith.select %parallel_loop3A_223, %parallel_loop3A_242, %parallel_loop3A_121 : vector<16xi1>, vector<16xf32>
          %parallel_loop3A_244 = arith.addf %parallel_loop3A_239, %parallel_loop3A_243 : vector<16xf32>
          %parallel_loop3A_245 = vector.shape_cast %parallel_loop3A_226 : vector<16xi32> to vector<16x1xi32>
          %parallel_loop3A_246 = vector.shape_cast %parallel_loop3A_245 : vector<16x1xi32> to vector<16xi32>
          %parallel_loop3A_247 = tpu.dynamic_gather %parallel_loop3A_137[%parallel_loop3A_246] in [0] : vector<16xf32>, vector<16xi32> -> vector<16xf32>
          %parallel_loop3A_248 = arith.select %parallel_loop3A_223, %parallel_loop3A_129, %parallel_loop3A_247 : vector<16xi1>, vector<16xf32>
          %parallel_loop3A_249 = vector.shape_cast %parallel_loop3A_226 : vector<16xi32> to vector<16x1xi32>
          %parallel_loop3A_250 = vector.shape_cast %parallel_loop3A_249 : vector<16x1xi32> to vector<16xi32>
          %parallel_loop3A_251 = tpu.dynamic_gather %parallel_loop3A_129[%parallel_loop3A_250] in [0] : vector<16xf32>, vector<16xi32> -> vector<16xf32>
          %parallel_loop3A_252 = arith.select %parallel_loop3A_223, %parallel_loop3A_251, %parallel_loop3A_137 : vector<16xi1>, vector<16xf32>
          %parallel_loop3A_253 = arith.addf %parallel_loop3A_248, %parallel_loop3A_252 : vector<16xf32>
          %parallel_loop3A_254 = vector.shape_cast %parallel_loop3A_226 : vector<16xi32> to vector<16x1xi32>
          %parallel_loop3A_255 = vector.shape_cast %parallel_loop3A_254 : vector<16x1xi32> to vector<16xi32>
          %parallel_loop3A_256 = tpu.dynamic_gather %parallel_loop3A_153[%parallel_loop3A_255] in [0] : vector<16xf32>, vector<16xi32> -> vector<16xf32>
          %parallel_loop3A_257 = arith.select %parallel_loop3A_223, %parallel_loop3A_145, %parallel_loop3A_256 : vector<16xi1>, vector<16xf32>
          %parallel_loop3A_258 = vector.shape_cast %parallel_loop3A_226 : vector<16xi32> to vector<16x1xi32>
          %parallel_loop3A_259 = vector.shape_cast %parallel_loop3A_258 : vector<16x1xi32> to vector<16xi32>
          %parallel_loop3A_260 = tpu.dynamic_gather %parallel_loop3A_145[%parallel_loop3A_259] in [0] : vector<16xf32>, vector<16xi32> -> vector<16xf32>
          %parallel_loop3A_261 = arith.select %parallel_loop3A_223, %parallel_loop3A_260, %parallel_loop3A_153 : vector<16xi1>, vector<16xf32>
          %parallel_loop3A_262 = arith.addf %parallel_loop3A_257, %parallel_loop3A_261 : vector<16xf32>
          %parallel_loop3A_263 = vector.shape_cast %parallel_loop3A_226 : vector<16xi32> to vector<16x1xi32>
          %parallel_loop3A_264 = vector.shape_cast %parallel_loop3A_263 : vector<16x1xi32> to vector<16xi32>
          %parallel_loop3A_265 = tpu.dynamic_gather %parallel_loop3A_169[%parallel_loop3A_264] in [0] : vector<16xf32>, vector<16xi32> -> vector<16xf32>
          %parallel_loop3A_266 = arith.select %parallel_loop3A_223, %parallel_loop3A_161, %parallel_loop3A_265 : vector<16xi1>, vector<16xf32>
          %parallel_loop3A_267 = vector.shape_cast %parallel_loop3A_226 : vector<16xi32> to vector<16x1xi32>
          %parallel_loop3A_268 = vector.shape_cast %parallel_loop3A_267 : vector<16x1xi32> to vector<16xi32>
          %parallel_loop3A_269 = tpu.dynamic_gather %parallel_loop3A_161[%parallel_loop3A_268] in [0] : vector<16xf32>, vector<16xi32> -> vector<16xf32>
          %parallel_loop3A_270 = arith.select %parallel_loop3A_223, %parallel_loop3A_269, %parallel_loop3A_169 : vector<16xi1>, vector<16xf32>
          %parallel_loop3A_271 = arith.addf %parallel_loop3A_266, %parallel_loop3A_270 : vector<16xf32>
          %parallel_loop3A_272 = vector.shape_cast %parallel_loop3A_226 : vector<16xi32> to vector<16x1xi32>
          %parallel_loop3A_273 = vector.shape_cast %parallel_loop3A_272 : vector<16x1xi32> to vector<16xi32>
          %parallel_loop3A_274 = tpu.dynamic_gather %parallel_loop3A_185[%parallel_loop3A_273] in [0] : vector<16xf32>, vector<16xi32> -> vector<16xf32>
          %parallel_loop3A_275 = arith.select %parallel_loop3A_223, %parallel_loop3A_177, %parallel_loop3A_274 : vector<16xi1>, vector<16xf32>
          %parallel_loop3A_276 = vector.shape_cast %parallel_loop3A_226 : vector<16xi32> to vector<16x1xi32>
          %parallel_loop3A_277 = vector.shape_cast %parallel_loop3A_276 : vector<16x1xi32> to vector<16xi32>
          %parallel_loop3A_278 = tpu.dynamic_gather %parallel_loop3A_177[%parallel_loop3A_277] in [0] : vector<16xf32>, vector<16xi32> -> vector<16xf32>
          %parallel_loop3A_279 = arith.select %parallel_loop3A_223, %parallel_loop3A_278, %parallel_loop3A_185 : vector<16xi1>, vector<16xf32>
          %parallel_loop3A_280 = arith.addf %parallel_loop3A_275, %parallel_loop3A_279 : vector<16xf32>
          %parallel_loop3A_281 = vector.shape_cast %parallel_loop3A_226 : vector<16xi32> to vector<16x1xi32>
          %parallel_loop3A_282 = vector.shape_cast %parallel_loop3A_281 : vector<16x1xi32> to vector<16xi32>
          %parallel_loop3A_283 = tpu.dynamic_gather %parallel_loop3A_201[%parallel_loop3A_282] in [0] : vector<16xf32>, vector<16xi32> -> vector<16xf32>
          %parallel_loop3A_284 = arith.select %parallel_loop3A_223, %parallel_loop3A_193, %parallel_loop3A_283 : vector<16xi1>, vector<16xf32>
          %parallel_loop3A_285 = vector.shape_cast %parallel_loop3A_226 : vector<16xi32> to vector<16x1xi32>
          %parallel_loop3A_286 = vector.shape_cast %parallel_loop3A_285 : vector<16x1xi32> to vector<16xi32>
          %parallel_loop3A_287 = tpu.dynamic_gather %parallel_loop3A_193[%parallel_loop3A_286] in [0] : vector<16xf32>, vector<16xi32> -> vector<16xf32>
          %parallel_loop3A_288 = arith.select %parallel_loop3A_223, %parallel_loop3A_287, %parallel_loop3A_201 : vector<16xi1>, vector<16xf32>
          %parallel_loop3A_289 = arith.addf %parallel_loop3A_284, %parallel_loop3A_288 : vector<16xf32>
          %parallel_loop3A_290 = vector.shape_cast %parallel_loop3A_226 : vector<16xi32> to vector<16x1xi32>
          %parallel_loop3A_291 = vector.shape_cast %parallel_loop3A_290 : vector<16x1xi32> to vector<16xi32>
          %parallel_loop3A_292 = tpu.dynamic_gather %parallel_loop3A_217[%parallel_loop3A_291] in [0] : vector<16xf32>, vector<16xi32> -> vector<16xf32>
          %parallel_loop3A_293 = arith.select %parallel_loop3A_223, %parallel_loop3A_209, %parallel_loop3A_292 : vector<16xi1>, vector<16xf32>
          %parallel_loop3A_294 = vector.shape_cast %parallel_loop3A_226 : vector<16xi32> to vector<16x1xi32>
          %parallel_loop3A_295 = vector.shape_cast %parallel_loop3A_294 : vector<16x1xi32> to vector<16xi32>
          %parallel_loop3A_296 = tpu.dynamic_gather %parallel_loop3A_209[%parallel_loop3A_295] in [0] : vector<16xf32>, vector<16xi32> -> vector<16xf32>
          %parallel_loop3A_297 = arith.select %parallel_loop3A_223, %parallel_loop3A_296, %parallel_loop3A_217 : vector<16xi1>, vector<16xf32>
          %parallel_loop3A_298 = arith.addf %parallel_loop3A_293, %parallel_loop3A_297 : vector<16xf32>
          %parallel_loop3A_299 = arith.constant 4 : i32
          %parallel_loop3A_300 = vector.broadcast %parallel_loop3A_299 : i32 to vector<16xi32>
          %parallel_loop3A_301 = arith.andi %iota3A, %parallel_loop3A_300 : vector<16xi32>
          %parallel_loop3A_302 = arith.constant 0 : i32
          %parallel_loop3A_303 = vector.broadcast %parallel_loop3A_302 : i32 to vector<16xi32>
          %parallel_loop3A_304 = arith.cmpi eq, %parallel_loop3A_301, %parallel_loop3A_303 : vector<16xi32>
          %parallel_loop3A_305 = arith.constant 4 : i32
          %parallel_loop3A_306 = vector.broadcast %parallel_loop3A_305 : i32 to vector<16xi32>
          %parallel_loop3A_307 = arith.xori %iota3A, %parallel_loop3A_306 : vector<16xi32>
          %parallel_loop3A_308 = vector.shape_cast %parallel_loop3A_307 : vector<16xi32> to vector<16x1xi32>
          %parallel_loop3A_309 = vector.shape_cast %parallel_loop3A_308 : vector<16x1xi32> to vector<16xi32>
          %parallel_loop3A_310 = tpu.dynamic_gather %parallel_loop3A_244[%parallel_loop3A_309] in [0] : vector<16xf32>, vector<16xi32> -> vector<16xf32>
          %parallel_loop3A_311 = arith.select %parallel_loop3A_304, %parallel_loop3A_235, %parallel_loop3A_310 : vector<16xi1>, vector<16xf32>
          %parallel_loop3A_312 = vector.shape_cast %parallel_loop3A_307 : vector<16xi32> to vector<16x1xi32>
          %parallel_loop3A_313 = vector.shape_cast %parallel_loop3A_312 : vector<16x1xi32> to vector<16xi32>
          %parallel_loop3A_314 = tpu.dynamic_gather %parallel_loop3A_235[%parallel_loop3A_313] in [0] : vector<16xf32>, vector<16xi32> -> vector<16xf32>
          %parallel_loop3A_315 = arith.select %parallel_loop3A_304, %parallel_loop3A_314, %parallel_loop3A_244 : vector<16xi1>, vector<16xf32>
          %parallel_loop3A_316 = arith.addf %parallel_loop3A_311, %parallel_loop3A_315 : vector<16xf32>
          %parallel_loop3A_317 = vector.shape_cast %parallel_loop3A_307 : vector<16xi32> to vector<16x1xi32>
          %parallel_loop3A_318 = vector.shape_cast %parallel_loop3A_317 : vector<16x1xi32> to vector<16xi32>
          %parallel_loop3A_319 = tpu.dynamic_gather %parallel_loop3A_262[%parallel_loop3A_318] in [0] : vector<16xf32>, vector<16xi32> -> vector<16xf32>
          %parallel_loop3A_320 = arith.select %parallel_loop3A_304, %parallel_loop3A_253, %parallel_loop3A_319 : vector<16xi1>, vector<16xf32>
          %parallel_loop3A_321 = vector.shape_cast %parallel_loop3A_307 : vector<16xi32> to vector<16x1xi32>
          %parallel_loop3A_322 = vector.shape_cast %parallel_loop3A_321 : vector<16x1xi32> to vector<16xi32>
          %parallel_loop3A_323 = tpu.dynamic_gather %parallel_loop3A_253[%parallel_loop3A_322] in [0] : vector<16xf32>, vector<16xi32> -> vector<16xf32>
          %parallel_loop3A_324 = arith.select %parallel_loop3A_304, %parallel_loop3A_323, %parallel_loop3A_262 : vector<16xi1>, vector<16xf32>
          %parallel_loop3A_325 = arith.addf %parallel_loop3A_320, %parallel_loop3A_324 : vector<16xf32>
          %parallel_loop3A_326 = vector.shape_cast %parallel_loop3A_307 : vector<16xi32> to vector<16x1xi32>
          %parallel_loop3A_327 = vector.shape_cast %parallel_loop3A_326 : vector<16x1xi32> to vector<16xi32>
          %parallel_loop3A_328 = tpu.dynamic_gather %parallel_loop3A_280[%parallel_loop3A_327] in [0] : vector<16xf32>, vector<16xi32> -> vector<16xf32>
          %parallel_loop3A_329 = arith.select %parallel_loop3A_304, %parallel_loop3A_271, %parallel_loop3A_328 : vector<16xi1>, vector<16xf32>
          %parallel_loop3A_330 = vector.shape_cast %parallel_loop3A_307 : vector<16xi32> to vector<16x1xi32>
          %parallel_loop3A_331 = vector.shape_cast %parallel_loop3A_330 : vector<16x1xi32> to vector<16xi32>
          %parallel_loop3A_332 = tpu.dynamic_gather %parallel_loop3A_271[%parallel_loop3A_331] in [0] : vector<16xf32>, vector<16xi32> -> vector<16xf32>
          %parallel_loop3A_333 = arith.select %parallel_loop3A_304, %parallel_loop3A_332, %parallel_loop3A_280 : vector<16xi1>, vector<16xf32>
          %parallel_loop3A_334 = arith.addf %parallel_loop3A_329, %parallel_loop3A_333 : vector<16xf32>
          %parallel_loop3A_335 = vector.shape_cast %parallel_loop3A_307 : vector<16xi32> to vector<16x1xi32>
          %parallel_loop3A_336 = vector.shape_cast %parallel_loop3A_335 : vector<16x1xi32> to vector<16xi32>
          %parallel_loop3A_337 = tpu.dynamic_gather %parallel_loop3A_298[%parallel_loop3A_336] in [0] : vector<16xf32>, vector<16xi32> -> vector<16xf32>
          %parallel_loop3A_338 = arith.select %parallel_loop3A_304, %parallel_loop3A_289, %parallel_loop3A_337 : vector<16xi1>, vector<16xf32>
          %parallel_loop3A_339 = vector.shape_cast %parallel_loop3A_307 : vector<16xi32> to vector<16x1xi32>
          %parallel_loop3A_340 = vector.shape_cast %parallel_loop3A_339 : vector<16x1xi32> to vector<16xi32>
          %parallel_loop3A_341 = tpu.dynamic_gather %parallel_loop3A_289[%parallel_loop3A_340] in [0] : vector<16xf32>, vector<16xi32> -> vector<16xf32>
          %parallel_loop3A_342 = arith.select %parallel_loop3A_304, %parallel_loop3A_341, %parallel_loop3A_298 : vector<16xi1>, vector<16xf32>
          %parallel_loop3A_343 = arith.addf %parallel_loop3A_338, %parallel_loop3A_342 : vector<16xf32>
          %parallel_loop3A_344 = arith.constant 2 : i32
          %parallel_loop3A_345 = vector.broadcast %parallel_loop3A_344 : i32 to vector<16xi32>
          %parallel_loop3A_346 = arith.andi %iota3A, %parallel_loop3A_345 : vector<16xi32>
          %parallel_loop3A_347 = arith.constant 0 : i32
          %parallel_loop3A_348 = vector.broadcast %parallel_loop3A_347 : i32 to vector<16xi32>
          %parallel_loop3A_349 = arith.cmpi eq, %parallel_loop3A_346, %parallel_loop3A_348 : vector<16xi32>
          %parallel_loop3A_350 = arith.constant 2 : i32
          %parallel_loop3A_351 = vector.broadcast %parallel_loop3A_350 : i32 to vector<16xi32>
          %parallel_loop3A_352 = arith.xori %iota3A, %parallel_loop3A_351 : vector<16xi32>
          %parallel_loop3A_353 = vector.shape_cast %parallel_loop3A_352 : vector<16xi32> to vector<16x1xi32>
          %parallel_loop3A_354 = vector.shape_cast %parallel_loop3A_353 : vector<16x1xi32> to vector<16xi32>
          %parallel_loop3A_355 = tpu.dynamic_gather %parallel_loop3A_325[%parallel_loop3A_354] in [0] : vector<16xf32>, vector<16xi32> -> vector<16xf32>
          %parallel_loop3A_356 = arith.select %parallel_loop3A_349, %parallel_loop3A_316, %parallel_loop3A_355 : vector<16xi1>, vector<16xf32>
          %parallel_loop3A_357 = vector.shape_cast %parallel_loop3A_352 : vector<16xi32> to vector<16x1xi32>
          %parallel_loop3A_358 = vector.shape_cast %parallel_loop3A_357 : vector<16x1xi32> to vector<16xi32>
          %parallel_loop3A_359 = tpu.dynamic_gather %parallel_loop3A_316[%parallel_loop3A_358] in [0] : vector<16xf32>, vector<16xi32> -> vector<16xf32>
          %parallel_loop3A_360 = arith.select %parallel_loop3A_349, %parallel_loop3A_359, %parallel_loop3A_325 : vector<16xi1>, vector<16xf32>
          %parallel_loop3A_361 = arith.addf %parallel_loop3A_356, %parallel_loop3A_360 : vector<16xf32>
          %parallel_loop3A_362 = vector.shape_cast %parallel_loop3A_352 : vector<16xi32> to vector<16x1xi32>
          %parallel_loop3A_363 = vector.shape_cast %parallel_loop3A_362 : vector<16x1xi32> to vector<16xi32>
          %parallel_loop3A_364 = tpu.dynamic_gather %parallel_loop3A_343[%parallel_loop3A_363] in [0] : vector<16xf32>, vector<16xi32> -> vector<16xf32>
          %parallel_loop3A_365 = arith.select %parallel_loop3A_349, %parallel_loop3A_334, %parallel_loop3A_364 : vector<16xi1>, vector<16xf32>
          %parallel_loop3A_366 = vector.shape_cast %parallel_loop3A_352 : vector<16xi32> to vector<16x1xi32>
          %parallel_loop3A_367 = vector.shape_cast %parallel_loop3A_366 : vector<16x1xi32> to vector<16xi32>
          %parallel_loop3A_368 = tpu.dynamic_gather %parallel_loop3A_334[%parallel_loop3A_367] in [0] : vector<16xf32>, vector<16xi32> -> vector<16xf32>
          %parallel_loop3A_369 = arith.select %parallel_loop3A_349, %parallel_loop3A_368, %parallel_loop3A_343 : vector<16xi1>, vector<16xf32>
          %parallel_loop3A_370 = arith.addf %parallel_loop3A_365, %parallel_loop3A_369 : vector<16xf32>
          %parallel_loop3A_371 = arith.constant 1 : i32
          %parallel_loop3A_372 = vector.broadcast %parallel_loop3A_371 : i32 to vector<16xi32>
          %parallel_loop3A_373 = arith.andi %iota3A, %parallel_loop3A_372 : vector<16xi32>
          %parallel_loop3A_374 = arith.constant 0 : i32
          %parallel_loop3A_375 = vector.broadcast %parallel_loop3A_374 : i32 to vector<16xi32>
          %parallel_loop3A_376 = arith.cmpi eq, %parallel_loop3A_373, %parallel_loop3A_375 : vector<16xi32>
          %parallel_loop3A_377 = arith.constant 1 : i32
          %parallel_loop3A_378 = vector.broadcast %parallel_loop3A_377 : i32 to vector<16xi32>
          %parallel_loop3A_379 = arith.xori %iota3A, %parallel_loop3A_378 : vector<16xi32>
          %parallel_loop3A_380 = vector.shape_cast %parallel_loop3A_379 : vector<16xi32> to vector<16x1xi32>
          %parallel_loop3A_381 = vector.shape_cast %parallel_loop3A_380 : vector<16x1xi32> to vector<16xi32>
          %parallel_loop3A_382 = tpu.dynamic_gather %parallel_loop3A_370[%parallel_loop3A_381] in [0] : vector<16xf32>, vector<16xi32> -> vector<16xf32>
          %parallel_loop3A_383 = arith.select %parallel_loop3A_376, %parallel_loop3A_361, %parallel_loop3A_382 : vector<16xi1>, vector<16xf32>
          %parallel_loop3A_384 = vector.shape_cast %parallel_loop3A_379 : vector<16xi32> to vector<16x1xi32>
          %parallel_loop3A_385 = vector.shape_cast %parallel_loop3A_384 : vector<16x1xi32> to vector<16xi32>
          %parallel_loop3A_386 = tpu.dynamic_gather %parallel_loop3A_361[%parallel_loop3A_385] in [0] : vector<16xf32>, vector<16xi32> -> vector<16xf32>
          %parallel_loop3A_387 = arith.select %parallel_loop3A_376, %parallel_loop3A_386, %parallel_loop3A_370 : vector<16xi1>, vector<16xf32>
          %parallel_loop3A_388 = arith.addf %parallel_loop3A_383, %parallel_loop3A_387 : vector<16xf32>
          %parallel_loop3A_389 = arith.constant 80 : i32
          %parallel_loop3A_390 = arith.muli %add3A_59, %parallel_loop3A_389 : i32
          %parallel_loop3A_391 = arith.constant 16 : i32
          %parallel_loop3A_392 = arith.muli %parallel_loop3A_89, %parallel_loop3A_391 : i32
          %parallel_loop3A_393 = arith.addi %parallel_loop3A_390, %parallel_loop3A_392 : i32
          %parallel_loop3A_394 = arith.index_cast %parallel_loop3A_393 : i32 to index
          %parallel_loop3A_395 = tpu.vector_load %arg17[%parallel_loop3A_394] {strides = array<i32>} : memref<10000xf32, #tpu.memory_space<vmem>>, vector<16xf32>,
          %parallel_loop3A_396 = vector.shape_cast %parallel_loop3A_395 : vector<16xf32> to vector<16xf32>
          %parallel_loop3A_397 = vector.shape_cast %parallel_loop3A_388 : vector<16xf32> to vector<16xf32>
          tpu.vector_store %arg17[%parallel_loop3A_394], %parallel_loop3A_397 {strides = array<i32>} : memref<10000xf32, #tpu.memory_space<vmem>>, vector<16xf32>,
        } {sc.loop_unroll_factor = 1 : i64, sc.parallel_access}
      } else {
      }
    }
    %scan3A_36 = arith.constant 32 : i32
    "tpu.region"() ({
      %run_scoped3A = tpu.sem_alloc : memref<!tpu.dma_semaphore, #tpu.memory_space<semaphore_mem>>
      %dma_start3A_37 = tpu.memref_slice %arg6[%mul3A_2] : memref<320000xf32, #tpu.memory_space<hbm>> -> memref<10000xf32, #tpu.memory_space<hbm>>
      %dma_start3A_38 = tpu.memref_slice %arg6[%mul3A_2] : memref<320000xf32, #tpu.memory_space<hbm>> -> memref<10000xf32, #tpu.memory_space<hbm>>
      tpu.enqueue_dma source(%arg17 : memref<10000xf32, #tpu.memory_space<vmem>>) target(%dma_start3A_38 : memref<10000xf32, #tpu.memory_space<hbm>>) target_semaphore(%run_scoped3A : memref<!tpu.dma_semaphore, #tpu.memory_space<semaphore_mem>>)
      %dma_wait3A = tpu.memref_slice %arg6[%mul3A_2] : memref<320000xf32, #tpu.memory_space<hbm>> -> memref<10000xf32, #tpu.memory_space<hbm>>
      %dma_wait3A_39 = tpu.memref_slice %arg6[%mul3A_2] : memref<320000xf32, #tpu.memory_space<hbm>> -> memref<10000xf32, #tpu.memory_space<hbm>>
      tpu.wait_dma2 semaphore(%run_scoped3A : memref<!tpu.dma_semaphore, #tpu.memory_space<semaphore_mem>>) src(%arg17 : memref<10000xf32, #tpu.memory_space<vmem>>) dst(%dma_wait3A_39 : memref<10000xf32, #tpu.memory_space<hbm>>)
      tpu.yield
    }) : () -> ()
    return
  }
}

module attributes {stable_mosaic.version = 14 : i64} {
  func.func @_norm_body(%arg0: i32, %arg1: memref<1000x64xf32, #tpu.memory_space<vmem>>, %arg2: memref<1000x64xf32, #tpu.memory_space<vmem>>, %arg3: memref<1000x64xf32, #tpu.memory_space<vmem>>, %arg4: memref<1000x64xf32, #tpu.memory_space<vmem>>, %arg5: memref<1000x128xf32, #tpu.memory_space<vmem>>, %arg6: memref<1000x128xf32, #tpu.memory_space<vmem>>) attributes {dimension_semantics = [#tpu.dimension_semantics<arbitrary>], iteration_bounds = array<i64: 10>, scalar_prefetch = 0 : i64, scratch_operands = 0 : i64, tpu.core_type = #tpu.core_type<tc>, window_params = [{transform_indices = @transform_0, window_bounds = array<i64: 1000, 64>}, {transform_indices = @transform_1, window_bounds = array<i64: 1000, 64>}, {transform_indices = @transform_2, window_bounds = array<i64: 1000, 64>}, {transform_indices = @transform_3, window_bounds = array<i64: 1000, 64>}, {transform_indices = @transform_4, window_bounds = array<i64: 1000, 128>}, {transform_indices = @transform_5, window_bounds = array<i64: 1000, 128>}]} {
    %get3A = arith.constant 0 : index
    %get3A_0 = arith.constant 0 : index
    %get3A_1 = vector.load %arg1[%get3A, %get3A_0] : memref<1000x64xf32, #tpu.memory_space<vmem>>, vector<1000x64xf32>
    %get3A_2 = arith.constant 0 : index
    %get3A_3 = arith.constant 0 : index
    %get3A_4 = vector.load %arg2[%get3A_2, %get3A_3] : memref<1000x64xf32, #tpu.memory_space<vmem>>, vector<1000x64xf32>
    %concatenate3A = tpu.concatenate %get3A_1, %get3A_4 in 1 : vector<1000x64xf32>, vector<1000x64xf32> -> vector<1000x128xf32>
    %get3A_5 = arith.constant 0 : index
    %get3A_6 = arith.constant 0 : index
    %get3A_7 = vector.load %arg3[%get3A_5, %get3A_6] : memref<1000x64xf32, #tpu.memory_space<vmem>>, vector<1000x64xf32>
    %get3A_8 = arith.constant 0 : index
    %get3A_9 = arith.constant 0 : index
    %get3A_10 = vector.load %arg4[%get3A_8, %get3A_9] : memref<1000x64xf32, #tpu.memory_space<vmem>>, vector<1000x64xf32>
    %concatenate3A_11 = tpu.concatenate %get3A_7, %get3A_10 in 1 : vector<1000x64xf32>, vector<1000x64xf32> -> vector<1000x128xf32>
    %mul3A = arith.mulf %concatenate3A, %concatenate3A : vector<1000x128xf32>
    %reduce_sum3A = arith.constant dense<0.000000e+00> : vector<1000xf32>
    %reduce_sum3A_12 = vector.multi_reduction <add>, %mul3A, %reduce_sum3A [1] : vector<1000x128xf32> to vector<1000xf32>
    %broadcast_in_dim3A = vector.shape_cast %reduce_sum3A_12 : vector<1000xf32> to vector<1000x1xf32>
    %sqrt3A = math.sqrt %broadcast_in_dim3A : vector<1000x1xf32>
    %div3A = vector.broadcast %sqrt3A : vector<1000x1xf32> to vector<1000x128xf32>
    %div3A_13 = arith.divf %concatenate3A, %div3A : vector<1000x128xf32>
    %swap3A = arith.constant 0 : index
    %swap3A_14 = arith.constant 0 : index
    %swap3A_15 = vector.load %arg5[%swap3A, %swap3A_14] : memref<1000x128xf32, #tpu.memory_space<vmem>>, vector<1000x128xf32>
    tpu.vector_store %arg5[%swap3A, %swap3A_14], %div3A_13 {strides = array<i32>} : memref<1000x128xf32, #tpu.memory_space<vmem>>, vector<1000x128xf32>,
    %mul3A_16 = arith.mulf %concatenate3A_11, %concatenate3A_11 : vector<1000x128xf32>
    %reduce_sum3A_17 = arith.constant dense<0.000000e+00> : vector<1000xf32>
    %reduce_sum3A_18 = vector.multi_reduction <add>, %mul3A_16, %reduce_sum3A_17 [1] : vector<1000x128xf32> to vector<1000xf32>
    %broadcast_in_dim3A_19 = vector.shape_cast %reduce_sum3A_18 : vector<1000xf32> to vector<1000x1xf32>
    %sqrt3A_20 = math.sqrt %broadcast_in_dim3A_19 : vector<1000x1xf32>
    %div3A_21 = vector.broadcast %sqrt3A_20 : vector<1000x1xf32> to vector<1000x128xf32>
    %div3A_22 = arith.divf %concatenate3A_11, %div3A_21 : vector<1000x128xf32>
    %swap3A_23 = arith.constant 0 : index
    %swap3A_24 = arith.constant 0 : index
    %swap3A_25 = vector.load %arg6[%swap3A_23, %swap3A_24] : memref<1000x128xf32, #tpu.memory_space<vmem>>, vector<1000x128xf32>
    tpu.vector_store %arg6[%swap3A_23, %swap3A_24], %div3A_22 {strides = array<i32>} : memref<1000x128xf32, #tpu.memory_space<vmem>>, vector<1000x128xf32>,
    return
  }
  func.func @transform_0(%arg0: i32) -> (i32, i32) {
    %c0_i32 = arith.constant 0 : i32
    %c0_i32_0 = arith.constant 0 : i32
    return %arg0, %c0_i32 : i32, i32
  }
  func.func @transform_1(%arg0: i32) -> (i32, i32) {
    %c0_i32 = arith.constant 0 : i32
    %c0_i32_0 = arith.constant 0 : i32
    return %arg0, %c0_i32 : i32, i32
  }
  func.func @transform_2(%arg0: i32) -> (i32, i32) {
    %c0_i32 = arith.constant 0 : i32
    %c0_i32_0 = arith.constant 0 : i32
    return %arg0, %c0_i32 : i32, i32
  }
  func.func @transform_3(%arg0: i32) -> (i32, i32) {
    %c0_i32 = arith.constant 0 : i32
    %c0_i32_0 = arith.constant 0 : i32
    return %arg0, %c0_i32 : i32, i32
  }
  func.func @transform_4(%arg0: i32) -> (i32, i32) {
    %c0_i32 = arith.constant 0 : i32
    %c0_i32_0 = arith.constant 0 : i32
    return %arg0, %c0_i32 : i32, i32
  }
  func.func @transform_5(%arg0: i32) -> (i32, i32) {
    %c0_i32 = arith.constant 0 : i32
    %c0_i32_0 = arith.constant 0 : i32
    return %arg0, %c0_i32 : i32, i32
  }
}

</mosaic_0001>

<sc_bundles>
// kernel: kernel.4.cloned.1.call-start
scs
__scs_entry_jumppad:
0x0: {  	(pc) =	sbr.rel $0x88, $3  }
0x1: {  	(tag) =	ssettag $0x0;
	lr =	simm.s32 $0x1  }
0x2: {  	[smem:$0x3F9C] =	sst lr;
	_ =	strace $0xD0000000  }
0x3: {  	_ = 	snop  }
0x4: {  	_ = 	snop  }
0x5: {  	_ = 	snop  }
0x6: {  	_ = 	snop  }
0x7: {  	_ = 	snop  }
__scs_overlays_trampoline_lowered:
0x8: {  	[smem:$0x3FAB] =	sst s0  }
0x9: {  	[smem:$0x3FAC] =	sst s1  }
0xa: {  	[smem:$0x3FAD] =	sst s2  }
0xb: {  	[smem:$0x3FAE] =	sst s3  }
0xc: {  	[smem:$0x3FAF] =	sst s4  }
0xd: {  	[smem:$0x3FB0] =	sst s5  }
0xe: {  	[smem:$0x3FB1] =	sst s6  }
0xf: {  	[smem:$0x3FB2] =	sst s7  }
0x10: {  	[smem:$0x3FB3] =	sst s8  }
0x11: {  	[smem:$0x3FB4] =	sst s9;
	s0 =	simm.s32 @!p0 $0x0  }
0x12: {  	s1 =	sld [smem:$0x3F9A];
	s0 =	simm.s32 @p0 $0x1  }
0x13: {  	[smem:$0x3FB5] =	sst s0;
	s0 =	simm.s32 @!p1 $0x0  }
0x14: {  	s2 =	sld [smem:$0x3F99];
	s0 =	simm.s32 @p1 $0x1  }
0x15: {  	[smem:$0x3FB6] =	sst s0;
	s0 =	simm.s32 @!p2 $0x0  }
0x16: {  	s3 =	sld [smem:$0x3FDB];
	s0 =	simm.s32 @p2 $0x1  }
0x17: {  	s4 =	simm.s32 $0x1BF5;
	[smem:$0x3FB8] =	sst s0  }
0x18: {  	s0 =	sld [smem:$0x3F9B];
	_ =	swait.ge [sflag:s4], $0x0  }
0x19: {  	s7 =	sld [smem:$0x3F9C]  }
0x1a: {  	s8 =	sadd.s32 $0xFFFFE003, lr  }
0x1b: {  	s9 =	sadd.s32 $0xFFFFFEF7, lr;
	s5 =	simm.s32 $0xFFFFFFFF;
	p2 =	slt.u32 s8, $0xFFFFF086  }
0x1c: {  	p1 =	slt.u32 s9, $0xF7A;
	s5 =	simm.s32 @!p2 $0x0  }
0x1d: {  	s5 =	simm.s32 @p1 $0x1;
	p0 =	seq.s32 s7, s2  }
0x1e: {  	s7 =	smul.u32 @!p0 $0xF7A, s2;
	p2 =	seq.s32 @!p0 s5, $0x0  }
0x1f: {  	s9 =	smul.u32 $0xF7A, s1;
	s8 =	simm.s32 @!p0 $0x1BF5;
	p2 =	por !p2, p0  }
0x20: {  	[sflag:s8] =	ssyncset.s32 @!p0 $0xFFFFF086;
	s6 =	sadd.s32 @!p0 s3, s7;
	s7 =	simm.s32 @!p0 $0x108  }
0x21: {  	s3 =	sadd.s32 s3, s9;
	s6 =	sadd.s32 @!p0 $0x88, s6;
	s7 =	simm.s32 @p2 $0x1082  }
0x22: {  	[simem:s7], [sflag:s8] =	dma.local @!p0 [hbm:s6], $0xF7A  }
0x23: {  	s9 =	sor.u32 $0xD0000000, s2;
	s6 =	simm.s32 $0x108;
	_ =	swait.ge @!p0 [sflag:s8], $0x0  }
0x24: {  	s3 =	sadd.s32 $0x88, s3;
	s6 =	simm.s32 @!p1 $0x1082;
	[sflag:s4] =	ssyncset.s32 $0xFFFFF086  }
0x25: {  	[simem:s6], [sflag:s4] =	dma.local [hbm:s3], $0xF7A  }
0x26: {  	[smem:$0x3F9C] =	sst s1;
	(tag) =	ssettag s2;
	_ =	strace s9  }
0x27: {  	s1 =	sld [smem:$0x3FAC]  }
0x28: {  	s2 =	sld [smem:$0x3FAD]  }
0x29: {  	s4 =	sld [smem:$0x3FAF]  }
0x2a: {  	p0 =	seq.s32 s5, $0x0;
	s5 =	sld [smem:$0x3FB0]  }
0x2b: {  	s6 =	sld [smem:$0x3FB1]  }
0x2c: {  	s7 =	sld [smem:$0x3FB2]  }
0x2d: {  	s3 =	simm.s32 $0x108;
	s8 =	sld [smem:$0x3FB3]  }
0x2e: {  	s3 =	simm.s32 @!p0 $0x1082;
	s9 =	sld [smem:$0x3FB4]  }
0x2f: {  	lr =	sadd.s32 s0, s3;
	s0 =	sld [smem:$0x3FAB]  }
0x30: {  	s3 =	sld [smem:$0x3FAE]  }
0x31: {  	[smem:$0x3FB7] =	sst s10  }
0x32: {  	s10 =	sld [smem:$0x3FB5];
	_ =	sdelay $0x3  }
0x33: {  	p0 =	seq.s32 s10, $0x1;
	s10 =	sld [smem:$0x3FB7];
	_ =	sdelay $0x3  }
0x34: {  	[smem:$0x3FB7] =	sst s10  }
0x35: {  	s10 =	sld [smem:$0x3FB6];
	_ =	sdelay $0x3  }
0x36: {  	p1 =	seq.s32 s10, $0x1;
	s10 =	sld [smem:$0x3FB7];
	_ =	sdelay $0x3  }
0x37: {  	[smem:$0x3FB7] =	sst s10  }
0x38: {  	s10 =	sld [smem:$0x3FB8]  }
0x39: {  	_ = 	snop;
	(pc) =	sbr.ind lr, $3  }
0x3a: {  	_ = 	snop  }
0x3b: {  	_ = 	snop  }
0x3c: {  	p2 =	seq.s32 s10, $0x1;
	s10 =	sld [smem:$0x3FB7]  }
0x3d: {  	_ =	shalt  }
0x3e: {  	_ =	shalt  }
0x3f: {  	_ =	shalt  }
0x40: {  	_ =	shalt  }
0x41: {  	_ =	shalt  }
0x42: {  	_ =	shalt  }
0x43: {  	_ =	shalt  }
0x44: {  	_ =	shalt  }
0x45: {  	_ =	shalt  }
0x46: {  	_ =	shalt  }
0x47: {  	_ =	shalt  }
0x48: {  	_ =	shalt  }
0x49: {  	_ =	shalt  }
0x4a: {  	_ =	shalt  }
0x4b: {  	_ =	shalt  }
0x4c: {  	_ =	shalt  }
0x4d: {  	_ =	shalt  }
0x4e: {  	_ =	shalt  }
0x4f: {  	_ =	shalt  }
0x50: {  	_ =	shalt  }
0x51: {  	_ =	shalt  }
0x52: {  	_ =	shalt  }
0x53: {  	_ =	shalt  }
0x54: {  	_ =	shalt  }
0x55: {  	_ =	shalt  }
0x56: {  	_ =	shalt  }
0x57: {  	_ =	shalt  }
0x58: {  	_ =	shalt  }
0x59: {  	_ =	shalt  }
0x5a: {  	_ =	shalt  }
0x5b: {  	_ =	shalt  }
0x5c: {  	_ =	shalt  }
0x5d: {  	_ =	shalt  }
0x5e: {  	_ =	shalt  }
0x5f: {  	_ =	shalt  }
0x60: {  	_ =	shalt  }
0x61: {  	_ =	shalt  }
0x62: {  	_ =	shalt  }
0x63: {  	_ =	shalt  }
0x64: {  	_ =	shalt  }
0x65: {  	_ =	shalt  }
0x66: {  	_ =	shalt  }
0x67: {  	_ =	shalt  }
0x68: {  	_ =	shalt  }
0x69: {  	_ =	shalt  }
0x6a: {  	_ =	shalt  }
0x6b: {  	_ =	shalt  }
0x6c: {  	_ =	shalt  }
0x6d: {  	_ =	shalt  }
0x6e: {  	_ =	shalt  }
0x6f: {  	_ =	shalt  }
0x70: {  	_ =	shalt  }
0x71: {  	_ =	shalt  }
0x72: {  	_ =	shalt  }
0x73: {  	_ =	shalt  }
0x74: {  	_ =	shalt  }
0x75: {  	_ =	shalt  }
0x76: {  	_ =	shalt  }
0x77: {  	_ =	shalt  }
0x78: {  	_ =	shalt  }
0x79: {  	_ =	shalt  }
0x7a: {  	_ =	shalt  }
0x7b: {  	_ =	shalt  }
0x7c: {  	_ =	shalt  }
0x7d: {  	_ =	shalt  }
0x7e: {  	_ =	shalt  }
0x7f: {  	_ =	shalt  }
0x80: {  	_ =	shalt  }
0x81: {  	_ =	shalt  }
0x82: {  	_ =	shalt  }
0x83: {  	_ =	shalt  }
0x84: {  	_ =	shalt  }
0x85: {  	_ =	shalt  }
0x86: {  	_ =	shalt  }
0x87: {  	_ =	shalt  }
.Lfunc_end0:
.L_simem_size_0:
called_computation_lowered:
.L_overlay_start_0:
0x88: {  	s2 =	sld [smem:$0x3FD9]  }
0x89: {  	s3 =	sld [smem:$0x3FFE];
	_ =	sdelay $0x1  }
0x8a: {  	s1 =	srdreg.scid  }
0x8b: {  	s0 =	sand.u32 $0x1, s1  }
0x8c: {  	s16 =	sshll.u32 s0, $0xA;
	s2 =	sadd.s32 s3, s2  }
0x8d: {  	s2 =	sadd.s32 s2, s16  }
0x8e: {  	[smem:$0x3FC3] =	sst s2  }
0x8f: {  	_ = 	snop  }
0x90: {  	(tm) =	ssettm $0x1  }
0x91: {  	s17 =	sld [smem:$0x3FFB];
	_ =	sdelay $0x3  }
0x92: {  	_ =	strace s17  }
0x93: {  	s2 =	sld [smem:$0x3FFC];
	_ =	sdelay $0x3  }
0x94: {  	_ =	strace s2  }
0x95: {  	s2 =	sld [smem:$0x3FFD];
	_ =	sdelay $0x3  }
0x96: {  	_ =	strace s2  }
0x97: {  	_ =	strace $0x8FFFFFFF  }
0x98: {  	s18 =	sld [smem:$0x3FDB];
	_ =	sdelay $0x1  }
0x99: {  	s19 =	simm.s32 $_scs_section_size  }
0x9a: {  	s4 =	simm.s32 $_size__tile_overlayer_lowered;
	s5 =	simm.s32 $_tile_overlayer_lowered  }
0x9b: {  	s22 =	simm.s32 $0x1BFF;
	s21 =	sshll.u32 s5, $0x1;
	s2 =	sadd.s32 s19, s18  }
0x9c: {  	s6 =	simm.s32 $0x0;
	s20 =	sshll.u32 s4, $0x1;
	s4 =	sadd.s32 s21, s2  }
0x9d: {  	[timem:s6], [sflag:s22] =	dma.local [hbm:s4], s20  }
0x9e: {  	_ =	swait.ge [sflag:s22], s20  }
0x9f: {  	s3 =	ssub.s32 $0x0, s20;
	[sflag:s22] =	ssyncset.done $0x0  }
0xa0: {  	[sflag:s22] =	ssyncadd.s32 s3;
	_ =	sdelay $0x1  }
0xa1: {  	s23 =	simm.s32 $0x1B8B  }
0xa2: {  	_ =	swait.ge [sflag:s23], $0x1  }
0xa3: {  	[sflag:s23] =	ssyncset.done $0x0  }
0xa4: {  	s25 =	simm.s32 $0x1B8E;
	s24 =	sld [smem:$0x3FFE];
	[sflag:s23] =	ssyncadd.s32 $0xFFFFFFFF  }
0xa5: {  	s26 =	simm.s32 $execute0_lowered;
	[smem:$0x3FD2] =	sst s25  }
0xa6: {  	s4 =	sshll.u32 s26, $0x1;
	_ =	strace $0x80000046;
	[dreg:$0x1] =	wrdreg $0xFFFFFFFF  }
0xa7: {  	s28 =	simm.s32 $_size_execute0_lowered;
	s2 =	sadd.s32 s2, s4;
	[dreg:$0x0] =	wrdreg $0x0  }
0xa8: {  	s4 =	sshll.u32 s28, $0x1;
	[dreg:$0x2] =	wrdreg s2  }
0xa9: {  	[dreg:$0x3] =	wrdreg s4  }
0xaa: {  	[dreg:$0x4] =	wrdreg $0xC0  }
0xab: {  	_ =	task [dreg:s6], $0x5FFFF  }
0xac: {  	[dreg:$0x1] =	wrdreg $0xFFFFFFFF  }
0xad: {  	[dreg:$0x0] =	wrdreg $0x60  }
0xae: {  	[dreg:$0x2] =	wrdreg s24  }
0xaf: {  	[dreg:$0x3] =	wrdreg $0x9  }
0xb0: {  	_ =	task.clear_ibuf [dreg:s6], $0x4FFFF;
	_ =	strace $0x90000046  }
0xb1: {  	s29 =	simm.s32 $0x9;
	_ =	strace $0x80000048  }
0xb2: {  	_ =	swait.ge [sflag:s29], $0x1  }
0xb3: {  	[sflag:s29] =	ssyncadd.s32 $0xFFFFFFFF  }
0xb4: {  	_ =	strace $0x90000048  }
0xb5: {  	_ =	sfence  }
0xb6: {  	s30 =	sld [smem:$0x0];
	_ =	sdelay $0x2  }
0xb7: {  	s31 =	sshll.u32 s1, $0xD;
	s1 =	sshrl.u32 s1, $0x2  }
0xb8: {  	s3 =	sand.u32 $0x4000, s31;
	s1 =	sadd.s32 s1, s30  }
0xb9: {  	s0 =	sor.u32 s3, s0;
	s1 =	sshll.u32 s1, $0x11  }
0xba: {  	s0 =	sor.u32 s1, s0  }
0xbb: {  	s0 =	sadd.s32 $0x8F2B, s0  }
0xbc: {  	[sflag:s0] =	ssyncadd.remote.s32 $0x1  }
0xbd: {  	_ =	sfence.sel $0xFFFF  }
0xbe: {  	[dreg:$0x0] =	wrdreg $0xFFFFFFFF;
	(pc) =	sbr.abs _section_cstart, $3  }
0xbf: {  	[dreg:$0x1] =	wrdreg $0xFFFFFFFF  }
0xc0: {  	_ =	task.clear_ibuf [dreg:s6], $0x2FFFF;
	_ =	strace $0x9FFFFFFF  }
0xc1: {  	(tm) =	ssettm $0x7FFFFFFF  }
tec
execute0_lowered:
.L_overlay_start_1:
0x0: {  	(tag) =	ssettag $0x1  }
0x1: {  	v0 =	vimm.s32 $0x76543210;
	v1 =	vimm.s32 $0xFEDCBA98;
	v2 =	vimm.s32 $0xBA98FEDC  }
0x2: {  	v3 =	vimm.s32 $0x32107654;
	v4 =	vimm.s32 $0xDCFE98BA;
	v5 =	vimm.s32 $0x54761032  }
0x3: {  	vm0 =	vcmask $0x2F20;
	vm1 =	vcmask $0xF00;
	vm2 =	vcmask $0x1710  }
0x4: {  	vm3 =	vcmask $0x700;
	vm4 =	vcmask $0x300;
	v1 =	vunpack.c.l.s4.s8 v1  }
0x5: {  	v0 =	vunpack.c.l.s4.s8 v0;
	v2 =	vunpack.c.l.s4.s8 v2;
	v3 =	vunpack.c.l.s4.s8 v3  }
0x6: {  	v4 =	vunpack.c.l.s4.s8 v4;
	vm0 =	vmor vm1, vm0;
	v1 =	vunpack.c.0.s8.s32 v1  }
0x7: {  	v0 =	vunpack.c.0.s8.s32 v0;
	v2 =	vunpack.c.0.s8.s32 v2;
	v3 =	vunpack.c.0.s8.s32 v3  }
0x8: {  	vm1 =	vmor vm3, vm2;
	vm3 =	vcmask $0xB08;
	v1 =	vand.u32 $0xF, v1  }
0x9: {  	s0 =	srdreg.scid;
	s2 =	stileid.u32;
	v0 =	vcombine.low v1, v0;
	v1 =	vcombine.low v3, v2;
	v2 =	vunpack.c.l.s4.s8 v5  }
0xa: {  	s1 =	rddreg [dreg:$0x0];
	s9 =	simm.s32 $0x9;
	s11 =	simm.s32 $0x50;
	vm2 =	vcmask $0x2720;
	vm3 =	vmor vm4, vm3  }
0xb: {  	s12 =	simm.s32 $0x4F00;
	s13 =	simm.s32 $0xEF00;
	s21 =	simm.s32 $0x1;
	vm4 =	vcmask $0x1310;
	v3 =	vunpack.c.0.s8.s32 v4;
	v2 =	vunpack.c.0.s8.s32 v2  }
0xc: {  	s22 =	simm.s32 $0x5;
	s23 =	simm.s32 $0x2;
	s24 =	simm.s32 $0x6;
	vm1 =	vmor vm1, vm2;
	vm2 =	vcmask $0x3730;
	vm3 =	vmor vm3, vm4  }
0xd: {  	s25 =	simm.s32 $0x3;
	s0 =	sand.u32 $0x1, s0;
	s3 =	sshll.u32 s2, $0x1;
	v4 =	vimm.s32 $0x67452301;
	v2 =	vcombine.low v2, v3;
	v3 =	vimm.s32 $0xEFCDAB89  }
0xe: {  	s28 =	simm.s32 $0x4;
	s29 =	simm.s32 $0x8;
	s3 =	sor.u32 s0, s3;
	vm4 =	vcmask $0x1B18;
	v4 =	vunpack.c.l.s4.s8 v4;
	v3 =	vunpack.c.l.s4.s8 v3  }
0xf: {  	s31 =	simm.s32 $0x0;
	s2 =	simm.s32 $0x0;
	s5 =	smul.u32 $0x4E2, s3;
	vm1 =	vmor vm1, vm2;
	vm2 =	vmor vm3, vm4  }
.Ltmp0:
0x10: {  	[smem:$0x7FF] =	sst s2;
	s0 =	ssub.s32 $0x2, s0;
	vm3 =	vcmask $0x2320;
	v4 =	vunpack.c.0.s8.s32 v4;
	v3 =	vunpack.c.0.s8.s32 v3;
	(pc) =	sbr.rel .LBB2_1-.Ltmp0, $4  }
0x11: {  	s4 =	sadd.s32 $0x27C00, s1;
	_ =	strace $0x80000047;
	s26 =	sshrl.u32 s0, $0x1;
	vm4 =	vcmask $0x2B28;
	vm3 =	vmor vm2, vm3;
	vm2 =	vmmov $0xff  }
0x12: {  	s3 =	sadd.s32 $0xA00, s1;
	s0 =	ssub.s32 s0, s26;
	s1 =	sadd.s32 s5, s1;
	vm3 =	vmor vm3, vm4;
	vm4 =	vcmask $0x3330;
	v3 =	vcombine.low v4, v3  }
0x13: {  	s26 =	simm.s32 $0x7;
	s8 =	smax.u32 s0, $0x1;
	s30 =	sadd.s32 $0x58C00, s1;
	vm3 =	vmor vm3, vm4;
	vm4 =	vcmask $0x3B38;
	v1 =	vand.u32 $0xF, v1  }
0x14: {  	s6 =	sadd.s32 $0x4EE00, s1;
	s7 =	sadd.s32 $0x62A00, s1;
	[dreg:$0x2] =	wrdreg s30;
	vm3 =	vmor vm3, vm4;
	v2 =	vand.u32 $0xF, v2;
	v3 =	vand.u32 $0xF, v3  }
.LBB2_25:
0x15: {  	s31 =	sadd.s32 $0x1, s31  }
0x16: {  	p0 =	sne.s32 s31, s8  }
.Ltmp1:
0x17: {  	s0 =	simm.s32 $0x18F00;
	(pc) =	sbr.rel @!p0 .LBB2_26-.Ltmp1, $4  }
0x18: {  	[hbm4b:s7+s2] =	stream.linear.scatter [tilespmem:s0], [sflag:$0x9], $0x2710, $0x38;
	[tilespmem:$0x1DE80] =	vst v63  }
0x19: {  	_ =	swait.ge [sflag:s9], $0x2710  }
0x1a: {  	[sflag:s9] =	ssyncset.done $0x0  }
0x1b: {  	[sflag:s9] =	ssyncadd.s32 $0xFFFFD8F0  }
.LBB2_1:
0x1c: {  	s0 =	rddreg [dreg:$0x2]  }
0x1d: {  	[tilespmem:s2], [sflag:$0x9] =	stream.linear.gather [hbm4b:s0+s2], $0x2710, $0x38;
	[tilespmem:$0x1DE80] =	vst v63  }
0x1e: {  	_ =	swait.ge [sflag:s9], $0x2710  }
0x1f: {  	[sflag:s9] =	ssyncset.done $0x0  }
0x20: {  	s15 =	simm.s32 $0x2780;
	[sflag:s9] =	ssyncadd.s32 $0xFFFFD8F0  }
0x21: {  	[tilespmem:s15], [sflag:$0x9] =	stream.linear.gather [hbm4b:s6+s2], $0x2710, $0x38;
	[tilespmem:$0x1DE80] =	vst v63  }
0x22: {  	_ =	swait.ge [sflag:s9], $0x2710  }
0x23: {  	[sflag:s9] =	ssyncset.done $0x0  }
0x24: {  	[sflag:s9] =	ssyncadd.s32 $0xFFFFD8F0  }
0x25: {  	[tilespmem:s12], [sflag:$0x1] =	stream.indirect.gather [hbm4b:s3+s11], $0x80, s2, s11, $0xb8;
	[tilespmem:$0x1DE80] =	vst v63  }
0x26: {  	_ = 	snop  }
0x27: {  	[tilespmem:s13], [sflag:$0x5] =	stream.indirect.gather [hbm4b:s4+s11], $0x80, s15, s11, $0xb8;
	[tilespmem:$0x1DE80] =	vst v63  }
0x28: {  	s16 =	simm.s32 $0x7700  }
0x29: {  	[tilespmem:s16], [sflag:$0x2] =	stream.indirect.gather [hbm4b:s3+s11], $0x80, s11, s11, $0xb8;
	[tilespmem:$0x1DE80] =	vst v63  }
0x2a: {  	s17 =	simm.s32 $0x27D0;
	s1 =	simm.s32 $0x11700;
	s18 =	simm.s32 $0xA0  }
0x2b: {  	[tilespmem:s1], [sflag:$0x6] =	stream.indirect.gather [hbm4b:s4+s11], $0x80, s17, s11, $0xb8;
	[tilespmem:$0x1DE80] =	vst v63  }
.Ltmp2:
0x2c: {  	s19 =	simm.s32 $0x9F00;
	s20 =	simm.s32 $0x2820;
	(pc) =	sbr.rel .LBB2_2-.Ltmp2, $4  }
0x2d: {  	s30 =	simm.s32 $0x13F00;
	s14 =	simm.s32 $0x18FF0;
	s0 =	simm.s32 $0x18FA0  }
0x2e: {  	[tilespmem:s19], [sflag:$0x3] =	stream.indirect.gather [hbm4b:s3+s11], $0x80, s18, s11, $0xb8;
	[tilespmem:$0x1DE80] =	vst v63  }
0x2f: {  	s15 =	simm.s32 $0x18F00;
	s16 =	simm.s32 $0x0;
	s1 =	simm.s32 $0x18F50  }
0x30: {  	[tilespmem:s30], [sflag:$0x7] =	stream.indirect.gather [hbm4b:s4+s11], $0x80, s20, s11, $0xb8;
	[tilespmem:$0x1DE80] =	vst v63  }
.LBB2_24:
0x31: {  	s16 =	sadd.s32 $0x1, s16  }
0x32: {  	p0 =	sne.s32 s16, $0x20  }
.Ltmp3:
0x33: {  	_ = 	snop;
	(pc) =	sbr.rel @!p0 .LBB2_25-.Ltmp3, $3  }
0x34: {  	_ =	sdelay $0x1  }
0x35: {  	s15 =	sadd.s32 $0x140, s15  }
0x36: {  	s1 =	sadd.s32 $0x140, s1;
	s0 =	sadd.s32 $0x140, s0;
	s14 =	sadd.s32 $0x140, s14  }
.LBB2_2:
0x37: {  	s5 =	sshllo.u32 s16, $0x2  }
0x38: {  	p0 =	sgt.u32 s5, $0x7C  }
0x39: {  	s5 =	smul.u32 @!p0 $0x50, s5  }
0x3a: {  	s10 =	simm.s32 @!p0 $0x50;
	s17 =	simm.s32 @!p0 $0xC700  }
0x3b: {  	[tilespmem:s17], [sflag:$0x4] =	stream.indirect.gather @!p0 [hbm4b:s3+s10], $0x80, s5, s10, $0xb8;
	[tilespmem:$0x1DE80] =	vst v63  }
0x3c: {  	s5 =	sadd.s32 @!p0 $0x2780, s5;
	s17 =	simm.s32 @!p0 $0x16700  }
0x3d: {  	[tilespmem:s17], [sflag:$0x8] =	stream.indirect.gather @!p0 [hbm4b:s4+s10], $0x80, s5, s10, $0xb8;
	[tilespmem:$0x1DE80] =	vst v63  }
0x3e: {  	_ =	swait.ge [sflag:s21], $0x2800  }
0x3f: {  	[sflag:s21] =	ssyncset.done $0x0  }
0x40: {  	[sflag:s21] =	ssyncadd.s32 $0xFFFFD800  }
0x41: {  	_ =	swait.ge [sflag:s22], $0x2800  }
0x42: {  	[sflag:s22] =	ssyncset.done $0x0  }
0x43: {  	s18 =	simm.s32 $0x5000;
	[sflag:s22] =	ssyncadd.s32 $0xFFFFD800  }
0x44: {  	s19 =	simm.s32 $0xF000;
	v5 =	vld [tilespmem:s18+$0x80]  }
0x45: {  	v6 =	vld [tilespmem:s19+$0x80]  }
0x46: {  	v7 =	vld [tilespmem:s18+$0x90]  }
0x47: {  	v8 =	vld [tilespmem:s19+$0x90]  }
0x48: {  	v9 =	vld [tilespmem:s18+$0xA0]  }
0x49: {  	v10 =	vld [tilespmem:s19+$0xA0]  }
0x4a: {  	v11 =	vld [tilespmem:s18+$0xB0]  }
0x4b: {  	v12 =	vld [tilespmem:s19+$0xB0]  }
0x4c: {  	v13 =	vld [tilespmem:s18+$0xC0]  }
0x4d: {  	v14 =	vld [tilespmem:s19+$0xC0]  }
0x4e: {  	v15 =	vld [tilespmem:s18+$0xD0]  }
0x4f: {  	v16 =	vld [tilespmem:s19+$0xD0]  }
0x50: {  	v17 =	vld [tilespmem:s18+$0xE0]  }
0x51: {  	v18 =	vld [tilespmem:s19+$0xE0]  }
0x52: {  	v19 =	vld [tilespmem:s18+$0xF0]  }
0x53: {  	v20 =	vld [tilespmem:s19+$0xF0]  }
0x54: {  	v4 =	vld [tilespmem:s19+$0xFFFFFF00]  }
0x55: {  	v21 =	vld [tilespmem:s18+$0xFFFFFF10]  }
0x56: {  	v22 =	vld [tilespmem:s19+$0xFFFFFF10]  }
0x57: {  	v23 =	vld [tilespmem:s18+$0xFFFFFF20]  }
0x58: {  	v24 =	vld [tilespmem:s19+$0xFFFFFF20]  }
0x59: {  	v25 =	vld [tilespmem:s18+$0xFFFFFF30]  }
0x5a: {  	v26 =	vld [tilespmem:s19+$0xFFFFFF30]  }
0x5b: {  	v27 =	vld [tilespmem:s18+$0xFFFFFF40]  }
0x5c: {  	v28 =	vld [tilespmem:s19+$0xFFFFFF40]  }
0x5d: {  	v29 =	vld [tilespmem:s18+$0xFFFFFF50]  }
0x5e: {  	v30 =	vld [tilespmem:s19+$0xFFFFFF50]  }
0x5f: {  	v31 =	vld [tilespmem:s18+$0xFFFFFF60]  }
0x60: {  	v32 =	vld [tilespmem:s19+$0xFFFFFF60]  }
0x61: {  	v33 =	vld [tilespmem:s18+$0xFFFFFF70]  }
0x62: {  	v34 =	vld [tilespmem:s19+$0xFFFFFF70]  }
0x63: {  	v35 =	vld [tilespmem:s18+$0xFFFFFF80]  }
0x64: {  	v36 =	vld [tilespmem:s19+$0xFFFFFF80]  }
0x65: {  	v37 =	vld [tilespmem:s18+$0xFFFFFF90]  }
0x66: {  	v38 =	vld [tilespmem:s19+$0xFFFFFF90]  }
0x67: {  	v39 =	vld [tilespmem:s18+$0xFFFFFFA0]  }
0x68: {  	v40 =	vld [tilespmem:s19+$0xFFFFFFA0]  }
0x69: {  	v41 =	vld [tilespmem:s18+$0xFFFFFFB0]  }
0x6a: {  	v42 =	vld [tilespmem:s19+$0xFFFFFFB0]  }
0x6b: {  	v43 =	vld [tilespmem:s18+$0xFFFFFFC0]  }
0x6c: {  	v44 =	vld [tilespmem:s19+$0xFFFFFFC0]  }
0x6d: {  	v45 =	vld [tilespmem:s18+$0xFFFFFFD0]  }
0x6e: {  	v46 =	vld [tilespmem:s19+$0xFFFFFFD0]  }
0x6f: {  	v47 =	vld [tilespmem:s18+$0xFFFFFFE0]  }
0x70: {  	v48 =	vld [tilespmem:s19+$0xFFFFFFE0];
	v5 =	vmul.f32 v6, v5  }
0x71: {  	v53 =	vld [tilespmem:s19+$0x20];
	v6 =	vmul.f32 v8, v7;
	v8 =	vmul.f32 v10, v9  }
0x72: {  	v56 =	vld [tilespmem:s18+$0x30];
	v9 =	vmul.f32 v12, v11;
	v11 =	vmul.f32 v14, v13  }
0x73: {  	v7 =	vld [tilespmem:s18+$0xFFFFFFF0];
	v12 =	vmul.f32 v16, v15;
	v14 =	vmul.f32 v18, v17  }
0x74: {  	v10 =	vld [tilespmem:s19+$0xFFFFFFF0];
	v15 =	vmul.f32 v20, v19;
	v52 =	vmul.f32 v42, v41  }
0x75: {  	v13 =	vld [tilespmem:s18+$0x0];
	v54 =	vmul.f32 v44, v43;
	v55 =	vmul.f32 v46, v45  }
0x76: {  	v16 =	vld [tilespmem:s19+$0x0];
	v27 =	vmul.f32 v28, v27;
	v5 =	vadd.f32 v6, v5;
	v6 =	vadd.f32 v9, v8  }
0x77: {  	v17 =	vld [tilespmem:s18+$0x20];
	v57 =	vmul.f32 v30, v29;
	v9 =	vadd.f32 v12, v11;
	v11 =	vadd.f32 v15, v14  }
0x78: {  	v59 =	vmul.f32 v34, v33;
	v8 =	vld [tilespmem:s18+$0x10];
	v15 =	vmul.f32 v38, v37  }
0x79: {  	v14 =	vld [tilespmem:s19+$0x10];
	v5 =	vadd.f32 v6, v5;
	v6 =	vmul.f32 v36, v35;
	v9 =	vadd.f32 v11, v9  }
0x7a: {  	v11 =	vmul.f32 v40, v39;
	v7 =	vmul.f32 v10, v7;
	v10 =	vld [tilespmem:s19+$0x30]  }
0x7b: {  	v58 =	vld [tilespmem:s19+$0x40];
	v20 =	vadd.f32 v55, v54;
	v9 =	vadd.f32 v9, v5;
	v5 =	vmul.f32 v48, v47  }
0x7c: {  	v60 =	vld [tilespmem:s18+$0x50];
	v62 =	vmul.f32 v26, v25;
	v6 =	vadd.f32 v15, v6;
	v11 =	vadd.f32 v52, v11  }
0x7d: {  	v17 =	vmul.f32 v53, v17;
	v15 =	vld [tilespmem:s18+$0x40];
	v5 =	vadd.f32 v7, v5;
	v7 =	vmul.f32 v32, v31  }
0x7e: {  	v6 =	vadd.f32 v11, v6;
	v11 =	vmul.f32 v16, v13;
	v13 =	vmul.f32 v14, v8;
	v16 =	vld [tilespmem:s19+$0x50]  }
0x7f: {  	v14 =	vadd.f32 v57, v27;
	v8 =	vld [tilespmem:s18+$0x60];
	v5 =	vadd.f32 v5, v20;
	v61 =	vmul.f32 v10, v56  }
0x80: {  	v12 =	vmul.f32 v24, v23;
	v7 =	vadd.f32 v59, v7;
	v10 =	vld [tilespmem:s19+$0x60];
	v63 =	vadd.f32 v13, v11  }
0x81: {  	s30 =	simm.s32 $0x1B780;
	v11 =	vld [tilespmem:s18+$0x70];
	v20 =	vadd.f32 v5, v6;
	v17 =	vadd.f32 v61, v17  }
0x82: {  	s20 =	simm.s32 $0x1BA80;
	[tilespmem:s30+$0x80] =	vst v9;
	v13 =	vmul.f32 v58, v15;
	v5 =	vmul.f32 v22, v21;
	v6 =	vadd.f32 v62, v12;
	v12 =	vld [tilespmem:s19+$0x70]  }
0x83: {  	s17 =	sshll.u32 s16, $0x2;
	s10 =	simm.s32 $0x0;
	s5 =	simm.s32 $0x5200;
	v7 =	vadd.f32 v7, v14;
	v14 =	vld [tilespmem:s18+$0xFFFFFF00];
	v15 =	vmul.f32 v16, v60;
	[tilespmem:s30+$0xFFFFFF80] =	vst v20;
	v9 =	vadd.f32 v17, v63  }
.LBB2_3:
0x84: {  	v16 =	vld [tilespmem:s5+$0x80];
	s19 =	sadd.s32 $0x200, s19  }
0x85: {  	v17 =	vld [tilespmem:s19+$0x80];
	v8 =	vmul.f32 v10, v8;
	v10 =	vadd.f32 v15, v13  }
0x86: {  	v13 =	vld [tilespmem:s5+$0x90]  }
0x87: {  	v15 =	vld [tilespmem:s19+$0x90];
	v11 =	vmul.f32 v12, v11  }
0x88: {  	v12 =	vld [tilespmem:s5+$0xA0];
	v4 =	vmul.f32 v4, v14  }
0x89: {  	v14 =	vld [tilespmem:s19+$0xA0];
	v8 =	vadd.f32 v11, v8  }
0x8a: {  	v11 =	vld [tilespmem:s5+$0xB0];
	v4 =	vadd.f32 v5, v4  }
0x8b: {  	v5 =	vld [tilespmem:s19+$0xB0];
	v8 =	vadd.f32 v8, v10  }
0x8c: {  	v10 =	vld [tilespmem:s5+$0xC0];
	v4 =	vadd.f32 v6, v4  }
0x8d: {  	v6 =	vld [tilespmem:s19+$0xC0];
	v8 =	vadd.f32 v8, v9  }
0x8e: {  	v9 =	vld [tilespmem:s5+$0xD0];
	v4 =	vadd.f32 v7, v4  }
0x8f: {  	v7 =	vld [tilespmem:s19+$0xD0];
	[tilespmem:s30+$0x0] =	vst v8  }
0x90: {  	v8 =	vld [tilespmem:s5+$0xE0];
	[tilespmem:s30+$0xFFFFFF00] =	vst v4  }
0x91: {  	v18 =	vld [tilespmem:s19+$0xE0]  }
0x92: {  	v19 =	vld [tilespmem:s5+$0xF0]  }
0x93: {  	s10 =	sadd.s32 $0x4, s10;
	v20 =	vld [tilespmem:s19+$0xF0]  }
0x94: {  	p1 =	slt.u32 s10, $0x4C;
	v4 =	vld [tilespmem:s19+$0xFFFFFF00]  }
0x95: {  	v16 =	vmul.f32 v17, v16;
	v13 =	vmul.f32 v15, v13;
	v21 =	vld [tilespmem:s5+$0xFFFFFF10]  }
0x96: {  	v12 =	vmul.f32 v14, v12;
	v5 =	vmul.f32 v5, v11;
	v15 =	vld [tilespmem:s19+$0xFFFFFF10]  }
0x97: {  	v6 =	vmul.f32 v6, v10;
	v7 =	vmul.f32 v7, v9;
	v11 =	vld [tilespmem:s5+$0xFFFFFF20]  }
0x98: {  	v8 =	vmul.f32 v18, v8;
	v9 =	vld [tilespmem:s19+$0xFFFFFF20];
	v10 =	vmul.f32 v20, v19  }
0x99: {  	v13 =	vadd.f32 v13, v16;
	v12 =	vadd.f32 v5, v12;
	v14 =	vld [tilespmem:s5+$0xFFFFFF30]  }
0x9a: {  	v6 =	vadd.f32 v7, v6;
	v16 =	vld [tilespmem:s19+$0xFFFFFF30];
	v7 =	vadd.f32 v10, v8  }
0x9b: {  	v5 =	vmul.f32 v15, v21;
	v8 =	vld [tilespmem:s5+$0xFFFFFF40]  }
0x9c: {  	v12 =	vadd.f32 v12, v13;
	v10 =	vld [tilespmem:s19+$0xFFFFFF40];
	v6 =	vadd.f32 v7, v6  }
0x9d: {  	v7 =	vmul.f32 v9, v11;
	v9 =	vld [tilespmem:s5+$0xFFFFFF50]  }
0x9e: {  	v11 =	vld [tilespmem:s19+$0xFFFFFF50];
	v6 =	vadd.f32 v6, v12  }
0x9f: {  	s30 =	sadd.s32 $0x200, s30;
	v12 =	vmul.f32 v16, v14;
	v13 =	vld [tilespmem:s5+$0xFFFFFF60]  }
0xa0: {  	s18 =	simm.s32 $0x0;
	v14 =	vld [tilespmem:s19+$0xFFFFFF60];
	[tilespmem:s30+$0x80] =	vst v6  }
0xa1: {  	v8 =	vmul.f32 v10, v8;
	v10 =	vld [tilespmem:s5+$0xFFFFFF70];
	v6 =	vadd.f32 v12, v7  }
0xa2: {  	v7 =	vld [tilespmem:s19+$0xFFFFFF70]  }
0xa3: {  	v9 =	vmul.f32 v11, v9;
	v11 =	vld [tilespmem:s5+$0xFFFFFF80]  }
0xa4: {  	v12 =	vld [tilespmem:s19+$0xFFFFFF80]  }
0xa5: {  	v13 =	vmul.f32 v14, v13;
	v8 =	vadd.f32 v9, v8;
	v9 =	vld [tilespmem:s5+$0xFFFFFF90]  }
0xa6: {  	v14 =	vld [tilespmem:s19+$0xFFFFFF90]  }
0xa7: {  	v7 =	vmul.f32 v7, v10;
	v10 =	vld [tilespmem:s5+$0xFFFFFFA0]  }
0xa8: {  	v15 =	vld [tilespmem:s19+$0xFFFFFFA0]  }
0xa9: {  	v7 =	vadd.f32 v7, v13;
	v11 =	vmul.f32 v12, v11;
	v12 =	vld [tilespmem:s5+$0xFFFFFFB0]  }
0xaa: {  	v13 =	vld [tilespmem:s19+$0xFFFFFFB0]  }
0xab: {  	v7 =	vadd.f32 v7, v8;
	v8 =	vmul.f32 v14, v9;
	v9 =	vld [tilespmem:s5+$0xFFFFFFC0]  }
0xac: {  	v14 =	vld [tilespmem:s19+$0xFFFFFFC0]  }
0xad: {  	v10 =	vmul.f32 v15, v10;
	v15 =	vld [tilespmem:s5+$0xFFFFFFD0];
	v8 =	vadd.f32 v8, v11  }
0xae: {  	v11 =	vld [tilespmem:s19+$0xFFFFFFD0]  }
0xaf: {  	v12 =	vmul.f32 v13, v12;
	v13 =	vld [tilespmem:s5+$0xFFFFFFE0]  }
0xb0: {  	v16 =	vld [tilespmem:s19+$0xFFFFFFE0]  }
0xb1: {  	v9 =	vmul.f32 v14, v9;
	v14 =	vld [tilespmem:s5+$0xFFFFFFF0];
	v10 =	vadd.f32 v12, v10  }
0xb2: {  	v12 =	vld [tilespmem:s19+$0xFFFFFFF0]  }
0xb3: {  	v11 =	vmul.f32 v11, v15;
	v8 =	vadd.f32 v10, v8;
	v10 =	vld [tilespmem:s5+$0x0]  }
0xb4: {  	v15 =	vld [tilespmem:s19+$0x0]  }
0xb5: {  	v13 =	vmul.f32 v16, v13;
	v9 =	vadd.f32 v11, v9;
	v11 =	vld [tilespmem:s5+$0x10]  }
0xb6: {  	v16 =	vld [tilespmem:s19+$0x10]  }
0xb7: {  	v12 =	vmul.f32 v12, v14;
	v14 =	vld [tilespmem:s5+$0x20]  }
0xb8: {  	v17 =	vld [tilespmem:s19+$0x20]  }
0xb9: {  	v12 =	vadd.f32 v12, v13;
	v10 =	vmul.f32 v15, v10;
	v13 =	vld [tilespmem:s5+$0x30]  }
0xba: {  	v15 =	vld [tilespmem:s19+$0x30]  }
0xbb: {  	v9 =	vadd.f32 v12, v9;
	v11 =	vmul.f32 v16, v11;
	v12 =	vld [tilespmem:s5+$0x40]  }
0xbc: {  	v16 =	vld [tilespmem:s19+$0x40]  }
0xbd: {  	v8 =	vadd.f32 v9, v8;
	v9 =	vmul.f32 v17, v14;
	v17 =	vld [tilespmem:s5+$0x50];
	v18 =	vadd.f32 v11, v10  }
0xbe: {  	v19 =	vld [tilespmem:s19+$0x50]  }
.Ltmp4:
0xbf: {  	[tilespmem:s30+$0xFFFFFF80] =	vst v8;
	v14 =	vmul.f32 v15, v13;
	v8 =	vld [tilespmem:s5+$0x60];
	(pc) =	sbr.rel @p1 .LBB2_3-.Ltmp4, $4  }
0xc0: {  	v10 =	vld [tilespmem:s19+$0x60]  }
0xc1: {  	v13 =	vmul.f32 v16, v12;
	v11 =	vld [tilespmem:s5+$0x70];
	v9 =	vadd.f32 v14, v9  }
0xc2: {  	v12 =	vld [tilespmem:s19+$0x70]  }
0xc3: {  	v14 =	vld [tilespmem:s5+$0xFFFFFF00];
	v15 =	vmul.f32 v19, v17;
	v9 =	vadd.f32 v9, v18;
	s5 =	sadd.s32 $0x200, s5  }
0xc4: {  	_ =	sdelay $0x2  }
0xc5: {  	v8 =	vmul.f32 v10, v8;
	v10 =	vmul.f32 v12, v11  }
0xc6: {  	v4 =	vmul.f32 v4, v14  }
0xc7: {  	v11 =	vadd.f32 v15, v13;
	v8 =	vadd.f32 v10, v8  }
0xc8: {  	v4 =	vadd.f32 v5, v4  }
0xc9: {  	v5 =	vadd.f32 v8, v11  }
0xca: {  	v4 =	vadd.f32 v6, v4  }
0xcb: {  	v5 =	vadd.f32 v5, v9  }
0xcc: {  	v4 =	vadd.f32 v7, v4  }
0xcd: {  	[tilespmem:s30+$0x0] =	vst v5  }
0xce: {  	[tilespmem:s30+$0xFFFFFF00] =	vst v4  }
0xcf: {  	v5 =	vld [tilespmem:s20+$0x0]  }
0xd0: {  	v4 =	vld [tilespmem:s20+$0xFFFFFF80]  }
0xd1: {  	v6 =	vld [tilespmem:s20+$0xFFFFFD80]  }
0xd2: {  	v7 =	vld [tilespmem:s20+$0x380]  }
0xd3: {  	v8 =	vld [tilespmem:s20+$0xFFFFFE80]  }
0xd4: {  	v9 =	vld [tilespmem:s20+$0x180]  }
0xd5: {  	v10 =	vld [tilespmem:s20+$0x80]  }
0xd6: {  	v15 =	vld [tilespmem:s20+$0xFFFFFE00]  }
0xd7: {  	v18 =	vld [tilespmem:s20+$0x300]  }
0xd8: {  	v11 =	vld [tilespmem:s20+$0x280]  }
0xd9: {  	v13 =	vld [tilespmem:s20+$0xFFFFFC80];
	v14 =	vperm.xlane v5, v0;
	v16 =	vperm.xlane v6, v0  }
0xda: {  	v12 =	vld [tilespmem:s20+$0x200];
	v17 =	vperm.xlane v7, v0;
	v19 =	vperm.xlane v4, v0  }
0xdb: {  	v21 =	vld [tilespmem:s20+$0xFFFFFD00];
	v20 =	vperm.xlane v8, v0;
	v22 =	vperm.xlane v9, v0  }
0xdc: {  	v24 =	vld [tilespmem:s20+$0x100];
	v23 =	vperm.xlane v15, v0;
	v25 =	vperm.xlane v18, v0;
	v9 =	vsel vm2, v16, v9  }
0xdd: {  	v16 =	vsel vm2, v4, v17;
	v4 =	vld [tilespmem:s20+$0xFFFFFC00];
	v7 =	vsel vm2, v19, v7;
	v17 =	vperm.xlane v10, v0  }
0xde: {  	v19 =	vsel vm2, v20, v11;
	v20 =	vld [tilespmem:s20+$0xFFFFFF00];
	v6 =	vsel vm2, v6, v22;
	v22 =	vperm.xlane v13, v0  }
0xdf: {  	s5 =	simm.s32 $0x1C280;
	v11 =	vperm.xlane v11, v0;
	v7 =	vadd.f32 v7, v16;
	v6 =	vadd.f32 v9, v6  }
0xe0: {  	v16 =	vld [tilespmem:s5+$0xFFFFFE80];
	v13 =	vsel vm2, v13, v17;
	v17 =	vperm.xlane v12, v0;
	v12 =	vsel vm2, v23, v12  }
0xe1: {  	v23 =	vperm.xlane v21, v0;
	v10 =	vsel vm2, v22, v10;
	v8 =	vsel vm2, v8, v11  }
0xe2: {  	v8 =	vadd.f32 v19, v8;
	v10 =	vadd.f32 v10, v13;
	v13 =	vsel vm2, v15, v17  }
0xe3: {  	v17 =	vsel vm2, v23, v24;
	v14 =	vsel vm2, v4, v14;
	v11 =	vperm.xlane v20, v0  }
0xe4: {  	v30 =	vld [tilespmem:s5+$0x300];
	v15 =	vperm.xlane v4, v0;
	v19 =	vperm.xlane v10, v1;
	v20 =	vsel vm2, v20, v25  }
0xe5: {  	v22 =	vld [tilespmem:s5+$0xFFFFFF80];
	v12 =	vadd.f32 v12, v13;
	v29 =	vperm.xlane v16, v0;
	v11 =	vsel vm2, v11, v18  }
0xe6: {  	v13 =	vld [tilespmem:s5+$0xFFFFFD80];
	v18 =	vperm.xlane v8, v1;
	v8 =	vsel vm0, v19, v8;
	v5 =	vsel vm2, v15, v5  }
0xe7: {  	v4 =	vld [tilespmem:s5+$0x0];
	v19 =	vperm.xlane v6, v1;
	v9 =	vadd.f32 v5, v14;
	v14 =	vperm.xlane v12, v1  }
0xe8: {  	v15 =	vld [tilespmem:s5+$0x380];
	v11 =	vadd.f32 v11, v20;
	v10 =	vsel vm0, v10, v18;
	v18 =	vperm.xlane v7, v1  }
0xe9: {  	v20 =	vld [tilespmem:s5+$0x80];
	v7 =	vsel vm0, v19, v7;
	v5 =	vadd.f32 v8, v10;
	v8 =	vperm.xlane v24, v0  }
0xea: {  	v19 =	vld [tilespmem:s5+$0xFFFFFC80];
	v14 =	vsel vm0, v9, v14;
	v23 =	vperm.xlane v9, v1;
	v9 =	vperm.xlane v11, v1  }
0xeb: {  	v10 =	vld [tilespmem:s5+$0x180];
	v24 =	vperm.xlane v22, v0;
	v25 =	vperm.xlane v13, v0  }
0xec: {  	v6 =	vsel vm0, v6, v18;
	v18 =	vld [tilespmem:s5+$0x280];
	v8 =	vsel vm2, v21, v8;
	v21 =	vperm.xlane v4, v0  }
0xed: {  	v28 =	vld [tilespmem:s5+$0xFFFFFE00];
	v26 =	vperm.xlane v15, v0;
	v6 =	vadd.f32 v7, v6;
	v8 =	vadd.f32 v17, v8  }
0xee: {  	v15 =	vsel vm2, v24, v15;
	v12 =	vsel vm0, v23, v12;
	v23 =	vld [tilespmem:s5+$0xFFFFFF00];
	v24 =	vperm.xlane v20, v0  }
0xef: {  	v17 =	vld [tilespmem:s5+$0x200];
	v22 =	vsel vm2, v22, v26;
	v62 =	vperm.xlane v19, v0;
	v27 =	vsel vm0, v8, v9  }
0xf0: {  	v8 =	vperm.xlane v8, v1;
	v7 =	vperm.xlane v10, v0;
	v9 =	vsel vm2, v25, v10  }
0xf1: {  	v19 =	vsel vm2, v19, v24;
	v24 =	vperm.xlane v30, v0;
	v25 =	vsel vm2, v29, v18  }
0xf2: {  	v26 =	vld [tilespmem:s5+$0xFFFFFC00];
	v18 =	vperm.xlane v18, v0;
	v20 =	vsel vm2, v62, v20;
	v11 =	vsel vm0, v8, v11  }
0xf3: {  	v10 =	vsel vm2, v13, v7;
	v63 =	vadd.f32 v20, v19;
	v20 =	vsel vm2, v23, v24  }
0xf4: {  	v8 =	vld [tilespmem:s5+$0xFFFFFD00];
	v7 =	vadd.f32 v11, v27;
	v11 =	vperm.xlane v17, v0;
	v27 =	vperm.xlane v28, v0  }
0xf5: {  	v16 =	vsel vm2, v16, v18;
	v18 =	vadd.f32 v12, v14;
	v14 =	vadd.f32 v15, v22  }
0xf6: {  	v13 =	vld [tilespmem:s5+$0x100];
	v15 =	vperm.xlane v5, v2;
	v25 =	vadd.f32 v25, v16;
	v27 =	vsel vm2, v27, v17  }
0xf7: {  	v17 =	vsel vm2, v26, v21;
	v21 =	vperm.xlane v26, v0;
	v26 =	vperm.xlane v23, v0  }
0xf8: {  	v24 =	vperm.xlane v63, v1;
	v11 =	vsel vm2, v28, v11;
	v12 =	vperm.xlane v7, v2  }
0xf9: {  	v31 =	vperm.xlane v8, v0;
	v19 =	vsel vm2, v26, v30;
	v26 =	vperm.xlane v25, v1  }
0xfa: {  	v22 =	vperm.xlane v6, v2;
	v11 =	vadd.f32 v27, v11;
	v24 =	vsel vm0, v24, v25  }
0xfb: {  	s10 =	simm.s32 $0x80;
	s19 =	simm.s32 $0x1CA80;
	s5 =	simm.s32 $0x40;
	v12 =	vsel vm1, v18, v12;
	v16 =	vsel vm2, v31, v13;
	v23 =	vsel vm0, v63, v26  }
.LBB2_5:
0xfc: {  	p1 =	sne.s32 s10, $0x100;
	v21 =	vsel vm2, v21, v4;
	v4 =	vld [tilespmem:s19+$0x0];
	v9 =	vadd.f32 v9, v10;
	v10 =	vperm.xlane v14, v1;
	s20 =	smov.u32 s10;
	s10 =	sadd.s32 $0x40, s10  }
0xfd: {  	v23 =	vadd.f32 v24, v23;
	v25 =	vld [tilespmem:s19+$0xFFFFFF80];
	v17 =	vadd.f32 v21, v17;
	v21 =	vperm.xlane v11, v1  }
0xfe: {  	v18 =	vperm.xlane v18, v2;
	v22 =	vsel vm1, v5, v22;
	v24 =	vld [tilespmem:s19+$0xFFFFFD80];
	v26 =	vperm.xlane v9, v1  }
0xff: {  	v13 =	vperm.xlane v13, v0;
	v5 =	vmovc v23;
	v27 =	vld [tilespmem:s19+$0x380];
	v28 =	vsel vm0, v17, v21;
	v17 =	vperm.xlane v17, v1  }
0x100: {  	v19 =	vadd.f32 v19, v20;
	v9 =	vsel vm0, v9, v10;
	v7 =	vsel vm1, v18, v7;
	v21 =	vld [tilespmem:s19+$0xFFFFFE80]  }
0x101: {  	v8 =	vsel vm2, v8, v13;
	v13 =	vsel vm1, v15, v6;
	v10 =	vld [tilespmem:s19+$0x180];
	v18 =	vperm.xlane v4, v0  }
0x102: {  	v6 =	vadd.f32 v16, v8;
	v8 =	vperm.xlane v19, v1;
	v15 =	vld [tilespmem:s19+$0x80];
	v20 =	vperm.xlane v25, v0  }
0x103: {  	v12 =	vadd.f32 v7, v12;
	v14 =	vsel vm0, v26, v14;
	v16 =	vld [tilespmem:s19+$0x280];
	v23 =	vperm.xlane v24, v0  }
0x104: {  	v29 =	vsel vm0, v6, v8;
	v8 =	vperm.xlane v6, v1;
	v26 =	vld [tilespmem:s19+$0x200];
	v7 =	vperm.xlane v27, v0  }
0x105: {  	v13 =	vadd.f32 v13, v22;
	v6 =	vadd.f32 v14, v9;
	v30 =	vld [tilespmem:s19+$0xFFFFFC80];
	v31 =	vperm.xlane v21, v0  }
0x106: {  	v19 =	vsel vm0, v8, v19;
	v14 =	vld [tilespmem:s19+$0xFFFFFE00];
	v22 =	vperm.xlane v10, v0;
	v9 =	vsel vm2, v23, v10  }
0x107: {  	v27 =	vsel vm2, v20, v27;
	v20 =	vperm.xlane v13, v3;
	v25 =	vsel vm2, v25, v7;
	v23 =	vld [tilespmem:s19+$0x300]  }
0x108: {  	v11 =	vsel vm0, v17, v11;
	v32 =	vperm.xlane v15, v0;
	v8 =	vld [tilespmem:s19+$0xFFFFFD00];
	v31 =	vsel vm2, v31, v16  }
0x109: {  	v17 =	vperm.xlane v12, v3;
	v7 =	vadd.f32 v19, v29;
	v10 =	vsel vm2, v24, v22;
	v33 =	vld [tilespmem:s19+$0xFFFFFC00]  }
0x10a: {  	v12 =	vsel vm3, v12, v20;
	v22 =	vld [tilespmem:s19+$0xFFFFFF00];
	v19 =	vsel vm2, v30, v32;
	v24 =	vperm.xlane v30, v0  }
0x10b: {  	s30 =	sshra.s32 s18, $0x2;
	s18 =	smov.u32 s5;
	s5 =	smov.u32 s20;
	v17 =	vsel vm3, v17, v13;
	v20 =	vperm.xlane v26, v0;
	v29 =	vperm.xlane v14, v0  }
0x10c: {  	s20 =	sadd.s32 s30, s15;
	v12 =	vadd.f32 v17, v12;
	v16 =	vperm.xlane v16, v0;
	v13 =	vld [tilespmem:s19+$0x100];
	v30 =	vperm.xlane v23, v0  }
0x10d: {  	v15 =	vsel vm2, v24, v15;
	v26 =	vsel vm2, v29, v26;
	v29 =	vperm.xlane v8, v0  }
0x10e: {  	v24 =	vsel vm2, v14, v20;
	v14 =	vsel vm2, v21, v16;
	v17 =	vsel vm2, v33, v18;
	[tilespmem:s20+$0x0] =	vst v12  }
0x10f: {  	v31 =	vadd.f32 v31, v14;
	v21 =	vperm.xlane v33, v0;
	v12 =	vperm.xlane v22, v0  }
.Ltmp5:
0x110: {  	v15 =	vadd.f32 v15, v19;
	v18 =	vadd.f32 v11, v28;
	v11 =	vperm.xlane v7, v2;
	(pc) =	sbr.rel @p1 .LBB2_5-.Ltmp5, $4  }
0x111: {  	v16 =	vsel vm2, v29, v13;
	v19 =	vsel vm2, v12, v23;
	v23 =	vperm.xlane v31, v1  }
0x112: {  	v20 =	vsel vm2, v22, v30;
	v22 =	vperm.xlane v15, v1;
	v12 =	vsel vm1, v18, v11  }
0x113: {  	v14 =	vadd.f32 v27, v25;
	v23 =	vsel vm0, v15, v23;
	v15 =	vperm.xlane v5, v2  }
0x114: {  	s19 =	sadd.s32 $0x800, s19;
	v11 =	vadd.f32 v26, v24;
	v24 =	vsel vm0, v22, v31;
	v22 =	vperm.xlane v6, v2  }
0x115: {  	v13 =	vperm.xlane v13, v0  }
0x116: {  	v4 =	vsel vm2, v21, v4;
	v9 =	vadd.f32 v9, v10;
	v49 =	vperm.xlane v14, v1  }
0x117: {  	v50 =	vadd.f32 v19, v20;
	v18 =	vperm.xlane v18, v2;
	v8 =	vsel vm2, v8, v13  }
0x118: {  	v4 =	vadd.f32 v4, v17;
	v51 =	vperm.xlane v11, v1;
	v8 =	vadd.f32 v16, v8  }
0x119: {  	v53 =	vadd.f32 v24, v23;
	v52 =	vperm.xlane v9, v1;
	v20 =	vperm.xlane v50, v1  }
0x11a: {  	v16 =	vsel vm0, v4, v51;
	v4 =	vperm.xlane v4, v1;
	v54 =	vperm.xlane v8, v1  }
0x11b: {  	v9 =	vsel vm0, v9, v49;
	v56 =	vsel vm0, v52, v14;
	v8 =	vsel vm0, v8, v20  }
0x11c: {  	v4 =	vsel vm0, v4, v11;
	v9 =	vadd.f32 v56, v9;
	v55 =	vsel vm0, v54, v50  }
0x11d: {  	v6 =	vsel vm1, v15, v6;
	v4 =	vadd.f32 v4, v16;
	v8 =	vadd.f32 v55, v8  }
0x11e: {  	v5 =	vsel vm1, v5, v22;
	v57 =	vperm.xlane v53, v2;
	v13 =	vperm.xlane v9, v2  }
0x11f: {  	v7 =	vsel vm1, v18, v7;
	v58 =	vperm.xlane v4, v2;
	v10 =	vperm.xlane v8, v2  }
0x120: {  	v5 =	vadd.f32 v6, v5;
	v7 =	vadd.f32 v7, v12;
	v9 =	vsel vm1, v57, v9  }
0x121: {  	v59 =	vsel vm1, v53, v13;
	v8 =	vsel vm1, v58, v8;
	v4 =	vsel vm1, v4, v10  }
0x122: {  	v6 =	vadd.f32 v9, v59;
	v4 =	vadd.f32 v8, v4  }
0x123: {  	s30 =	sor.u32 $0x1, s17;
	v60 =	vperm.xlane v5, v3;
	v61 =	vperm.xlane v7, v3  }
0x124: {  	p1 =	sgt.u32 s30, $0x7C;
	v62 =	vperm.xlane v6, v3;
	v63 =	vperm.xlane v4, v3  }
.Ltmp6:
0x125: {  	v7 =	vsel vm3, v7, v60;
	v5 =	vsel vm3, v61, v5;
	(pc) =	sbr.rel @p1 .LBB2_12-.Ltmp6, $4  }
0x126: {  	s10 =	sshra.s32 s18, $0x2;
	v5 =	vadd.f32 v5, v7;
	v4 =	vsel vm3, v4, v62;
	v6 =	vsel vm3, v63, v6  }
0x127: {  	s5 =	sshra.s32 s5, $0x2;
	s10 =	sadd.s32 s10, s15;
	v4 =	vadd.f32 v6, v4  }
0x128: {  	s5 =	sadd.s32 s5, s15;
	[tilespmem:s10+$0x0] =	vst v5  }
0x129: {  	[tilespmem:s5+$0x0] =	vst v4  }
0x12a: {  	s5 =	smul.u32 $0x140, s16;
	_ =	sdelay $0x1  }
0x12b: {  	s10 =	sadd.s32 $0x140, s5  }
0x12c: {  	[tilespmem:s12], [sflag:$0x1] =	stream.indirect.gather [hbm4b:s3+s11], $0x80, s10, s11, $0xb8;
	[tilespmem:$0x1DE80] =	vst v63  }
0x12d: {  	s5 =	sadd.s32 $0x28C0, s5  }
0x12e: {  	[tilespmem:s13], [sflag:$0x5] =	stream.indirect.gather [hbm4b:s4+s11], $0x80, s5, s11, $0xb8;
	[tilespmem:$0x1DE80] =	vst v63  }
0x12f: {  	_ =	swait.ge [sflag:s23], $0x2800  }
0x130: {  	[sflag:s23] =	ssyncset.done $0x0  }
0x131: {  	[sflag:s23] =	ssyncadd.s32 $0xFFFFD800  }
0x132: {  	_ =	swait.ge [sflag:s24], $0x2800  }
0x133: {  	[sflag:s24] =	ssyncset.done $0x0  }
0x134: {  	s18 =	simm.s32 $0x7800;
	[sflag:s24] =	ssyncadd.s32 $0xFFFFD800  }
0x135: {  	s19 =	simm.s32 $0x11800;
	v5 =	vld [tilespmem:s18+$0x80]  }
0x136: {  	v6 =	vld [tilespmem:s19+$0x80]  }
0x137: {  	v7 =	vld [tilespmem:s18+$0x90]  }
0x138: {  	v8 =	vld [tilespmem:s19+$0x90]  }
0x139: {  	v9 =	vld [tilespmem:s18+$0xA0]  }
0x13a: {  	v10 =	vld [tilespmem:s19+$0xA0]  }
0x13b: {  	v11 =	vld [tilespmem:s18+$0xB0]  }
0x13c: {  	v12 =	vld [tilespmem:s19+$0xB0]  }
0x13d: {  	v13 =	vld [tilespmem:s18+$0xC0]  }
0x13e: {  	v14 =	vld [tilespmem:s19+$0xC0]  }
0x13f: {  	v15 =	vld [tilespmem:s18+$0xD0]  }
0x140: {  	v16 =	vld [tilespmem:s19+$0xD0]  }
0x141: {  	v17 =	vld [tilespmem:s18+$0xE0]  }
0x142: {  	v18 =	vld [tilespmem:s19+$0xE0]  }
0x143: {  	v19 =	vld [tilespmem:s18+$0xF0]  }
0x144: {  	v20 =	vld [tilespmem:s19+$0xF0]  }
0x145: {  	v4 =	vld [tilespmem:s19+$0xFFFFFF00]  }
0x146: {  	v21 =	vld [tilespmem:s18+$0xFFFFFF10]  }
0x147: {  	v22 =	vld [tilespmem:s19+$0xFFFFFF10]  }
0x148: {  	v23 =	vld [tilespmem:s18+$0xFFFFFF20]  }
0x149: {  	v24 =	vld [tilespmem:s19+$0xFFFFFF20]  }
0x14a: {  	v25 =	vld [tilespmem:s18+$0xFFFFFF30]  }
0x14b: {  	v26 =	vld [tilespmem:s19+$0xFFFFFF30]  }
0x14c: {  	v27 =	vld [tilespmem:s18+$0xFFFFFF40]  }
0x14d: {  	v28 =	vld [tilespmem:s19+$0xFFFFFF40]  }
0x14e: {  	v29 =	vld [tilespmem:s18+$0xFFFFFF50]  }
0x14f: {  	v30 =	vld [tilespmem:s19+$0xFFFFFF50]  }
0x150: {  	v31 =	vld [tilespmem:s18+$0xFFFFFF60]  }
0x151: {  	v32 =	vld [tilespmem:s19+$0xFFFFFF60]  }
0x152: {  	v33 =	vld [tilespmem:s18+$0xFFFFFF70]  }
0x153: {  	v34 =	vld [tilespmem:s19+$0xFFFFFF70]  }
0x154: {  	v35 =	vld [tilespmem:s18+$0xFFFFFF80]  }
0x155: {  	v36 =	vld [tilespmem:s19+$0xFFFFFF80]  }
0x156: {  	v37 =	vld [tilespmem:s18+$0xFFFFFF90]  }
0x157: {  	v38 =	vld [tilespmem:s19+$0xFFFFFF90]  }
0x158: {  	v39 =	vld [tilespmem:s18+$0xFFFFFFA0]  }
0x159: {  	v40 =	vld [tilespmem:s19+$0xFFFFFFA0]  }
0x15a: {  	v41 =	vld [tilespmem:s18+$0xFFFFFFB0]  }
0x15b: {  	v42 =	vld [tilespmem:s19+$0xFFFFFFB0]  }
0x15c: {  	v43 =	vld [tilespmem:s18+$0xFFFFFFC0]  }
0x15d: {  	v44 =	vld [tilespmem:s19+$0xFFFFFFC0]  }
0x15e: {  	v45 =	vld [tilespmem:s18+$0xFFFFFFD0]  }
0x15f: {  	v46 =	vld [tilespmem:s19+$0xFFFFFFD0]  }
0x160: {  	v47 =	vld [tilespmem:s18+$0xFFFFFFE0]  }
0x161: {  	v48 =	vld [tilespmem:s19+$0xFFFFFFE0]  }
0x162: {  	v53 =	vld [tilespmem:s19+$0x20];
	v5 =	vmul.f32 v6, v5;
	v6 =	vmul.f32 v8, v7  }
0x163: {  	v56 =	vld [tilespmem:s18+$0x30];
	v8 =	vmul.f32 v10, v9;
	v9 =	vmul.f32 v12, v11  }
0x164: {  	v7 =	vld [tilespmem:s18+$0xFFFFFFF0];
	v11 =	vmul.f32 v14, v13;
	v12 =	vmul.f32 v16, v15  }
0x165: {  	v10 =	vld [tilespmem:s19+$0xFFFFFFF0];
	v14 =	vmul.f32 v18, v17;
	v15 =	vmul.f32 v20, v19  }
0x166: {  	v13 =	vld [tilespmem:s18+$0x0];
	v52 =	vmul.f32 v42, v41;
	v5 =	vadd.f32 v6, v5;
	v6 =	vadd.f32 v9, v8  }
0x167: {  	v17 =	vld [tilespmem:s18+$0x20];
	v54 =	vmul.f32 v44, v43;
	v9 =	vadd.f32 v12, v11;
	v11 =	vadd.f32 v15, v14  }
0x168: {  	v55 =	vmul.f32 v46, v45;
	v58 =	vmul.f32 v30, v29;
	v8 =	vld [tilespmem:s18+$0x10]  }
0x169: {  	v60 =	vmul.f32 v34, v33;
	v14 =	vld [tilespmem:s19+$0x10];
	v5 =	vadd.f32 v6, v5;
	v9 =	vadd.f32 v11, v9  }
0x16a: {  	v16 =	vld [tilespmem:s19+$0x0];
	v62 =	vmul.f32 v26, v25;
	v15 =	vmul.f32 v38, v37  }
0x16b: {  	v6 =	vmul.f32 v36, v35;
	v11 =	vmul.f32 v40, v39;
	v57 =	vadd.f32 v9, v5;
	v9 =	vld [tilespmem:s19+$0x30]  }
0x16c: {  	v59 =	vld [tilespmem:s19+$0x40];
	v20 =	vadd.f32 v55, v54;
	v7 =	vmul.f32 v10, v7;
	v5 =	vmul.f32 v48, v47  }
0x16d: {  	v61 =	vld [tilespmem:s18+$0x50];
	v10 =	vmul.f32 v28, v27;
	v6 =	vadd.f32 v15, v6;
	v11 =	vadd.f32 v52, v11  }
0x16e: {  	v15 =	vld [tilespmem:s18+$0x40];
	v8 =	vmul.f32 v14, v8;
	v14 =	vmul.f32 v53, v17;
	v5 =	vadd.f32 v7, v5  }
0x16f: {  	v7 =	vmul.f32 v32, v31;
	v6 =	vadd.f32 v11, v6;
	v11 =	vmul.f32 v16, v13;
	v16 =	vld [tilespmem:s19+$0x50]  }
0x170: {  	v13 =	vadd.f32 v58, v10;
	v10 =	vld [tilespmem:s19+$0x60];
	v5 =	vadd.f32 v5, v20;
	v17 =	vmul.f32 v9, v56  }
0x171: {  	v12 =	vmul.f32 v24, v23;
	v7 =	vadd.f32 v60, v7;
	v8 =	vadd.f32 v8, v11;
	v9 =	vld [tilespmem:s18+$0x60]  }
0x172: {  	s20 =	simm.s32 $0x1B780;
	v11 =	vld [tilespmem:s18+$0x70];
	v63 =	vadd.f32 v5, v6;
	v17 =	vadd.f32 v17, v14  }
0x173: {  	[tilespmem:s20+$0x80] =	vst v57;
	v5 =	vmul.f32 v22, v21;
	v6 =	vadd.f32 v62, v12;
	v7 =	vadd.f32 v7, v13;
	v12 =	vld [tilespmem:s19+$0x70]  }
0x174: {  	s30 =	simm.s32 $0x7A00;
	s10 =	simm.s32 $0x0;
	v13 =	vmul.f32 v59, v15;
	v14 =	vld [tilespmem:s18+$0xFFFFFF00];
	v15 =	vmul.f32 v16, v61;
	[tilespmem:s20+$0xFFFFFF80] =	vst v63;
	v8 =	vadd.f32 v17, v8  }
.LBB2_8:
0x175: {  	v16 =	vld [tilespmem:s30+$0x80];
	s19 =	sadd.s32 $0x200, s19  }
0x176: {  	v17 =	vld [tilespmem:s19+$0x80];
	v9 =	vmul.f32 v10, v9;
	v10 =	vadd.f32 v15, v13  }
0x177: {  	v13 =	vld [tilespmem:s30+$0x90]  }
0x178: {  	v15 =	vld [tilespmem:s19+$0x90];
	v11 =	vmul.f32 v12, v11  }
0x179: {  	v12 =	vld [tilespmem:s30+$0xA0];
	v4 =	vmul.f32 v4, v14  }
0x17a: {  	v14 =	vld [tilespmem:s19+$0xA0];
	v9 =	vadd.f32 v11, v9  }
0x17b: {  	v11 =	vld [tilespmem:s30+$0xB0];
	v4 =	vadd.f32 v5, v4  }
0x17c: {  	v5 =	vld [tilespmem:s19+$0xB0];
	v9 =	vadd.f32 v9, v10  }
0x17d: {  	v10 =	vld [tilespmem:s30+$0xC0];
	v4 =	vadd.f32 v6, v4  }
0x17e: {  	v6 =	vld [tilespmem:s19+$0xC0];
	v8 =	vadd.f32 v9, v8  }
0x17f: {  	v9 =	vld [tilespmem:s30+$0xD0];
	v4 =	vadd.f32 v7, v4  }
0x180: {  	v7 =	vld [tilespmem:s19+$0xD0];
	[tilespmem:s20+$0x0] =	vst v8  }
0x181: {  	v8 =	vld [tilespmem:s30+$0xE0];
	[tilespmem:s20+$0xFFFFFF00] =	vst v4  }
0x182: {  	v18 =	vld [tilespmem:s19+$0xE0]  }
0x183: {  	v19 =	vld [tilespmem:s30+$0xF0]  }
0x184: {  	s10 =	sadd.s32 $0x4, s10;
	v20 =	vld [tilespmem:s19+$0xF0]  }
0x185: {  	p1 =	slt.u32 s10, $0x4C;
	v4 =	vld [tilespmem:s19+$0xFFFFFF00]  }
0x186: {  	v16 =	vmul.f32 v17, v16;
	v13 =	vmul.f32 v15, v13;
	v21 =	vld [tilespmem:s30+$0xFFFFFF10]  }
0x187: {  	v12 =	vmul.f32 v14, v12;
	v5 =	vmul.f32 v5, v11;
	v15 =	vld [tilespmem:s19+$0xFFFFFF10]  }
0x188: {  	v6 =	vmul.f32 v6, v10;
	v7 =	vmul.f32 v7, v9;
	v11 =	vld [tilespmem:s30+$0xFFFFFF20]  }
0x189: {  	v8 =	vmul.f32 v18, v8;
	v9 =	vld [tilespmem:s19+$0xFFFFFF20];
	v10 =	vmul.f32 v20, v19  }
0x18a: {  	v13 =	vadd.f32 v13, v16;
	v12 =	vadd.f32 v5, v12;
	v14 =	vld [tilespmem:s30+$0xFFFFFF30]  }
0x18b: {  	v6 =	vadd.f32 v7, v6;
	v16 =	vld [tilespmem:s19+$0xFFFFFF30];
	v7 =	vadd.f32 v10, v8  }
0x18c: {  	v5 =	vmul.f32 v15, v21;
	v8 =	vld [tilespmem:s30+$0xFFFFFF40]  }
0x18d: {  	v12 =	vadd.f32 v12, v13;
	v10 =	vld [tilespmem:s19+$0xFFFFFF40];
	v6 =	vadd.f32 v7, v6  }
0x18e: {  	v7 =	vmul.f32 v9, v11;
	v9 =	vld [tilespmem:s30+$0xFFFFFF50]  }
0x18f: {  	v11 =	vld [tilespmem:s19+$0xFFFFFF50];
	v6 =	vadd.f32 v6, v12  }
0x190: {  	s20 =	sadd.s32 $0x200, s20;
	v12 =	vmul.f32 v16, v14;
	v13 =	vld [tilespmem:s30+$0xFFFFFF60]  }
0x191: {  	s18 =	simm.s32 $0x0;
	s5 =	simm.s32 $0x1BA80;
	v14 =	vld [tilespmem:s19+$0xFFFFFF60];
	[tilespmem:s20+$0x80] =	vst v6  }
0x192: {  	v8 =	vmul.f32 v10, v8;
	v10 =	vld [tilespmem:s30+$0xFFFFFF70];
	v6 =	vadd.f32 v12, v7  }
0x193: {  	v7 =	vld [tilespmem:s19+$0xFFFFFF70]  }
0x194: {  	v9 =	vmul.f32 v11, v9;
	v11 =	vld [tilespmem:s30+$0xFFFFFF80]  }
0x195: {  	v12 =	vld [tilespmem:s19+$0xFFFFFF80]  }
0x196: {  	v13 =	vmul.f32 v14, v13;
	v8 =	vadd.f32 v9, v8;
	v9 =	vld [tilespmem:s30+$0xFFFFFF90]  }
0x197: {  	v14 =	vld [tilespmem:s19+$0xFFFFFF90]  }
0x198: {  	v7 =	vmul.f32 v7, v10;
	v10 =	vld [tilespmem:s30+$0xFFFFFFA0]  }
0x199: {  	v15 =	vld [tilespmem:s19+$0xFFFFFFA0]  }
0x19a: {  	v7 =	vadd.f32 v7, v13;
	v11 =	vmul.f32 v12, v11;
	v12 =	vld [tilespmem:s30+$0xFFFFFFB0]  }
0x19b: {  	v13 =	vld [tilespmem:s19+$0xFFFFFFB0]  }
0x19c: {  	v7 =	vadd.f32 v7, v8;
	v8 =	vmul.f32 v14, v9;
	v9 =	vld [tilespmem:s30+$0xFFFFFFC0]  }
0x19d: {  	v14 =	vld [tilespmem:s19+$0xFFFFFFC0]  }
0x19e: {  	v10 =	vmul.f32 v15, v10;
	v15 =	vld [tilespmem:s30+$0xFFFFFFD0];
	v8 =	vadd.f32 v8, v11  }
0x19f: {  	v11 =	vld [tilespmem:s19+$0xFFFFFFD0]  }
0x1a0: {  	v12 =	vmul.f32 v13, v12;
	v13 =	vld [tilespmem:s30+$0xFFFFFFE0]  }
0x1a1: {  	v16 =	vld [tilespmem:s19+$0xFFFFFFE0]  }
0x1a2: {  	v9 =	vmul.f32 v14, v9;
	v14 =	vld [tilespmem:s30+$0xFFFFFFF0];
	v10 =	vadd.f32 v12, v10  }
0x1a3: {  	v12 =	vld [tilespmem:s19+$0xFFFFFFF0]  }
0x1a4: {  	v11 =	vmul.f32 v11, v15;
	v8 =	vadd.f32 v10, v8;
	v10 =	vld [tilespmem:s30+$0x0]  }
0x1a5: {  	v15 =	vld [tilespmem:s19+$0x0]  }
0x1a6: {  	v13 =	vmul.f32 v16, v13;
	v9 =	vadd.f32 v11, v9;
	v11 =	vld [tilespmem:s30+$0x10]  }
0x1a7: {  	v16 =	vld [tilespmem:s19+$0x10]  }
0x1a8: {  	v12 =	vmul.f32 v12, v14;
	v14 =	vld [tilespmem:s30+$0x20]  }
0x1a9: {  	v17 =	vld [tilespmem:s19+$0x20]  }
0x1aa: {  	v12 =	vadd.f32 v12, v13;
	v10 =	vmul.f32 v15, v10;
	v13 =	vld [tilespmem:s30+$0x30]  }
0x1ab: {  	v15 =	vld [tilespmem:s19+$0x30]  }
0x1ac: {  	v9 =	vadd.f32 v12, v9;
	v11 =	vmul.f32 v16, v11;
	v12 =	vld [tilespmem:s30+$0x40]  }
0x1ad: {  	v16 =	vld [tilespmem:s19+$0x40]  }
0x1ae: {  	v8 =	vadd.f32 v9, v8;
	v14 =	vmul.f32 v17, v14;
	v17 =	vld [tilespmem:s30+$0x50];
	v18 =	vadd.f32 v11, v10  }
0x1af: {  	v19 =	vld [tilespmem:s19+$0x50]  }
.Ltmp7:
0x1b0: {  	[tilespmem:s20+$0xFFFFFF80] =	vst v8;
	v8 =	vmul.f32 v15, v13;
	v9 =	vld [tilespmem:s30+$0x60];
	(pc) =	sbr.rel @p1 .LBB2_8-.Ltmp7, $4  }
0x1b1: {  	v10 =	vld [tilespmem:s19+$0x60]  }
0x1b2: {  	v13 =	vmul.f32 v16, v12;
	v11 =	vld [tilespmem:s30+$0x70];
	v8 =	vadd.f32 v8, v14  }
0x1b3: {  	v12 =	vld [tilespmem:s19+$0x70]  }
0x1b4: {  	v14 =	vld [tilespmem:s30+$0xFFFFFF00];
	v15 =	vmul.f32 v19, v17;
	v8 =	vadd.f32 v8, v18;
	s30 =	sadd.s32 $0x200, s30  }
0x1b5: {  	_ =	sdelay $0x2  }
0x1b6: {  	v9 =	vmul.f32 v10, v9;
	v10 =	vmul.f32 v12, v11  }
0x1b7: {  	v4 =	vmul.f32 v4, v14  }
0x1b8: {  	v11 =	vadd.f32 v15, v13;
	v9 =	vadd.f32 v10, v9  }
0x1b9: {  	v4 =	vadd.f32 v5, v4  }
0x1ba: {  	v5 =	vadd.f32 v9, v11  }
0x1bb: {  	v4 =	vadd.f32 v6, v4  }
0x1bc: {  	v5 =	vadd.f32 v5, v8  }
0x1bd: {  	v4 =	vadd.f32 v7, v4  }
0x1be: {  	[tilespmem:s20+$0x0] =	vst v5  }
0x1bf: {  	[tilespmem:s20+$0xFFFFFF00] =	vst v4  }
0x1c0: {  	v5 =	vld [tilespmem:s5+$0x0]  }
0x1c1: {  	v4 =	vld [tilespmem:s5+$0xFFFFFF80]  }
0x1c2: {  	v6 =	vld [tilespmem:s5+$0xFFFFFD80]  }
0x1c3: {  	v7 =	vld [tilespmem:s5+$0x380]  }
0x1c4: {  	v8 =	vld [tilespmem:s5+$0xFFFFFE80]  }
0x1c5: {  	v9 =	vld [tilespmem:s5+$0x180]  }
0x1c6: {  	v10 =	vld [tilespmem:s5+$0x80]  }
0x1c7: {  	v15 =	vld [tilespmem:s5+$0xFFFFFE00]  }
0x1c8: {  	v18 =	vld [tilespmem:s5+$0x300]  }
0x1c9: {  	v11 =	vld [tilespmem:s5+$0x280]  }
0x1ca: {  	v13 =	vld [tilespmem:s5+$0xFFFFFC80];
	v14 =	vperm.xlane v5, v0;
	v16 =	vperm.xlane v6, v0  }
0x1cb: {  	v12 =	vld [tilespmem:s5+$0x200];
	v17 =	vperm.xlane v7, v0;
	v19 =	vperm.xlane v4, v0  }
0x1cc: {  	v21 =	vld [tilespmem:s5+$0xFFFFFD00];
	v20 =	vperm.xlane v8, v0;
	v22 =	vperm.xlane v9, v0  }
0x1cd: {  	v24 =	vld [tilespmem:s5+$0x100];
	v23 =	vperm.xlane v15, v0;
	v25 =	vperm.xlane v18, v0;
	v9 =	vsel vm2, v16, v9  }
0x1ce: {  	v16 =	vsel vm2, v4, v17;
	v4 =	vld [tilespmem:s5+$0xFFFFFC00];
	v7 =	vsel vm2, v19, v7;
	v17 =	vperm.xlane v10, v0  }
0x1cf: {  	v19 =	vsel vm2, v20, v11;
	v20 =	vld [tilespmem:s5+$0xFFFFFF00];
	v6 =	vsel vm2, v6, v22;
	v22 =	vperm.xlane v13, v0  }
0x1d0: {  	s30 =	simm.s32 $0x1C280;
	v11 =	vperm.xlane v11, v0;
	v7 =	vadd.f32 v7, v16;
	v6 =	vadd.f32 v9, v6  }
0x1d1: {  	v16 =	vld [tilespmem:s30+$0xFFFFFE80];
	v13 =	vsel vm2, v13, v17;
	v17 =	vperm.xlane v12, v0;
	v12 =	vsel vm2, v23, v12  }
0x1d2: {  	v23 =	vperm.xlane v21, v0;
	v10 =	vsel vm2, v22, v10;
	v8 =	vsel vm2, v8, v11  }
0x1d3: {  	v8 =	vadd.f32 v19, v8;
	v10 =	vadd.f32 v10, v13;
	v13 =	vsel vm2, v15, v17  }
0x1d4: {  	v17 =	vsel vm2, v23, v24;
	v14 =	vsel vm2, v4, v14;
	v11 =	vperm.xlane v20, v0  }
0x1d5: {  	v30 =	vld [tilespmem:s30+$0x300];
	v15 =	vperm.xlane v4, v0;
	v19 =	vperm.xlane v10, v1;
	v20 =	vsel vm2, v20, v25  }
0x1d6: {  	v22 =	vld [tilespmem:s30+$0xFFFFFF80];
	v12 =	vadd.f32 v12, v13;
	v29 =	vperm.xlane v16, v0;
	v11 =	vsel vm2, v11, v18  }
0x1d7: {  	v13 =	vld [tilespmem:s30+$0xFFFFFD80];
	v18 =	vperm.xlane v8, v1;
	v8 =	vsel vm0, v19, v8;
	v5 =	vsel vm2, v15, v5  }
0x1d8: {  	v4 =	vld [tilespmem:s30+$0x0];
	v19 =	vperm.xlane v6, v1;
	v9 =	vadd.f32 v5, v14;
	v14 =	vperm.xlane v12, v1  }
0x1d9: {  	v15 =	vld [tilespmem:s30+$0x380];
	v11 =	vadd.f32 v11, v20;
	v10 =	vsel vm0, v10, v18;
	v18 =	vperm.xlane v7, v1  }
0x1da: {  	v20 =	vld [tilespmem:s30+$0x80];
	v7 =	vsel vm0, v19, v7;
	v5 =	vadd.f32 v8, v10;
	v8 =	vperm.xlane v24, v0  }
0x1db: {  	v19 =	vld [tilespmem:s30+$0xFFFFFC80];
	v14 =	vsel vm0, v9, v14;
	v23 =	vperm.xlane v9, v1;
	v9 =	vperm.xlane v11, v1  }
0x1dc: {  	v10 =	vld [tilespmem:s30+$0x180];
	v24 =	vperm.xlane v22, v0;
	v25 =	vperm.xlane v13, v0  }
0x1dd: {  	v6 =	vsel vm0, v6, v18;
	v18 =	vld [tilespmem:s30+$0x280];
	v8 =	vsel vm2, v21, v8;
	v21 =	vperm.xlane v4, v0  }
0x1de: {  	v28 =	vld [tilespmem:s30+$0xFFFFFE00];
	v26 =	vperm.xlane v15, v0;
	v6 =	vadd.f32 v7, v6;
	v8 =	vadd.f32 v17, v8  }
0x1df: {  	v15 =	vsel vm2, v24, v15;
	v12 =	vsel vm0, v23, v12;
	v23 =	vld [tilespmem:s30+$0xFFFFFF00];
	v24 =	vperm.xlane v20, v0  }
0x1e0: {  	v17 =	vld [tilespmem:s30+$0x200];
	v22 =	vsel vm2, v22, v26;
	v62 =	vperm.xlane v19, v0;
	v27 =	vsel vm0, v8, v9  }
0x1e1: {  	v8 =	vperm.xlane v8, v1;
	v7 =	vperm.xlane v10, v0;
	v9 =	vsel vm2, v25, v10  }
0x1e2: {  	v19 =	vsel vm2, v19, v24;
	v24 =	vperm.xlane v30, v0;
	v25 =	vsel vm2, v29, v18  }
0x1e3: {  	v26 =	vld [tilespmem:s30+$0xFFFFFC00];
	v18 =	vperm.xlane v18, v0;
	v20 =	vsel vm2, v62, v20;
	v11 =	vsel vm0, v8, v11  }
0x1e4: {  	v10 =	vsel vm2, v13, v7;
	v63 =	vadd.f32 v20, v19;
	v20 =	vsel vm2, v23, v24  }
0x1e5: {  	v8 =	vld [tilespmem:s30+$0xFFFFFD00];
	v7 =	vadd.f32 v11, v27;
	v11 =	vperm.xlane v17, v0;
	v27 =	vperm.xlane v28, v0  }
0x1e6: {  	v16 =	vsel vm2, v16, v18;
	v18 =	vadd.f32 v12, v14;
	v14 =	vadd.f32 v15, v22  }
0x1e7: {  	v13 =	vld [tilespmem:s30+$0x100];
	v15 =	vperm.xlane v5, v2;
	v25 =	vadd.f32 v25, v16;
	v27 =	vsel vm2, v27, v17  }
0x1e8: {  	v17 =	vsel vm2, v26, v21;
	v21 =	vperm.xlane v26, v0;
	v26 =	vperm.xlane v23, v0  }
0x1e9: {  	v24 =	vperm.xlane v63, v1;
	v11 =	vsel vm2, v28, v11;
	v12 =	vperm.xlane v7, v2  }
0x1ea: {  	v31 =	vperm.xlane v8, v0;
	v19 =	vsel vm2, v26, v30;
	v26 =	vperm.xlane v25, v1  }
0x1eb: {  	v22 =	vperm.xlane v6, v2;
	v11 =	vadd.f32 v27, v11;
	v24 =	vsel vm0, v24, v25  }
0x1ec: {  	s10 =	simm.s32 $0x80;
	s19 =	simm.s32 $0x1CA80;
	s5 =	simm.s32 $0x40;
	v12 =	vsel vm1, v18, v12;
	v16 =	vsel vm2, v31, v13;
	v23 =	vsel vm0, v63, v26  }
.LBB2_10:
0x1ed: {  	p1 =	sne.s32 s10, $0x100;
	v21 =	vsel vm2, v21, v4;
	v4 =	vld [tilespmem:s19+$0x0];
	v9 =	vadd.f32 v9, v10;
	v10 =	vperm.xlane v14, v1;
	s20 =	smov.u32 s10;
	s10 =	sadd.s32 $0x40, s10  }
0x1ee: {  	v23 =	vadd.f32 v24, v23;
	v25 =	vld [tilespmem:s19+$0xFFFFFF80];
	v17 =	vadd.f32 v21, v17;
	v21 =	vperm.xlane v11, v1  }
0x1ef: {  	v18 =	vperm.xlane v18, v2;
	v22 =	vsel vm1, v5, v22;
	v24 =	vld [tilespmem:s19+$0xFFFFFD80];
	v26 =	vperm.xlane v9, v1  }
0x1f0: {  	v13 =	vperm.xlane v13, v0;
	v5 =	vmovc v23;
	v27 =	vld [tilespmem:s19+$0x380];
	v28 =	vsel vm0, v17, v21;
	v17 =	vperm.xlane v17, v1  }
0x1f1: {  	v19 =	vadd.f32 v19, v20;
	v9 =	vsel vm0, v9, v10;
	v7 =	vsel vm1, v18, v7;
	v21 =	vld [tilespmem:s19+$0xFFFFFE80]  }
0x1f2: {  	v8 =	vsel vm2, v8, v13;
	v13 =	vsel vm1, v15, v6;
	v10 =	vld [tilespmem:s19+$0x180];
	v18 =	vperm.xlane v4, v0  }
0x1f3: {  	v6 =	vadd.f32 v16, v8;
	v8 =	vperm.xlane v19, v1;
	v15 =	vld [tilespmem:s19+$0x80];
	v20 =	vperm.xlane v25, v0  }
0x1f4: {  	v12 =	vadd.f32 v7, v12;
	v14 =	vsel vm0, v26, v14;
	v16 =	vld [tilespmem:s19+$0x280];
	v23 =	vperm.xlane v24, v0  }
0x1f5: {  	v29 =	vsel vm0, v6, v8;
	v8 =	vperm.xlane v6, v1;
	v26 =	vld [tilespmem:s19+$0x200];
	v7 =	vperm.xlane v27, v0  }
0x1f6: {  	v13 =	vadd.f32 v13, v22;
	v6 =	vadd.f32 v14, v9;
	v30 =	vld [tilespmem:s19+$0xFFFFFC80];
	v31 =	vperm.xlane v21, v0  }
0x1f7: {  	v19 =	vsel vm0, v8, v19;
	v14 =	vld [tilespmem:s19+$0xFFFFFE00];
	v22 =	vperm.xlane v10, v0;
	v9 =	vsel vm2, v23, v10  }
0x1f8: {  	v27 =	vsel vm2, v20, v27;
	v20 =	vperm.xlane v13, v3;
	v25 =	vsel vm2, v25, v7;
	v23 =	vld [tilespmem:s19+$0x300]  }
0x1f9: {  	v11 =	vsel vm0, v17, v11;
	v32 =	vperm.xlane v15, v0;
	v8 =	vld [tilespmem:s19+$0xFFFFFD00];
	v31 =	vsel vm2, v31, v16  }
0x1fa: {  	v17 =	vperm.xlane v12, v3;
	v7 =	vadd.f32 v19, v29;
	v10 =	vsel vm2, v24, v22;
	v33 =	vld [tilespmem:s19+$0xFFFFFC00]  }
0x1fb: {  	v12 =	vsel vm3, v12, v20;
	v22 =	vld [tilespmem:s19+$0xFFFFFF00];
	v19 =	vsel vm2, v30, v32;
	v24 =	vperm.xlane v30, v0  }
0x1fc: {  	s30 =	sshra.s32 s18, $0x2;
	s18 =	smov.u32 s5;
	s5 =	smov.u32 s20;
	v17 =	vsel vm3, v17, v13;
	v20 =	vperm.xlane v26, v0;
	v29 =	vperm.xlane v14, v0  }
0x1fd: {  	s20 =	sadd.s32 s30, s1;
	v12 =	vadd.f32 v17, v12;
	v16 =	vperm.xlane v16, v0;
	v13 =	vld [tilespmem:s19+$0x100];
	v30 =	vperm.xlane v23, v0  }
0x1fe: {  	v15 =	vsel vm2, v24, v15;
	v26 =	vsel vm2, v29, v26;
	v29 =	vperm.xlane v8, v0  }
0x1ff: {  	v24 =	vsel vm2, v14, v20;
	v14 =	vsel vm2, v21, v16;
	v17 =	vsel vm2, v33, v18;
	[tilespmem:s20+$0x0] =	vst v12  }
0x200: {  	v31 =	vadd.f32 v31, v14;
	v21 =	vperm.xlane v33, v0;
	v12 =	vperm.xlane v22, v0  }
.Ltmp8:
0x201: {  	v15 =	vadd.f32 v15, v19;
	v18 =	vadd.f32 v11, v28;
	v11 =	vperm.xlane v7, v2;
	(pc) =	sbr.rel @p1 .LBB2_10-.Ltmp8, $4  }
0x202: {  	v16 =	vsel vm2, v29, v13;
	v19 =	vsel vm2, v12, v23;
	v23 =	vperm.xlane v31, v1  }
0x203: {  	v20 =	vsel vm2, v22, v30;
	v22 =	vperm.xlane v15, v1;
	v12 =	vsel vm1, v18, v11  }
0x204: {  	v14 =	vadd.f32 v27, v25;
	v23 =	vsel vm0, v15, v23;
	v15 =	vperm.xlane v5, v2  }
0x205: {  	s19 =	sadd.s32 $0x800, s19;
	v11 =	vadd.f32 v26, v24;
	v24 =	vsel vm0, v22, v31;
	v22 =	vperm.xlane v6, v2  }
0x206: {  	v13 =	vperm.xlane v13, v0  }
0x207: {  	v4 =	vsel vm2, v21, v4;
	v9 =	vadd.f32 v9, v10;
	v49 =	vperm.xlane v14, v1  }
0x208: {  	v50 =	vadd.f32 v19, v20;
	v18 =	vperm.xlane v18, v2;
	v8 =	vsel vm2, v8, v13  }
0x209: {  	v4 =	vadd.f32 v4, v17;
	v51 =	vperm.xlane v11, v1;
	v8 =	vadd.f32 v16, v8  }
0x20a: {  	v53 =	vadd.f32 v24, v23;
	v52 =	vperm.xlane v9, v1;
	v20 =	vperm.xlane v50, v1  }
0x20b: {  	v16 =	vsel vm0, v4, v51;
	v4 =	vperm.xlane v4, v1;
	v54 =	vperm.xlane v8, v1  }
0x20c: {  	v9 =	vsel vm0, v9, v49;
	v56 =	vsel vm0, v52, v14;
	v8 =	vsel vm0, v8, v20  }
0x20d: {  	v4 =	vsel vm0, v4, v11;
	v9 =	vadd.f32 v56, v9;
	v55 =	vsel vm0, v54, v50  }
0x20e: {  	v6 =	vsel vm1, v15, v6;
	v4 =	vadd.f32 v4, v16;
	v8 =	vadd.f32 v55, v8  }
0x20f: {  	v5 =	vsel vm1, v5, v22;
	v57 =	vperm.xlane v53, v2;
	v13 =	vperm.xlane v9, v2  }
0x210: {  	v7 =	vsel vm1, v18, v7;
	v58 =	vperm.xlane v4, v2;
	v10 =	vperm.xlane v8, v2  }
0x211: {  	v5 =	vadd.f32 v6, v5;
	v7 =	vadd.f32 v7, v12;
	v9 =	vsel vm1, v57, v9  }
0x212: {  	v59 =	vsel vm1, v53, v13;
	v8 =	vsel vm1, v58, v8;
	v4 =	vsel vm1, v4, v10  }
0x213: {  	v6 =	vadd.f32 v9, v59;
	v4 =	vadd.f32 v8, v4  }
0x214: {  	v60 =	vperm.xlane v5, v3;
	v61 =	vperm.xlane v7, v3  }
0x215: {  	v62 =	vperm.xlane v6, v3;
	v63 =	vperm.xlane v4, v3  }
0x216: {  	v7 =	vsel vm3, v7, v60;
	v5 =	vsel vm3, v61, v5  }
0x217: {  	s10 =	sshra.s32 s18, $0x2;
	v5 =	vadd.f32 v5, v7;
	v4 =	vsel vm3, v4, v62;
	v6 =	vsel vm3, v63, v6  }
0x218: {  	s5 =	sshra.s32 s5, $0x2;
	s10 =	sadd.s32 s10, s1;
	v4 =	vadd.f32 v6, v4  }
0x219: {  	s5 =	sadd.s32 s5, s1;
	[tilespmem:s10+$0x0] =	vst v5  }
0x21a: {  	[tilespmem:s5+$0x0] =	vst v4  }
.LBB2_12:
0x21b: {  	s5 =	sor.u32 $0x2, s17  }
0x21c: {  	p2 =	sgt.u32 s5, $0x7C  }
.Ltmp9:
0x21d: {  	_ = 	snop;
	(pc) =	sbr.rel @p2 .LBB2_18-.Ltmp9, $3  }
0x21e: {  	_ =	sdelay $0x1  }
0x21f: {  	p1 =	sgt.u32 s16, $0x1D  }
0x220: {  	s17 =	smul.u32 @!p1 $0x140, s16  }
0x221: {  	_ = 	snop  }
0x222: {  	s10 =	simm.s32 @!p1 $0x50;
	s18 =	simm.s32 @!p1 $0x7700;
	s5 =	sadd.s32 @!p1 $0x190, s17  }
0x223: {  	[tilespmem:s18], [sflag:$0x2] =	stream.indirect.gather @!p1 [hbm4b:s3+s10], $0x80, s5, s10, $0xb8;
	[tilespmem:$0x1DE80] =	vst v63  }
0x224: {  	s5 =	sadd.s32 @!p1 $0x2910, s17;
	s18 =	simm.s32 @!p1 $0x11700  }
0x225: {  	[tilespmem:s18], [sflag:$0x6] =	stream.indirect.gather @!p1 [hbm4b:s4+s10], $0x80, s5, s10, $0xb8;
	[tilespmem:$0x1DE80] =	vst v63  }
0x226: {  	_ =	swait.ge [sflag:s25], $0x2800  }
0x227: {  	[sflag:s25] =	ssyncset.done $0x0  }
0x228: {  	[sflag:s25] =	ssyncadd.s32 $0xFFFFD800  }
0x229: {  	_ =	swait.ge [sflag:s26], $0x2800  }
0x22a: {  	[sflag:s26] =	ssyncset.done $0x0  }
0x22b: {  	s18 =	simm.s32 $0xA000;
	[sflag:s26] =	ssyncadd.s32 $0xFFFFD800  }
0x22c: {  	s19 =	simm.s32 $0x14000;
	v5 =	vld [tilespmem:s18+$0x80]  }
0x22d: {  	v6 =	vld [tilespmem:s19+$0x80]  }
0x22e: {  	v7 =	vld [tilespmem:s18+$0x90]  }
0x22f: {  	v8 =	vld [tilespmem:s19+$0x90]  }
0x230: {  	v9 =	vld [tilespmem:s18+$0xA0]  }
0x231: {  	v10 =	vld [tilespmem:s19+$0xA0]  }
0x232: {  	v11 =	vld [tilespmem:s18+$0xB0]  }
0x233: {  	v12 =	vld [tilespmem:s19+$0xB0]  }
0x234: {  	v13 =	vld [tilespmem:s18+$0xC0]  }
0x235: {  	v14 =	vld [tilespmem:s19+$0xC0]  }
0x236: {  	v15 =	vld [tilespmem:s18+$0xD0]  }
0x237: {  	v16 =	vld [tilespmem:s19+$0xD0]  }
0x238: {  	v17 =	vld [tilespmem:s18+$0xE0]  }
0x239: {  	v18 =	vld [tilespmem:s19+$0xE0]  }
0x23a: {  	v19 =	vld [tilespmem:s18+$0xF0]  }
0x23b: {  	v20 =	vld [tilespmem:s19+$0xF0]  }
0x23c: {  	v4 =	vld [tilespmem:s19+$0xFFFFFF00]  }
0x23d: {  	v21 =	vld [tilespmem:s18+$0xFFFFFF10]  }
0x23e: {  	v22 =	vld [tilespmem:s19+$0xFFFFFF10]  }
0x23f: {  	v23 =	vld [tilespmem:s18+$0xFFFFFF20]  }
0x240: {  	v24 =	vld [tilespmem:s19+$0xFFFFFF20]  }
0x241: {  	v25 =	vld [tilespmem:s18+$0xFFFFFF30]  }
0x242: {  	v26 =	vld [tilespmem:s19+$0xFFFFFF30]  }
0x243: {  	v27 =	vld [tilespmem:s18+$0xFFFFFF40]  }
0x244: {  	v28 =	vld [tilespmem:s19+$0xFFFFFF40]  }
0x245: {  	v29 =	vld [tilespmem:s18+$0xFFFFFF50]  }
0x246: {  	v30 =	vld [tilespmem:s19+$0xFFFFFF50]  }
0x247: {  	v31 =	vld [tilespmem:s18+$0xFFFFFF60]  }
0x248: {  	v32 =	vld [tilespmem:s19+$0xFFFFFF60]  }
0x249: {  	v33 =	vld [tilespmem:s18+$0xFFFFFF70]  }
0x24a: {  	v34 =	vld [tilespmem:s19+$0xFFFFFF70]  }
0x24b: {  	v35 =	vld [tilespmem:s18+$0xFFFFFF80]  }
0x24c: {  	v36 =	vld [tilespmem:s19+$0xFFFFFF80]  }
0x24d: {  	v37 =	vld [tilespmem:s18+$0xFFFFFF90]  }
0x24e: {  	v38 =	vld [tilespmem:s19+$0xFFFFFF90]  }
0x24f: {  	v39 =	vld [tilespmem:s18+$0xFFFFFFA0]  }
0x250: {  	v40 =	vld [tilespmem:s19+$0xFFFFFFA0]  }
0x251: {  	v41 =	vld [tilespmem:s18+$0xFFFFFFB0]  }
0x252: {  	v42 =	vld [tilespmem:s19+$0xFFFFFFB0]  }
0x253: {  	v43 =	vld [tilespmem:s18+$0xFFFFFFC0]  }
0x254: {  	v44 =	vld [tilespmem:s19+$0xFFFFFFC0]  }
0x255: {  	v45 =	vld [tilespmem:s18+$0xFFFFFFD0]  }
0x256: {  	v46 =	vld [tilespmem:s19+$0xFFFFFFD0]  }
0x257: {  	v47 =	vld [tilespmem:s18+$0xFFFFFFE0]  }
0x258: {  	v48 =	vld [tilespmem:s19+$0xFFFFFFE0]  }
0x259: {  	v53 =	vld [tilespmem:s19+$0x20];
	v5 =	vmul.f32 v6, v5;
	v6 =	vmul.f32 v8, v7  }
0x25a: {  	v56 =	vld [tilespmem:s18+$0x30];
	v8 =	vmul.f32 v10, v9;
	v9 =	vmul.f32 v12, v11  }
0x25b: {  	v7 =	vld [tilespmem:s18+$0xFFFFFFF0];
	v11 =	vmul.f32 v14, v13;
	v12 =	vmul.f32 v16, v15  }
0x25c: {  	v10 =	vld [tilespmem:s19+$0xFFFFFFF0];
	v14 =	vmul.f32 v18, v17;
	v15 =	vmul.f32 v20, v19  }
0x25d: {  	v13 =	vld [tilespmem:s18+$0x0];
	v52 =	vmul.f32 v42, v41;
	v5 =	vadd.f32 v6, v5;
	v6 =	vadd.f32 v9, v8  }
0x25e: {  	v17 =	vld [tilespmem:s18+$0x20];
	v54 =	vmul.f32 v44, v43;
	v9 =	vadd.f32 v12, v11;
	v11 =	vadd.f32 v15, v14  }
0x25f: {  	v55 =	vmul.f32 v46, v45;
	v58 =	vmul.f32 v30, v29;
	v8 =	vld [tilespmem:s18+$0x10]  }
0x260: {  	v60 =	vmul.f32 v34, v33;
	v14 =	vld [tilespmem:s19+$0x10];
	v5 =	vadd.f32 v6, v5;
	v9 =	vadd.f32 v11, v9  }
0x261: {  	v16 =	vld [tilespmem:s19+$0x0];
	v62 =	vmul.f32 v26, v25;
	v15 =	vmul.f32 v38, v37  }
0x262: {  	v6 =	vmul.f32 v36, v35;
	v11 =	vmul.f32 v40, v39;
	v57 =	vadd.f32 v9, v5;
	v9 =	vld [tilespmem:s19+$0x30]  }
0x263: {  	v59 =	vld [tilespmem:s19+$0x40];
	v20 =	vadd.f32 v55, v54;
	v7 =	vmul.f32 v10, v7;
	v5 =	vmul.f32 v48, v47  }
0x264: {  	v61 =	vld [tilespmem:s18+$0x50];
	v10 =	vmul.f32 v28, v27;
	v6 =	vadd.f32 v15, v6;
	v11 =	vadd.f32 v52, v11  }
0x265: {  	v15 =	vld [tilespmem:s18+$0x40];
	v8 =	vmul.f32 v14, v8;
	v14 =	vmul.f32 v53, v17;
	v5 =	vadd.f32 v7, v5  }
0x266: {  	v7 =	vmul.f32 v32, v31;
	v6 =	vadd.f32 v11, v6;
	v11 =	vmul.f32 v16, v13;
	v16 =	vld [tilespmem:s19+$0x50]  }
0x267: {  	v13 =	vadd.f32 v58, v10;
	v10 =	vld [tilespmem:s19+$0x60];
	v5 =	vadd.f32 v5, v20;
	v17 =	vmul.f32 v9, v56  }
0x268: {  	v12 =	vmul.f32 v24, v23;
	v7 =	vadd.f32 v60, v7;
	v8 =	vadd.f32 v8, v11;
	v9 =	vld [tilespmem:s18+$0x60]  }
0x269: {  	s20 =	simm.s32 $0x1B780;
	v11 =	vld [tilespmem:s18+$0x70];
	v63 =	vadd.f32 v5, v6;
	v17 =	vadd.f32 v17, v14  }
0x26a: {  	[tilespmem:s20+$0x80] =	vst v57;
	v5 =	vmul.f32 v22, v21;
	v6 =	vadd.f32 v62, v12;
	v7 =	vadd.f32 v7, v13;
	v12 =	vld [tilespmem:s19+$0x70]  }
0x26b: {  	s30 =	simm.s32 $0xA200;
	s10 =	simm.s32 $0x0;
	v13 =	vmul.f32 v59, v15;
	v14 =	vld [tilespmem:s18+$0xFFFFFF00];
	v15 =	vmul.f32 v16, v61;
	[tilespmem:s20+$0xFFFFFF80] =	vst v63;
	v8 =	vadd.f32 v17, v8  }
.LBB2_14:
0x26c: {  	v16 =	vld [tilespmem:s30+$0x80];
	s19 =	sadd.s32 $0x200, s19  }
0x26d: {  	v17 =	vld [tilespmem:s19+$0x80];
	v9 =	vmul.f32 v10, v9;
	v10 =	vadd.f32 v15, v13  }
0x26e: {  	v13 =	vld [tilespmem:s30+$0x90]  }
0x26f: {  	v15 =	vld [tilespmem:s19+$0x90];
	v11 =	vmul.f32 v12, v11  }
0x270: {  	v12 =	vld [tilespmem:s30+$0xA0];
	v4 =	vmul.f32 v4, v14  }
0x271: {  	v14 =	vld [tilespmem:s19+$0xA0];
	v9 =	vadd.f32 v11, v9  }
0x272: {  	v11 =	vld [tilespmem:s30+$0xB0];
	v4 =	vadd.f32 v5, v4  }
0x273: {  	v5 =	vld [tilespmem:s19+$0xB0];
	v9 =	vadd.f32 v9, v10  }
0x274: {  	v10 =	vld [tilespmem:s30+$0xC0];
	v4 =	vadd.f32 v6, v4  }
0x275: {  	v6 =	vld [tilespmem:s19+$0xC0];
	v8 =	vadd.f32 v9, v8  }
0x276: {  	v9 =	vld [tilespmem:s30+$0xD0];
	v4 =	vadd.f32 v7, v4  }
0x277: {  	v7 =	vld [tilespmem:s19+$0xD0];
	[tilespmem:s20+$0x0] =	vst v8  }
0x278: {  	v8 =	vld [tilespmem:s30+$0xE0];
	[tilespmem:s20+$0xFFFFFF00] =	vst v4  }
0x279: {  	v18 =	vld [tilespmem:s19+$0xE0]  }
0x27a: {  	v19 =	vld [tilespmem:s30+$0xF0]  }
0x27b: {  	s10 =	sadd.s32 $0x4, s10;
	v20 =	vld [tilespmem:s19+$0xF0]  }
0x27c: {  	p2 =	slt.u32 s10, $0x4C;
	v4 =	vld [tilespmem:s19+$0xFFFFFF00]  }
0x27d: {  	v16 =	vmul.f32 v17, v16;
	v13 =	vmul.f32 v15, v13;
	v21 =	vld [tilespmem:s30+$0xFFFFFF10]  }
0x27e: {  	v12 =	vmul.f32 v14, v12;
	v5 =	vmul.f32 v5, v11;
	v15 =	vld [tilespmem:s19+$0xFFFFFF10]  }
0x27f: {  	v6 =	vmul.f32 v6, v10;
	v7 =	vmul.f32 v7, v9;
	v11 =	vld [tilespmem:s30+$0xFFFFFF20]  }
0x280: {  	v8 =	vmul.f32 v18, v8;
	v9 =	vld [tilespmem:s19+$0xFFFFFF20];
	v10 =	vmul.f32 v20, v19  }
0x281: {  	v13 =	vadd.f32 v13, v16;
	v12 =	vadd.f32 v5, v12;
	v14 =	vld [tilespmem:s30+$0xFFFFFF30]  }
0x282: {  	v6 =	vadd.f32 v7, v6;
	v16 =	vld [tilespmem:s19+$0xFFFFFF30];
	v7 =	vadd.f32 v10, v8  }
0x283: {  	v5 =	vmul.f32 v15, v21;
	v8 =	vld [tilespmem:s30+$0xFFFFFF40]  }
0x284: {  	v12 =	vadd.f32 v12, v13;
	v10 =	vld [tilespmem:s19+$0xFFFFFF40];
	v6 =	vadd.f32 v7, v6  }
0x285: {  	v7 =	vmul.f32 v9, v11;
	v9 =	vld [tilespmem:s30+$0xFFFFFF50]  }
0x286: {  	v11 =	vld [tilespmem:s19+$0xFFFFFF50];
	v6 =	vadd.f32 v6, v12  }
0x287: {  	s20 =	sadd.s32 $0x200, s20;
	v12 =	vmul.f32 v16, v14;
	v13 =	vld [tilespmem:s30+$0xFFFFFF60]  }
0x288: {  	s18 =	simm.s32 $0x0;
	s5 =	simm.s32 $0x1BA80;
	v14 =	vld [tilespmem:s19+$0xFFFFFF60];
	[tilespmem:s20+$0x80] =	vst v6  }
0x289: {  	v8 =	vmul.f32 v10, v8;
	v10 =	vld [tilespmem:s30+$0xFFFFFF70];
	v6 =	vadd.f32 v12, v7  }
0x28a: {  	v7 =	vld [tilespmem:s19+$0xFFFFFF70]  }
0x28b: {  	v9 =	vmul.f32 v11, v9;
	v11 =	vld [tilespmem:s30+$0xFFFFFF80]  }
0x28c: {  	v12 =	vld [tilespmem:s19+$0xFFFFFF80]  }
0x28d: {  	v13 =	vmul.f32 v14, v13;
	v8 =	vadd.f32 v9, v8;
	v9 =	vld [tilespmem:s30+$0xFFFFFF90]  }
0x28e: {  	v14 =	vld [tilespmem:s19+$0xFFFFFF90]  }
0x28f: {  	v7 =	vmul.f32 v7, v10;
	v10 =	vld [tilespmem:s30+$0xFFFFFFA0]  }
0x290: {  	v15 =	vld [tilespmem:s19+$0xFFFFFFA0]  }
0x291: {  	v7 =	vadd.f32 v7, v13;
	v11 =	vmul.f32 v12, v11;
	v12 =	vld [tilespmem:s30+$0xFFFFFFB0]  }
0x292: {  	v13 =	vld [tilespmem:s19+$0xFFFFFFB0]  }
0x293: {  	v7 =	vadd.f32 v7, v8;
	v8 =	vmul.f32 v14, v9;
	v9 =	vld [tilespmem:s30+$0xFFFFFFC0]  }
0x294: {  	v14 =	vld [tilespmem:s19+$0xFFFFFFC0]  }
0x295: {  	v10 =	vmul.f32 v15, v10;
	v15 =	vld [tilespmem:s30+$0xFFFFFFD0];
	v8 =	vadd.f32 v8, v11  }
0x296: {  	v11 =	vld [tilespmem:s19+$0xFFFFFFD0]  }
0x297: {  	v12 =	vmul.f32 v13, v12;
	v13 =	vld [tilespmem:s30+$0xFFFFFFE0]  }
0x298: {  	v16 =	vld [tilespmem:s19+$0xFFFFFFE0]  }
0x299: {  	v9 =	vmul.f32 v14, v9;
	v14 =	vld [tilespmem:s30+$0xFFFFFFF0];
	v10 =	vadd.f32 v12, v10  }
0x29a: {  	v12 =	vld [tilespmem:s19+$0xFFFFFFF0]  }
0x29b: {  	v11 =	vmul.f32 v11, v15;
	v8 =	vadd.f32 v10, v8;
	v10 =	vld [tilespmem:s30+$0x0]  }
0x29c: {  	v15 =	vld [tilespmem:s19+$0x0]  }
0x29d: {  	v13 =	vmul.f32 v16, v13;
	v9 =	vadd.f32 v11, v9;
	v11 =	vld [tilespmem:s30+$0x10]  }
0x29e: {  	v16 =	vld [tilespmem:s19+$0x10]  }
0x29f: {  	v12 =	vmul.f32 v12, v14;
	v14 =	vld [tilespmem:s30+$0x20]  }
0x2a0: {  	v17 =	vld [tilespmem:s19+$0x20]  }
0x2a1: {  	v12 =	vadd.f32 v12, v13;
	v10 =	vmul.f32 v15, v10;
	v13 =	vld [tilespmem:s30+$0x30]  }
0x2a2: {  	v15 =	vld [tilespmem:s19+$0x30]  }
0x2a3: {  	v9 =	vadd.f32 v12, v9;
	v11 =	vmul.f32 v16, v11;
	v12 =	vld [tilespmem:s30+$0x40]  }
0x2a4: {  	v16 =	vld [tilespmem:s19+$0x40]  }
0x2a5: {  	v8 =	vadd.f32 v9, v8;
	v14 =	vmul.f32 v17, v14;
	v17 =	vld [tilespmem:s30+$0x50];
	v18 =	vadd.f32 v11, v10  }
0x2a6: {  	v19 =	vld [tilespmem:s19+$0x50]  }
.Ltmp10:
0x2a7: {  	[tilespmem:s20+$0xFFFFFF80] =	vst v8;
	v8 =	vmul.f32 v15, v13;
	v9 =	vld [tilespmem:s30+$0x60];
	(pc) =	sbr.rel @p2 .LBB2_14-.Ltmp10, $4  }
0x2a8: {  	v10 =	vld [tilespmem:s19+$0x60]  }
0x2a9: {  	v13 =	vmul.f32 v16, v12;
	v11 =	vld [tilespmem:s30+$0x70];
	v8 =	vadd.f32 v8, v14  }
0x2aa: {  	v12 =	vld [tilespmem:s19+$0x70]  }
0x2ab: {  	v14 =	vld [tilespmem:s30+$0xFFFFFF00];
	v15 =	vmul.f32 v19, v17;
	v8 =	vadd.f32 v8, v18;
	s30 =	sadd.s32 $0x200, s30  }
0x2ac: {  	_ =	sdelay $0x2  }
0x2ad: {  	v9 =	vmul.f32 v10, v9;
	v10 =	vmul.f32 v12, v11  }
0x2ae: {  	v4 =	vmul.f32 v4, v14  }
0x2af: {  	v11 =	vadd.f32 v15, v13;
	v9 =	vadd.f32 v10, v9  }
0x2b0: {  	v4 =	vadd.f32 v5, v4  }
0x2b1: {  	v5 =	vadd.f32 v9, v11  }
0x2b2: {  	v4 =	vadd.f32 v6, v4  }
0x2b3: {  	v5 =	vadd.f32 v5, v8  }
0x2b4: {  	v4 =	vadd.f32 v7, v4  }
0x2b5: {  	[tilespmem:s20+$0x0] =	vst v5  }
0x2b6: {  	[tilespmem:s20+$0xFFFFFF00] =	vst v4  }
0x2b7: {  	v5 =	vld [tilespmem:s5+$0x0]  }
0x2b8: {  	v4 =	vld [tilespmem:s5+$0xFFFFFF80]  }
0x2b9: {  	v6 =	vld [tilespmem:s5+$0xFFFFFD80]  }
0x2ba: {  	v7 =	vld [tilespmem:s5+$0x380]  }
0x2bb: {  	v8 =	vld [tilespmem:s5+$0xFFFFFE80]  }
0x2bc: {  	v9 =	vld [tilespmem:s5+$0x180]  }
0x2bd: {  	v10 =	vld [tilespmem:s5+$0x80]  }
0x2be: {  	v15 =	vld [tilespmem:s5+$0xFFFFFE00]  }
0x2bf: {  	v18 =	vld [tilespmem:s5+$0x300]  }
0x2c0: {  	v11 =	vld [tilespmem:s5+$0x280]  }
0x2c1: {  	v13 =	vld [tilespmem:s5+$0xFFFFFC80];
	v14 =	vperm.xlane v5, v0;
	v16 =	vperm.xlane v6, v0  }
0x2c2: {  	v12 =	vld [tilespmem:s5+$0x200];
	v17 =	vperm.xlane v7, v0;
	v19 =	vperm.xlane v4, v0  }
0x2c3: {  	v21 =	vld [tilespmem:s5+$0xFFFFFD00];
	v20 =	vperm.xlane v8, v0;
	v22 =	vperm.xlane v9, v0  }
0x2c4: {  	v24 =	vld [tilespmem:s5+$0x100];
	v23 =	vperm.xlane v15, v0;
	v25 =	vperm.xlane v18, v0;
	v9 =	vsel vm2, v16, v9  }
0x2c5: {  	v16 =	vsel vm2, v4, v17;
	v4 =	vld [tilespmem:s5+$0xFFFFFC00];
	v7 =	vsel vm2, v19, v7;
	v17 =	vperm.xlane v10, v0  }
0x2c6: {  	v19 =	vsel vm2, v20, v11;
	v20 =	vld [tilespmem:s5+$0xFFFFFF00];
	v6 =	vsel vm2, v6, v22;
	v22 =	vperm.xlane v13, v0  }
0x2c7: {  	s30 =	simm.s32 $0x1C280;
	v11 =	vperm.xlane v11, v0;
	v7 =	vadd.f32 v7, v16;
	v6 =	vadd.f32 v9, v6  }
0x2c8: {  	v16 =	vld [tilespmem:s30+$0xFFFFFE80];
	v13 =	vsel vm2, v13, v17;
	v17 =	vperm.xlane v12, v0;
	v12 =	vsel vm2, v23, v12  }
0x2c9: {  	v23 =	vperm.xlane v21, v0;
	v10 =	vsel vm2, v22, v10;
	v8 =	vsel vm2, v8, v11  }
0x2ca: {  	v8 =	vadd.f32 v19, v8;
	v10 =	vadd.f32 v10, v13;
	v13 =	vsel vm2, v15, v17  }
0x2cb: {  	v17 =	vsel vm2, v23, v24;
	v14 =	vsel vm2, v4, v14;
	v11 =	vperm.xlane v20, v0  }
0x2cc: {  	v30 =	vld [tilespmem:s30+$0x300];
	v15 =	vperm.xlane v4, v0;
	v19 =	vperm.xlane v10, v1;
	v20 =	vsel vm2, v20, v25  }
0x2cd: {  	v22 =	vld [tilespmem:s30+$0xFFFFFF80];
	v12 =	vadd.f32 v12, v13;
	v29 =	vperm.xlane v16, v0;
	v11 =	vsel vm2, v11, v18  }
0x2ce: {  	v13 =	vld [tilespmem:s30+$0xFFFFFD80];
	v18 =	vperm.xlane v8, v1;
	v8 =	vsel vm0, v19, v8;
	v5 =	vsel vm2, v15, v5  }
0x2cf: {  	v4 =	vld [tilespmem:s30+$0x0];
	v19 =	vperm.xlane v6, v1;
	v9 =	vadd.f32 v5, v14;
	v14 =	vperm.xlane v12, v1  }
0x2d0: {  	v15 =	vld [tilespmem:s30+$0x380];
	v11 =	vadd.f32 v11, v20;
	v10 =	vsel vm0, v10, v18;
	v18 =	vperm.xlane v7, v1  }
0x2d1: {  	v20 =	vld [tilespmem:s30+$0x80];
	v7 =	vsel vm0, v19, v7;
	v5 =	vadd.f32 v8, v10;
	v8 =	vperm.xlane v24, v0  }
0x2d2: {  	v19 =	vld [tilespmem:s30+$0xFFFFFC80];
	v14 =	vsel vm0, v9, v14;
	v23 =	vperm.xlane v9, v1;
	v9 =	vperm.xlane v11, v1  }
0x2d3: {  	v10 =	vld [tilespmem:s30+$0x180];
	v24 =	vperm.xlane v22, v0;
	v25 =	vperm.xlane v13, v0  }
0x2d4: {  	v6 =	vsel vm0, v6, v18;
	v18 =	vld [tilespmem:s30+$0x280];
	v8 =	vsel vm2, v21, v8;
	v21 =	vperm.xlane v4, v0  }
0x2d5: {  	v28 =	vld [tilespmem:s30+$0xFFFFFE00];
	v26 =	vperm.xlane v15, v0;
	v6 =	vadd.f32 v7, v6;
	v8 =	vadd.f32 v17, v8  }
0x2d6: {  	v15 =	vsel vm2, v24, v15;
	v12 =	vsel vm0, v23, v12;
	v23 =	vld [tilespmem:s30+$0xFFFFFF00];
	v24 =	vperm.xlane v20, v0  }
0x2d7: {  	v17 =	vld [tilespmem:s30+$0x200];
	v22 =	vsel vm2, v22, v26;
	v62 =	vperm.xlane v19, v0;
	v27 =	vsel vm0, v8, v9  }
0x2d8: {  	v8 =	vperm.xlane v8, v1;
	v7 =	vperm.xlane v10, v0;
	v9 =	vsel vm2, v25, v10  }
0x2d9: {  	v19 =	vsel vm2, v19, v24;
	v24 =	vperm.xlane v30, v0;
	v25 =	vsel vm2, v29, v18  }
0x2da: {  	v26 =	vld [tilespmem:s30+$0xFFFFFC00];
	v18 =	vperm.xlane v18, v0;
	v20 =	vsel vm2, v62, v20;
	v11 =	vsel vm0, v8, v11  }
0x2db: {  	v10 =	vsel vm2, v13, v7;
	v63 =	vadd.f32 v20, v19;
	v20 =	vsel vm2, v23, v24  }
0x2dc: {  	v8 =	vld [tilespmem:s30+$0xFFFFFD00];
	v7 =	vadd.f32 v11, v27;
	v11 =	vperm.xlane v17, v0;
	v27 =	vperm.xlane v28, v0  }
0x2dd: {  	v16 =	vsel vm2, v16, v18;
	v18 =	vadd.f32 v12, v14;
	v14 =	vadd.f32 v15, v22  }
0x2de: {  	v13 =	vld [tilespmem:s30+$0x100];
	v15 =	vperm.xlane v5, v2;
	v25 =	vadd.f32 v25, v16;
	v27 =	vsel vm2, v27, v17  }
0x2df: {  	v17 =	vsel vm2, v26, v21;
	v21 =	vperm.xlane v26, v0;
	v26 =	vperm.xlane v23, v0  }
0x2e0: {  	v24 =	vperm.xlane v63, v1;
	v11 =	vsel vm2, v28, v11;
	v12 =	vperm.xlane v7, v2  }
0x2e1: {  	v31 =	vperm.xlane v8, v0;
	v19 =	vsel vm2, v26, v30;
	v26 =	vperm.xlane v25, v1  }
0x2e2: {  	v22 =	vperm.xlane v6, v2;
	v11 =	vadd.f32 v27, v11;
	v24 =	vsel vm0, v24, v25  }
0x2e3: {  	s10 =	simm.s32 $0x80;
	s19 =	simm.s32 $0x1CA80;
	s5 =	simm.s32 $0x40;
	v12 =	vsel vm1, v18, v12;
	v16 =	vsel vm2, v31, v13;
	v23 =	vsel vm0, v63, v26  }
.LBB2_16:
0x2e4: {  	p2 =	sne.s32 s10, $0x100;
	v21 =	vsel vm2, v21, v4;
	v4 =	vld [tilespmem:s19+$0x0];
	v9 =	vadd.f32 v9, v10;
	v10 =	vperm.xlane v14, v1;
	s20 =	smov.u32 s10;
	s10 =	sadd.s32 $0x40, s10  }
0x2e5: {  	v23 =	vadd.f32 v24, v23;
	v25 =	vld [tilespmem:s19+$0xFFFFFF80];
	v17 =	vadd.f32 v21, v17;
	v21 =	vperm.xlane v11, v1  }
0x2e6: {  	v18 =	vperm.xlane v18, v2;
	v22 =	vsel vm1, v5, v22;
	v24 =	vld [tilespmem:s19+$0xFFFFFD80];
	v26 =	vperm.xlane v9, v1  }
0x2e7: {  	v13 =	vperm.xlane v13, v0;
	v5 =	vmovc v23;
	v27 =	vld [tilespmem:s19+$0x380];
	v28 =	vsel vm0, v17, v21;
	v17 =	vperm.xlane v17, v1  }
0x2e8: {  	v19 =	vadd.f32 v19, v20;
	v9 =	vsel vm0, v9, v10;
	v7 =	vsel vm1, v18, v7;
	v21 =	vld [tilespmem:s19+$0xFFFFFE80]  }
0x2e9: {  	v8 =	vsel vm2, v8, v13;
	v13 =	vsel vm1, v15, v6;
	v10 =	vld [tilespmem:s19+$0x180];
	v18 =	vperm.xlane v4, v0  }
0x2ea: {  	v6 =	vadd.f32 v16, v8;
	v8 =	vperm.xlane v19, v1;
	v15 =	vld [tilespmem:s19+$0x80];
	v20 =	vperm.xlane v25, v0  }
0x2eb: {  	v12 =	vadd.f32 v7, v12;
	v14 =	vsel vm0, v26, v14;
	v16 =	vld [tilespmem:s19+$0x280];
	v23 =	vperm.xlane v24, v0  }
0x2ec: {  	v29 =	vsel vm0, v6, v8;
	v8 =	vperm.xlane v6, v1;
	v26 =	vld [tilespmem:s19+$0x200];
	v7 =	vperm.xlane v27, v0  }
0x2ed: {  	v13 =	vadd.f32 v13, v22;
	v6 =	vadd.f32 v14, v9;
	v30 =	vld [tilespmem:s19+$0xFFFFFC80];
	v31 =	vperm.xlane v21, v0  }
0x2ee: {  	v19 =	vsel vm0, v8, v19;
	v14 =	vld [tilespmem:s19+$0xFFFFFE00];
	v22 =	vperm.xlane v10, v0;
	v9 =	vsel vm2, v23, v10  }
0x2ef: {  	v27 =	vsel vm2, v20, v27;
	v20 =	vperm.xlane v13, v3;
	v25 =	vsel vm2, v25, v7;
	v23 =	vld [tilespmem:s19+$0x300]  }
0x2f0: {  	v11 =	vsel vm0, v17, v11;
	v32 =	vperm.xlane v15, v0;
	v8 =	vld [tilespmem:s19+$0xFFFFFD00];
	v31 =	vsel vm2, v31, v16  }
0x2f1: {  	v17 =	vperm.xlane v12, v3;
	v7 =	vadd.f32 v19, v29;
	v10 =	vsel vm2, v24, v22;
	v33 =	vld [tilespmem:s19+$0xFFFFFC00]  }
0x2f2: {  	v12 =	vsel vm3, v12, v20;
	v22 =	vld [tilespmem:s19+$0xFFFFFF00];
	v19 =	vsel vm2, v30, v32;
	v24 =	vperm.xlane v30, v0  }
0x2f3: {  	s30 =	sshra.s32 s18, $0x2;
	s18 =	smov.u32 s5;
	s5 =	smov.u32 s20;
	v17 =	vsel vm3, v17, v13;
	v20 =	vperm.xlane v26, v0;
	v29 =	vperm.xlane v14, v0  }
0x2f4: {  	s20 =	sadd.s32 s30, s0;
	v12 =	vadd.f32 v17, v12;
	v16 =	vperm.xlane v16, v0;
	v13 =	vld [tilespmem:s19+$0x100];
	v30 =	vperm.xlane v23, v0  }
0x2f5: {  	v15 =	vsel vm2, v24, v15;
	v26 =	vsel vm2, v29, v26;
	v29 =	vperm.xlane v8, v0  }
0x2f6: {  	v24 =	vsel vm2, v14, v20;
	v14 =	vsel vm2, v21, v16;
	v17 =	vsel vm2, v33, v18;
	[tilespmem:s20+$0x0] =	vst v12  }
0x2f7: {  	v31 =	vadd.f32 v31, v14;
	v21 =	vperm.xlane v33, v0;
	v12 =	vperm.xlane v22, v0  }
.Ltmp11:
0x2f8: {  	v15 =	vadd.f32 v15, v19;
	v18 =	vadd.f32 v11, v28;
	v11 =	vperm.xlane v7, v2;
	(pc) =	sbr.rel @p2 .LBB2_16-.Ltmp11, $4  }
0x2f9: {  	v16 =	vsel vm2, v29, v13;
	v19 =	vsel vm2, v12, v23;
	v23 =	vperm.xlane v31, v1  }
0x2fa: {  	v20 =	vsel vm2, v22, v30;
	v22 =	vperm.xlane v15, v1;
	v12 =	vsel vm1, v18, v11  }
0x2fb: {  	v14 =	vadd.f32 v27, v25;
	v23 =	vsel vm0, v15, v23;
	v15 =	vperm.xlane v5, v2  }
0x2fc: {  	s19 =	sadd.s32 $0x800, s19;
	v11 =	vadd.f32 v26, v24;
	v24 =	vsel vm0, v22, v31;
	v22 =	vperm.xlane v6, v2  }
0x2fd: {  	v13 =	vperm.xlane v13, v0  }
0x2fe: {  	v4 =	vsel vm2, v21, v4;
	v9 =	vadd.f32 v9, v10;
	v49 =	vperm.xlane v14, v1  }
0x2ff: {  	v50 =	vadd.f32 v19, v20;
	v18 =	vperm.xlane v18, v2;
	v8 =	vsel vm2, v8, v13  }
0x300: {  	v4 =	vadd.f32 v4, v17;
	v51 =	vperm.xlane v11, v1;
	v8 =	vadd.f32 v16, v8  }
0x301: {  	v53 =	vadd.f32 v24, v23;
	v52 =	vperm.xlane v9, v1;
	v20 =	vperm.xlane v50, v1  }
0x302: {  	v16 =	vsel vm0, v4, v51;
	v4 =	vperm.xlane v4, v1;
	v54 =	vperm.xlane v8, v1  }
0x303: {  	v9 =	vsel vm0, v9, v49;
	v56 =	vsel vm0, v52, v14;
	v8 =	vsel vm0, v8, v20  }
0x304: {  	v4 =	vsel vm0, v4, v11;
	v9 =	vadd.f32 v56, v9;
	v55 =	vsel vm0, v54, v50  }
0x305: {  	v6 =	vsel vm1, v15, v6;
	v4 =	vadd.f32 v4, v16;
	v8 =	vadd.f32 v55, v8  }
0x306: {  	v5 =	vsel vm1, v5, v22;
	v57 =	vperm.xlane v53, v2;
	v13 =	vperm.xlane v9, v2  }
0x307: {  	v7 =	vsel vm1, v18, v7;
	v58 =	vperm.xlane v4, v2;
	v10 =	vperm.xlane v8, v2  }
0x308: {  	v5 =	vadd.f32 v6, v5;
	v7 =	vadd.f32 v7, v12;
	v9 =	vsel vm1, v57, v9  }
0x309: {  	v59 =	vsel vm1, v53, v13;
	v8 =	vsel vm1, v58, v8;
	v4 =	vsel vm1, v4, v10  }
0x30a: {  	v6 =	vadd.f32 v9, v59;
	v4 =	vadd.f32 v8, v4  }
0x30b: {  	v60 =	vperm.xlane v5, v3;
	v61 =	vperm.xlane v7, v3  }
0x30c: {  	v62 =	vperm.xlane v6, v3;
	v63 =	vperm.xlane v4, v3  }
0x30d: {  	v7 =	vsel vm3, v7, v60;
	v5 =	vsel vm3, v61, v5  }
0x30e: {  	s10 =	sshra.s32 s18, $0x2;
	v5 =	vadd.f32 v5, v7;
	v4 =	vsel vm3, v4, v62;
	v6 =	vsel vm3, v63, v6  }
0x30f: {  	s5 =	sshra.s32 s5, $0x2;
	s10 =	sadd.s32 s10, s0;
	v4 =	vadd.f32 v6, v4  }
0x310: {  	s5 =	sadd.s32 s5, s0;
	[tilespmem:s10+$0x0] =	vst v5  }
0x311: {  	[tilespmem:s5+$0x0] =	vst v4  }
.LBB2_18:
.Ltmp12:
0x312: {  	(pc) =	sbr.rel @p0 .LBB2_24-.Ltmp12, $1  }
0x313: {  	_ =	sdelay $0x3  }
0x314: {  	s5 =	sadd.s32 @!p1 $0x1E0, s17;
	s10 =	simm.s32 @!p1 $0x50;
	s18 =	simm.s32 @!p1 $0x9F00  }
0x315: {  	[tilespmem:s18], [sflag:$0x3] =	stream.indirect.gather @!p1 [hbm4b:s3+s10], $0x80, s5, s10, $0xb8;
	[tilespmem:$0x1DE80] =	vst v63  }
0x316: {  	s5 =	sadd.s32 @!p1 $0x2960, s17;
	s17 =	simm.s32 @!p1 $0x13F00  }
0x317: {  	[tilespmem:s17], [sflag:$0x7] =	stream.indirect.gather @!p1 [hbm4b:s4+s10], $0x80, s5, s10, $0xb8;
	[tilespmem:$0x1DE80] =	vst v63  }
0x318: {  	_ =	swait.ge [sflag:s28], $0x2800  }
0x319: {  	[sflag:s28] =	ssyncset.done $0x0  }
0x31a: {  	[sflag:s28] =	ssyncadd.s32 $0xFFFFD800  }
0x31b: {  	_ =	swait.ge [sflag:s29], $0x2800  }
0x31c: {  	[sflag:s29] =	ssyncset.done $0x0  }
0x31d: {  	s30 =	simm.s32 $0xC800;
	[sflag:s29] =	ssyncadd.s32 $0xFFFFD800  }
0x31e: {  	s18 =	simm.s32 $0x16800;
	v5 =	vld [tilespmem:s30+$0x80]  }
0x31f: {  	v6 =	vld [tilespmem:s18+$0x80]  }
0x320: {  	v7 =	vld [tilespmem:s30+$0x90]  }
0x321: {  	v8 =	vld [tilespmem:s18+$0x90]  }
0x322: {  	v9 =	vld [tilespmem:s30+$0xA0]  }
0x323: {  	v10 =	vld [tilespmem:s18+$0xA0]  }
0x324: {  	v11 =	vld [tilespmem:s30+$0xB0]  }
0x325: {  	v12 =	vld [tilespmem:s18+$0xB0]  }
0x326: {  	v13 =	vld [tilespmem:s30+$0xC0]  }
0x327: {  	v14 =	vld [tilespmem:s18+$0xC0]  }
0x328: {  	v15 =	vld [tilespmem:s30+$0xD0]  }
0x329: {  	v16 =	vld [tilespmem:s18+$0xD0]  }
0x32a: {  	v17 =	vld [tilespmem:s30+$0xE0]  }
0x32b: {  	v18 =	vld [tilespmem:s18+$0xE0]  }
0x32c: {  	v19 =	vld [tilespmem:s30+$0xF0]  }
0x32d: {  	v20 =	vld [tilespmem:s18+$0xF0]  }
0x32e: {  	v4 =	vld [tilespmem:s18+$0xFFFFFF00]  }
0x32f: {  	v21 =	vld [tilespmem:s30+$0xFFFFFF10]  }
0x330: {  	v22 =	vld [tilespmem:s18+$0xFFFFFF10]  }
0x331: {  	v23 =	vld [tilespmem:s30+$0xFFFFFF20]  }
0x332: {  	v24 =	vld [tilespmem:s18+$0xFFFFFF20]  }
0x333: {  	v25 =	vld [tilespmem:s30+$0xFFFFFF30]  }
0x334: {  	v26 =	vld [tilespmem:s18+$0xFFFFFF30]  }
0x335: {  	v27 =	vld [tilespmem:s30+$0xFFFFFF40]  }
0x336: {  	v28 =	vld [tilespmem:s18+$0xFFFFFF40]  }
0x337: {  	v29 =	vld [tilespmem:s30+$0xFFFFFF50]  }
0x338: {  	v30 =	vld [tilespmem:s18+$0xFFFFFF50]  }
0x339: {  	v31 =	vld [tilespmem:s30+$0xFFFFFF60]  }
0x33a: {  	v32 =	vld [tilespmem:s18+$0xFFFFFF60]  }
0x33b: {  	v33 =	vld [tilespmem:s30+$0xFFFFFF70]  }
0x33c: {  	v34 =	vld [tilespmem:s18+$0xFFFFFF70]  }
0x33d: {  	v35 =	vld [tilespmem:s30+$0xFFFFFF80]  }
0x33e: {  	v36 =	vld [tilespmem:s18+$0xFFFFFF80]  }
0x33f: {  	v37 =	vld [tilespmem:s30+$0xFFFFFF90]  }
0x340: {  	v38 =	vld [tilespmem:s18+$0xFFFFFF90]  }
0x341: {  	v39 =	vld [tilespmem:s30+$0xFFFFFFA0]  }
0x342: {  	v40 =	vld [tilespmem:s18+$0xFFFFFFA0]  }
0x343: {  	v41 =	vld [tilespmem:s30+$0xFFFFFFB0]  }
0x344: {  	v42 =	vld [tilespmem:s18+$0xFFFFFFB0]  }
0x345: {  	v43 =	vld [tilespmem:s30+$0xFFFFFFC0]  }
0x346: {  	v44 =	vld [tilespmem:s18+$0xFFFFFFC0]  }
0x347: {  	v45 =	vld [tilespmem:s30+$0xFFFFFFD0]  }
0x348: {  	v46 =	vld [tilespmem:s18+$0xFFFFFFD0]  }
0x349: {  	v47 =	vld [tilespmem:s30+$0xFFFFFFE0]  }
0x34a: {  	v48 =	vld [tilespmem:s18+$0xFFFFFFE0]  }
0x34b: {  	v53 =	vld [tilespmem:s18+$0x20];
	v5 =	vmul.f32 v6, v5;
	v6 =	vmul.f32 v8, v7  }
0x34c: {  	v56 =	vld [tilespmem:s30+$0x30];
	v8 =	vmul.f32 v10, v9;
	v9 =	vmul.f32 v12, v11  }
0x34d: {  	v7 =	vld [tilespmem:s30+$0xFFFFFFF0];
	v11 =	vmul.f32 v14, v13;
	v12 =	vmul.f32 v16, v15  }
0x34e: {  	v10 =	vld [tilespmem:s18+$0xFFFFFFF0];
	v14 =	vmul.f32 v18, v17;
	v15 =	vmul.f32 v20, v19  }
0x34f: {  	v13 =	vld [tilespmem:s30+$0x0];
	v52 =	vmul.f32 v42, v41;
	v5 =	vadd.f32 v6, v5;
	v6 =	vadd.f32 v9, v8  }
0x350: {  	v17 =	vld [tilespmem:s30+$0x20];
	v54 =	vmul.f32 v44, v43;
	v9 =	vadd.f32 v12, v11;
	v11 =	vadd.f32 v15, v14  }
0x351: {  	v55 =	vmul.f32 v46, v45;
	v58 =	vmul.f32 v30, v29;
	v8 =	vld [tilespmem:s30+$0x10]  }
0x352: {  	v60 =	vmul.f32 v34, v33;
	v14 =	vld [tilespmem:s18+$0x10];
	v5 =	vadd.f32 v6, v5;
	v9 =	vadd.f32 v11, v9  }
0x353: {  	v16 =	vld [tilespmem:s18+$0x0];
	v62 =	vmul.f32 v26, v25;
	v15 =	vmul.f32 v38, v37  }
0x354: {  	v6 =	vmul.f32 v36, v35;
	v11 =	vmul.f32 v40, v39;
	v57 =	vadd.f32 v9, v5;
	v9 =	vld [tilespmem:s18+$0x30]  }
0x355: {  	v59 =	vld [tilespmem:s18+$0x40];
	v20 =	vadd.f32 v55, v54;
	v7 =	vmul.f32 v10, v7;
	v5 =	vmul.f32 v48, v47  }
0x356: {  	v61 =	vld [tilespmem:s30+$0x50];
	v10 =	vmul.f32 v28, v27;
	v6 =	vadd.f32 v15, v6;
	v11 =	vadd.f32 v52, v11  }
0x357: {  	v15 =	vld [tilespmem:s30+$0x40];
	v8 =	vmul.f32 v14, v8;
	v14 =	vmul.f32 v53, v17;
	v5 =	vadd.f32 v7, v5  }
0x358: {  	v7 =	vmul.f32 v32, v31;
	v6 =	vadd.f32 v11, v6;
	v11 =	vmul.f32 v16, v13;
	v16 =	vld [tilespmem:s18+$0x50]  }
0x359: {  	v13 =	vadd.f32 v58, v10;
	v10 =	vld [tilespmem:s18+$0x60];
	v5 =	vadd.f32 v5, v20;
	v17 =	vmul.f32 v9, v56  }
0x35a: {  	v12 =	vmul.f32 v24, v23;
	v7 =	vadd.f32 v60, v7;
	v8 =	vadd.f32 v8, v11;
	v9 =	vld [tilespmem:s30+$0x60]  }
0x35b: {  	s19 =	simm.s32 $0x1B780;
	v11 =	vld [tilespmem:s30+$0x70];
	v63 =	vadd.f32 v5, v6;
	v17 =	vadd.f32 v17, v14  }
0x35c: {  	[tilespmem:s19+$0x80] =	vst v57;
	v5 =	vmul.f32 v22, v21;
	v6 =	vadd.f32 v62, v12;
	v7 =	vadd.f32 v7, v13;
	v12 =	vld [tilespmem:s18+$0x70]  }
0x35d: {  	s20 =	simm.s32 $0xCA00;
	s10 =	simm.s32 $0x0;
	v13 =	vmul.f32 v59, v15;
	v14 =	vld [tilespmem:s30+$0xFFFFFF00];
	v15 =	vmul.f32 v16, v61;
	[tilespmem:s19+$0xFFFFFF80] =	vst v63;
	v8 =	vadd.f32 v17, v8  }
.LBB2_20:
0x35e: {  	v16 =	vld [tilespmem:s20+$0x80];
	s18 =	sadd.s32 $0x200, s18  }
0x35f: {  	v17 =	vld [tilespmem:s18+$0x80];
	v9 =	vmul.f32 v10, v9;
	v10 =	vadd.f32 v15, v13  }
0x360: {  	v13 =	vld [tilespmem:s20+$0x90]  }
0x361: {  	v15 =	vld [tilespmem:s18+$0x90];
	v11 =	vmul.f32 v12, v11  }
0x362: {  	v12 =	vld [tilespmem:s20+$0xA0];
	v4 =	vmul.f32 v4, v14  }
0x363: {  	v14 =	vld [tilespmem:s18+$0xA0];
	v9 =	vadd.f32 v11, v9  }
0x364: {  	v11 =	vld [tilespmem:s20+$0xB0];
	v4 =	vadd.f32 v5, v4  }
0x365: {  	v5 =	vld [tilespmem:s18+$0xB0];
	v9 =	vadd.f32 v9, v10  }
0x366: {  	v10 =	vld [tilespmem:s20+$0xC0];
	v4 =	vadd.f32 v6, v4  }
0x367: {  	v6 =	vld [tilespmem:s18+$0xC0];
	v8 =	vadd.f32 v9, v8  }
0x368: {  	v9 =	vld [tilespmem:s20+$0xD0];
	v4 =	vadd.f32 v7, v4  }
0x369: {  	v7 =	vld [tilespmem:s18+$0xD0];
	[tilespmem:s19+$0x0] =	vst v8  }
0x36a: {  	v8 =	vld [tilespmem:s20+$0xE0];
	[tilespmem:s19+$0xFFFFFF00] =	vst v4  }
0x36b: {  	v18 =	vld [tilespmem:s18+$0xE0]  }
0x36c: {  	v19 =	vld [tilespmem:s20+$0xF0]  }
0x36d: {  	s10 =	sadd.s32 $0x4, s10;
	v20 =	vld [tilespmem:s18+$0xF0]  }
0x36e: {  	p0 =	slt.u32 s10, $0x4C;
	v4 =	vld [tilespmem:s18+$0xFFFFFF00]  }
0x36f: {  	v16 =	vmul.f32 v17, v16;
	v13 =	vmul.f32 v15, v13;
	v21 =	vld [tilespmem:s20+$0xFFFFFF10]  }
0x370: {  	v12 =	vmul.f32 v14, v12;
	v5 =	vmul.f32 v5, v11;
	v15 =	vld [tilespmem:s18+$0xFFFFFF10]  }
0x371: {  	v6 =	vmul.f32 v6, v10;
	v7 =	vmul.f32 v7, v9;
	v11 =	vld [tilespmem:s20+$0xFFFFFF20]  }
0x372: {  	v8 =	vmul.f32 v18, v8;
	v9 =	vld [tilespmem:s18+$0xFFFFFF20];
	v10 =	vmul.f32 v20, v19  }
0x373: {  	v13 =	vadd.f32 v13, v16;
	v12 =	vadd.f32 v5, v12;
	v14 =	vld [tilespmem:s20+$0xFFFFFF30]  }
0x374: {  	v6 =	vadd.f32 v7, v6;
	v16 =	vld [tilespmem:s18+$0xFFFFFF30];
	v7 =	vadd.f32 v10, v8  }
0x375: {  	v5 =	vmul.f32 v15, v21;
	v8 =	vld [tilespmem:s20+$0xFFFFFF40]  }
0x376: {  	v12 =	vadd.f32 v12, v13;
	v10 =	vld [tilespmem:s18+$0xFFFFFF40];
	v6 =	vadd.f32 v7, v6  }
0x377: {  	v7 =	vmul.f32 v9, v11;
	v9 =	vld [tilespmem:s20+$0xFFFFFF50]  }
0x378: {  	v11 =	vld [tilespmem:s18+$0xFFFFFF50];
	v6 =	vadd.f32 v6, v12  }
0x379: {  	s19 =	sadd.s32 $0x200, s19;
	v12 =	vmul.f32 v16, v14;
	v13 =	vld [tilespmem:s20+$0xFFFFFF60]  }
0x37a: {  	s17 =	simm.s32 $0x0;
	s5 =	simm.s32 $0x1BA80;
	v14 =	vld [tilespmem:s18+$0xFFFFFF60];
	[tilespmem:s19+$0x80] =	vst v6  }
0x37b: {  	v8 =	vmul.f32 v10, v8;
	v10 =	vld [tilespmem:s20+$0xFFFFFF70];
	v6 =	vadd.f32 v12, v7  }
0x37c: {  	v7 =	vld [tilespmem:s18+$0xFFFFFF70]  }
0x37d: {  	v9 =	vmul.f32 v11, v9;
	v11 =	vld [tilespmem:s20+$0xFFFFFF80]  }
0x37e: {  	v12 =	vld [tilespmem:s18+$0xFFFFFF80]  }
0x37f: {  	v13 =	vmul.f32 v14, v13;
	v8 =	vadd.f32 v9, v8;
	v9 =	vld [tilespmem:s20+$0xFFFFFF90]  }
0x380: {  	v14 =	vld [tilespmem:s18+$0xFFFFFF90]  }
0x381: {  	v7 =	vmul.f32 v7, v10;
	v10 =	vld [tilespmem:s20+$0xFFFFFFA0]  }
0x382: {  	v15 =	vld [tilespmem:s18+$0xFFFFFFA0]  }
0x383: {  	v7 =	vadd.f32 v7, v13;
	v11 =	vmul.f32 v12, v11;
	v12 =	vld [tilespmem:s20+$0xFFFFFFB0]  }
0x384: {  	v13 =	vld [tilespmem:s18+$0xFFFFFFB0]  }
0x385: {  	v7 =	vadd.f32 v7, v8;
	v8 =	vmul.f32 v14, v9;
	v9 =	vld [tilespmem:s20+$0xFFFFFFC0]  }
0x386: {  	v14 =	vld [tilespmem:s18+$0xFFFFFFC0]  }
0x387: {  	v10 =	vmul.f32 v15, v10;
	v15 =	vld [tilespmem:s20+$0xFFFFFFD0];
	v8 =	vadd.f32 v8, v11  }
0x388: {  	v11 =	vld [tilespmem:s18+$0xFFFFFFD0]  }
0x389: {  	v12 =	vmul.f32 v13, v12;
	v13 =	vld [tilespmem:s20+$0xFFFFFFE0]  }
0x38a: {  	v16 =	vld [tilespmem:s18+$0xFFFFFFE0]  }
0x38b: {  	v9 =	vmul.f32 v14, v9;
	v14 =	vld [tilespmem:s20+$0xFFFFFFF0];
	v10 =	vadd.f32 v12, v10  }
0x38c: {  	v12 =	vld [tilespmem:s18+$0xFFFFFFF0]  }
0x38d: {  	v11 =	vmul.f32 v11, v15;
	v8 =	vadd.f32 v10, v8;
	v10 =	vld [tilespmem:s20+$0x0]  }
0x38e: {  	v15 =	vld [tilespmem:s18+$0x0]  }
0x38f: {  	v13 =	vmul.f32 v16, v13;
	v9 =	vadd.f32 v11, v9;
	v11 =	vld [tilespmem:s20+$0x10]  }
0x390: {  	v16 =	vld [tilespmem:s18+$0x10]  }
0x391: {  	v12 =	vmul.f32 v12, v14;
	v14 =	vld [tilespmem:s20+$0x20]  }
0x392: {  	v17 =	vld [tilespmem:s18+$0x20]  }
0x393: {  	v12 =	vadd.f32 v12, v13;
	v10 =	vmul.f32 v15, v10;
	v13 =	vld [tilespmem:s20+$0x30]  }
0x394: {  	v15 =	vld [tilespmem:s18+$0x30]  }
0x395: {  	v9 =	vadd.f32 v12, v9;
	v11 =	vmul.f32 v16, v11;
	v12 =	vld [tilespmem:s20+$0x40]  }
0x396: {  	v16 =	vld [tilespmem:s18+$0x40]  }
0x397: {  	v8 =	vadd.f32 v9, v8;
	v14 =	vmul.f32 v17, v14;
	v17 =	vld [tilespmem:s20+$0x50];
	v18 =	vadd.f32 v11, v10  }
0x398: {  	v19 =	vld [tilespmem:s18+$0x50]  }
.Ltmp13:
0x399: {  	[tilespmem:s19+$0xFFFFFF80] =	vst v8;
	v8 =	vmul.f32 v15, v13;
	v9 =	vld [tilespmem:s20+$0x60];
	(pc) =	sbr.rel @p0 .LBB2_20-.Ltmp13, $4  }
0x39a: {  	v10 =	vld [tilespmem:s18+$0x60]  }
0x39b: {  	v13 =	vmul.f32 v16, v12;
	v11 =	vld [tilespmem:s20+$0x70];
	v8 =	vadd.f32 v8, v14  }
0x39c: {  	v12 =	vld [tilespmem:s18+$0x70]  }
0x39d: {  	v14 =	vld [tilespmem:s20+$0xFFFFFF00];
	v15 =	vmul.f32 v19, v17;
	v8 =	vadd.f32 v8, v18;
	s20 =	sadd.s32 $0x200, s20  }
0x39e: {  	_ =	sdelay $0x2  }
0x39f: {  	v9 =	vmul.f32 v10, v9;
	v10 =	vmul.f32 v12, v11  }
0x3a0: {  	v4 =	vmul.f32 v4, v14  }
0x3a1: {  	v11 =	vadd.f32 v15, v13;
	v9 =	vadd.f32 v10, v9  }
0x3a2: {  	v4 =	vadd.f32 v5, v4  }
0x3a3: {  	v5 =	vadd.f32 v9, v11  }
0x3a4: {  	v4 =	vadd.f32 v6, v4  }
0x3a5: {  	v5 =	vadd.f32 v5, v8  }
0x3a6: {  	v4 =	vadd.f32 v7, v4  }
0x3a7: {  	[tilespmem:s19+$0x0] =	vst v5  }
0x3a8: {  	[tilespmem:s19+$0xFFFFFF00] =	vst v4  }
0x3a9: {  	v5 =	vld [tilespmem:s5+$0x0]  }
0x3aa: {  	v4 =	vld [tilespmem:s5+$0xFFFFFF80]  }
0x3ab: {  	v6 =	vld [tilespmem:s5+$0xFFFFFD80]  }
0x3ac: {  	v7 =	vld [tilespmem:s5+$0x380]  }
0x3ad: {  	v8 =	vld [tilespmem:s5+$0xFFFFFE80]  }
0x3ae: {  	v9 =	vld [tilespmem:s5+$0x180]  }
0x3af: {  	v10 =	vld [tilespmem:s5+$0x80]  }
0x3b0: {  	v15 =	vld [tilespmem:s5+$0xFFFFFE00]  }
0x3b1: {  	v18 =	vld [tilespmem:s5+$0x300]  }
0x3b2: {  	v11 =	vld [tilespmem:s5+$0x280]  }
0x3b3: {  	v13 =	vld [tilespmem:s5+$0xFFFFFC80];
	v14 =	vperm.xlane v5, v0;
	v16 =	vperm.xlane v6, v0  }
0x3b4: {  	v12 =	vld [tilespmem:s5+$0x200];
	v17 =	vperm.xlane v7, v0;
	v19 =	vperm.xlane v4, v0  }
0x3b5: {  	v21 =	vld [tilespmem:s5+$0xFFFFFD00];
	v20 =	vperm.xlane v8, v0;
	v22 =	vperm.xlane v9, v0  }
0x3b6: {  	v24 =	vld [tilespmem:s5+$0x100];
	v23 =	vperm.xlane v15, v0;
	v25 =	vperm.xlane v18, v0;
	v9 =	vsel vm2, v16, v9  }
0x3b7: {  	v16 =	vsel vm2, v4, v17;
	v4 =	vld [tilespmem:s5+$0xFFFFFC00];
	v7 =	vsel vm2, v19, v7;
	v17 =	vperm.xlane v10, v0  }
0x3b8: {  	v19 =	vsel vm2, v20, v11;
	v20 =	vld [tilespmem:s5+$0xFFFFFF00];
	v6 =	vsel vm2, v6, v22;
	v22 =	vperm.xlane v13, v0  }
0x3b9: {  	s30 =	simm.s32 $0x1C280;
	v11 =	vperm.xlane v11, v0;
	v7 =	vadd.f32 v7, v16;
	v6 =	vadd.f32 v9, v6  }
0x3ba: {  	v16 =	vld [tilespmem:s30+$0xFFFFFE80];
	v13 =	vsel vm2, v13, v17;
	v17 =	vperm.xlane v12, v0;
	v12 =	vsel vm2, v23, v12  }
0x3bb: {  	v23 =	vperm.xlane v21, v0;
	v10 =	vsel vm2, v22, v10;
	v8 =	vsel vm2, v8, v11  }
0x3bc: {  	v8 =	vadd.f32 v19, v8;
	v10 =	vadd.f32 v10, v13;
	v13 =	vsel vm2, v15, v17  }
0x3bd: {  	v17 =	vsel vm2, v23, v24;
	v14 =	vsel vm2, v4, v14;
	v11 =	vperm.xlane v20, v0  }
0x3be: {  	v30 =	vld [tilespmem:s30+$0x300];
	v15 =	vperm.xlane v4, v0;
	v19 =	vperm.xlane v10, v1;
	v20 =	vsel vm2, v20, v25  }
0x3bf: {  	v22 =	vld [tilespmem:s30+$0xFFFFFF80];
	v12 =	vadd.f32 v12, v13;
	v29 =	vperm.xlane v16, v0;
	v11 =	vsel vm2, v11, v18  }
0x3c0: {  	v13 =	vld [tilespmem:s30+$0xFFFFFD80];
	v18 =	vperm.xlane v8, v1;
	v8 =	vsel vm0, v19, v8;
	v5 =	vsel vm2, v15, v5  }
0x3c1: {  	v4 =	vld [tilespmem:s30+$0x0];
	v19 =	vperm.xlane v6, v1;
	v9 =	vadd.f32 v5, v14;
	v14 =	vperm.xlane v12, v1  }
0x3c2: {  	v15 =	vld [tilespmem:s30+$0x380];
	v11 =	vadd.f32 v11, v20;
	v10 =	vsel vm0, v10, v18;
	v18 =	vperm.xlane v7, v1  }
0x3c3: {  	v20 =	vld [tilespmem:s30+$0x80];
	v7 =	vsel vm0, v19, v7;
	v5 =	vadd.f32 v8, v10;
	v8 =	vperm.xlane v24, v0  }
0x3c4: {  	v19 =	vld [tilespmem:s30+$0xFFFFFC80];
	v14 =	vsel vm0, v9, v14;
	v23 =	vperm.xlane v9, v1;
	v9 =	vperm.xlane v11, v1  }
0x3c5: {  	v10 =	vld [tilespmem:s30+$0x180];
	v24 =	vperm.xlane v22, v0;
	v25 =	vperm.xlane v13, v0  }
0x3c6: {  	v6 =	vsel vm0, v6, v18;
	v18 =	vld [tilespmem:s30+$0x280];
	v8 =	vsel vm2, v21, v8;
	v21 =	vperm.xlane v4, v0  }
0x3c7: {  	v28 =	vld [tilespmem:s30+$0xFFFFFE00];
	v26 =	vperm.xlane v15, v0;
	v6 =	vadd.f32 v7, v6;
	v8 =	vadd.f32 v17, v8  }
0x3c8: {  	v15 =	vsel vm2, v24, v15;
	v12 =	vsel vm0, v23, v12;
	v23 =	vld [tilespmem:s30+$0xFFFFFF00];
	v24 =	vperm.xlane v20, v0  }
0x3c9: {  	v17 =	vld [tilespmem:s30+$0x200];
	v22 =	vsel vm2, v22, v26;
	v62 =	vperm.xlane v19, v0;
	v27 =	vsel vm0, v8, v9  }
0x3ca: {  	v8 =	vperm.xlane v8, v1;
	v7 =	vperm.xlane v10, v0;
	v9 =	vsel vm2, v25, v10  }
0x3cb: {  	v19 =	vsel vm2, v19, v24;
	v24 =	vperm.xlane v30, v0;
	v25 =	vsel vm2, v29, v18  }
0x3cc: {  	v26 =	vld [tilespmem:s30+$0xFFFFFC00];
	v18 =	vperm.xlane v18, v0;
	v20 =	vsel vm2, v62, v20;
	v11 =	vsel vm0, v8, v11  }
0x3cd: {  	v10 =	vsel vm2, v13, v7;
	v63 =	vadd.f32 v20, v19;
	v20 =	vsel vm2, v23, v24  }
0x3ce: {  	v8 =	vld [tilespmem:s30+$0xFFFFFD00];
	v7 =	vadd.f32 v11, v27;
	v11 =	vperm.xlane v17, v0;
	v27 =	vperm.xlane v28, v0  }
0x3cf: {  	v16 =	vsel vm2, v16, v18;
	v18 =	vadd.f32 v12, v14;
	v14 =	vadd.f32 v15, v22  }
0x3d0: {  	v13 =	vld [tilespmem:s30+$0x100];
	v15 =	vperm.xlane v5, v2;
	v25 =	vadd.f32 v25, v16;
	v27 =	vsel vm2, v27, v17  }
0x3d1: {  	v17 =	vsel vm2, v26, v21;
	v21 =	vperm.xlane v26, v0;
	v26 =	vperm.xlane v23, v0  }
0x3d2: {  	v24 =	vperm.xlane v63, v1;
	v11 =	vsel vm2, v28, v11;
	v12 =	vperm.xlane v7, v2  }
0x3d3: {  	v31 =	vperm.xlane v8, v0;
	v19 =	vsel vm2, v26, v30;
	v26 =	vperm.xlane v25, v1  }
0x3d4: {  	v22 =	vperm.xlane v6, v2;
	v11 =	vadd.f32 v27, v11;
	v24 =	vsel vm0, v24, v25  }
0x3d5: {  	s10 =	simm.s32 $0x80;
	s18 =	simm.s32 $0x1CA80;
	s5 =	simm.s32 $0x40;
	v12 =	vsel vm1, v18, v12;
	v16 =	vsel vm2, v31, v13;
	v23 =	vsel vm0, v63, v26  }
.LBB2_22:
0x3d6: {  	p0 =	sne.s32 s10, $0x100;
	v21 =	vsel vm2, v21, v4;
	v4 =	vld [tilespmem:s18+$0x0];
	v9 =	vadd.f32 v9, v10;
	v10 =	vperm.xlane v14, v1;
	s19 =	smov.u32 s10;
	s10 =	sadd.s32 $0x40, s10  }
0x3d7: {  	v23 =	vadd.f32 v24, v23;
	v25 =	vld [tilespmem:s18+$0xFFFFFF80];
	v17 =	vadd.f32 v21, v17;
	v21 =	vperm.xlane v11, v1  }
0x3d8: {  	v18 =	vperm.xlane v18, v2;
	v22 =	vsel vm1, v5, v22;
	v24 =	vld [tilespmem:s18+$0xFFFFFD80];
	v26 =	vperm.xlane v9, v1  }
0x3d9: {  	v13 =	vperm.xlane v13, v0;
	v5 =	vmovc v23;
	v27 =	vld [tilespmem:s18+$0x380];
	v28 =	vsel vm0, v17, v21;
	v17 =	vperm.xlane v17, v1  }
0x3da: {  	v19 =	vadd.f32 v19, v20;
	v9 =	vsel vm0, v9, v10;
	v7 =	vsel vm1, v18, v7;
	v21 =	vld [tilespmem:s18+$0xFFFFFE80]  }
0x3db: {  	v8 =	vsel vm2, v8, v13;
	v13 =	vsel vm1, v15, v6;
	v10 =	vld [tilespmem:s18+$0x180];
	v18 =	vperm.xlane v4, v0  }
0x3dc: {  	v6 =	vadd.f32 v16, v8;
	v8 =	vperm.xlane v19, v1;
	v15 =	vld [tilespmem:s18+$0x80];
	v20 =	vperm.xlane v25, v0  }
0x3dd: {  	v12 =	vadd.f32 v7, v12;
	v14 =	vsel vm0, v26, v14;
	v16 =	vld [tilespmem:s18+$0x280];
	v23 =	vperm.xlane v24, v0  }
0x3de: {  	v29 =	vsel vm0, v6, v8;
	v8 =	vperm.xlane v6, v1;
	v26 =	vld [tilespmem:s18+$0x200];
	v7 =	vperm.xlane v27, v0  }
0x3df: {  	v13 =	vadd.f32 v13, v22;
	v6 =	vadd.f32 v14, v9;
	v30 =	vld [tilespmem:s18+$0xFFFFFC80];
	v31 =	vperm.xlane v21, v0  }
0x3e0: {  	v19 =	vsel vm0, v8, v19;
	v14 =	vld [tilespmem:s18+$0xFFFFFE00];
	v22 =	vperm.xlane v10, v0;
	v9 =	vsel vm2, v23, v10  }
0x3e1: {  	v27 =	vsel vm2, v20, v27;
	v20 =	vperm.xlane v13, v3;
	v25 =	vsel vm2, v25, v7;
	v23 =	vld [tilespmem:s18+$0x300]  }
0x3e2: {  	v11 =	vsel vm0, v17, v11;
	v32 =	vperm.xlane v15, v0;
	v8 =	vld [tilespmem:s18+$0xFFFFFD00];
	v31 =	vsel vm2, v31, v16  }
0x3e3: {  	v17 =	vperm.xlane v12, v3;
	v7 =	vadd.f32 v19, v29;
	v10 =	vsel vm2, v24, v22;
	v33 =	vld [tilespmem:s18+$0xFFFFFC00]  }
0x3e4: {  	v12 =	vsel vm3, v12, v20;
	v22 =	vld [tilespmem:s18+$0xFFFFFF00];
	v19 =	vsel vm2, v30, v32;
	v24 =	vperm.xlane v30, v0  }
0x3e5: {  	s20 =	sshra.s32 s17, $0x2;
	s17 =	smov.u32 s5;
	s5 =	smov.u32 s19;
	v17 =	vsel vm3, v17, v13;
	v20 =	vperm.xlane v26, v0;
	v29 =	vperm.xlane v14, v0  }
0x3e6: {  	s19 =	sadd.s32 s20, s14;
	v12 =	vadd.f32 v17, v12;
	v16 =	vperm.xlane v16, v0;
	v13 =	vld [tilespmem:s18+$0x100];
	v30 =	vperm.xlane v23, v0  }
0x3e7: {  	v15 =	vsel vm2, v24, v15;
	v26 =	vsel vm2, v29, v26;
	v29 =	vperm.xlane v8, v0  }
0x3e8: {  	v24 =	vsel vm2, v14, v20;
	v14 =	vsel vm2, v21, v16;
	v17 =	vsel vm2, v33, v18;
	[tilespmem:s19+$0x0] =	vst v12  }
0x3e9: {  	v31 =	vadd.f32 v31, v14;
	v21 =	vperm.xlane v33, v0;
	v12 =	vperm.xlane v22, v0  }
.Ltmp14:
0x3ea: {  	v15 =	vadd.f32 v15, v19;
	v18 =	vadd.f32 v11, v28;
	v11 =	vperm.xlane v7, v2;
	(pc) =	sbr.rel @p0 .LBB2_22-.Ltmp14, $4  }
0x3eb: {  	v16 =	vsel vm2, v29, v13;
	v19 =	vsel vm2, v12, v23;
	v23 =	vperm.xlane v31, v1  }
0x3ec: {  	v20 =	vsel vm2, v22, v30;
	v22 =	vperm.xlane v15, v1;
	v12 =	vsel vm1, v18, v11  }
0x3ed: {  	v14 =	vadd.f32 v27, v25;
	v23 =	vsel vm0, v15, v23;
	v15 =	vperm.xlane v5, v2  }
0x3ee: {  	s18 =	sadd.s32 $0x800, s18;
	v11 =	vadd.f32 v26, v24;
	v24 =	vsel vm0, v22, v31;
	v22 =	vperm.xlane v6, v2  }
0x3ef: {  	v13 =	vperm.xlane v13, v0  }
0x3f0: {  	v4 =	vsel vm2, v21, v4;
	v9 =	vadd.f32 v9, v10;
	v49 =	vperm.xlane v14, v1  }
0x3f1: {  	v50 =	vadd.f32 v19, v20;
	v18 =	vperm.xlane v18, v2;
	v8 =	vsel vm2, v8, v13  }
0x3f2: {  	v4 =	vadd.f32 v4, v17;
	v51 =	vperm.xlane v11, v1;
	v8 =	vadd.f32 v16, v8  }
0x3f3: {  	v53 =	vadd.f32 v24, v23;
	v52 =	vperm.xlane v9, v1;
	v20 =	vperm.xlane v50, v1  }
0x3f4: {  	v16 =	vsel vm0, v4, v51;
	v4 =	vperm.xlane v4, v1;
	v54 =	vperm.xlane v8, v1  }
0x3f5: {  	v9 =	vsel vm0, v9, v49;
	v56 =	vsel vm0, v52, v14;
	v8 =	vsel vm0, v8, v20  }
0x3f6: {  	v4 =	vsel vm0, v4, v11;
	v9 =	vadd.f32 v56, v9;
	v55 =	vsel vm0, v54, v50  }
0x3f7: {  	v6 =	vsel vm1, v15, v6;
	v4 =	vadd.f32 v4, v16;
	v8 =	vadd.f32 v55, v8  }
0x3f8: {  	v5 =	vsel vm1, v5, v22;
	v57 =	vperm.xlane v53, v2;
	v13 =	vperm.xlane v9, v2  }
0x3f9: {  	v7 =	vsel vm1, v18, v7;
	v58 =	vperm.xlane v4, v2;
	v10 =	vperm.xlane v8, v2  }
0x3fa: {  	v5 =	vadd.f32 v6, v5;
	v7 =	vadd.f32 v7, v12;
	v9 =	vsel vm1, v57, v9  }
0x3fb: {  	v59 =	vsel vm1, v53, v13;
	v8 =	vsel vm1, v58, v8;
	v4 =	vsel vm1, v4, v10  }
0x3fc: {  	v6 =	vadd.f32 v9, v59;
	v4 =	vadd.f32 v8, v4  }
0x3fd: {  	v60 =	vperm.xlane v5, v3;
	v61 =	vperm.xlane v7, v3  }
0x3fe: {  	v62 =	vperm.xlane v6, v3;
	v63 =	vperm.xlane v4, v3  }
.Ltmp15:
0x3ff: {  	v7 =	vsel vm3, v7, v60;
	v5 =	vsel vm3, v61, v5;
	(pc) =	sbr.rel .LBB2_24-.Ltmp15, $4  }
0x400: {  	s10 =	sshra.s32 s17, $0x2;
	v5 =	vadd.f32 v5, v7;
	v4 =	vsel vm3, v4, v62;
	v6 =	vsel vm3, v63, v6  }
0x401: {  	s5 =	sshra.s32 s5, $0x2;
	s10 =	sadd.s32 s10, s14;
	v4 =	vadd.f32 v6, v4  }
0x402: {  	s5 =	sadd.s32 s5, s14;
	[tilespmem:s10+$0x0] =	vst v5  }
0x403: {  	[tilespmem:s5+$0x0] =	vst v4  }
.LBB2_26:
0x404: {  	_ =	sfence.sel $0x180000  }
0x405: {  	[bflag:$0x0] =	sbarrier.arrive $0xFFFF  }
0x406: {  	_ =	strace $0x90000047  }
0x407: {  	s0 =	stileid.u32;
	[bflag:$0x2] =	sbarrier.arrive $0xFFFF  }
0x408: {  	p0 =	sne.s32 s0, $0x0;
	s0 =	rddreg [dreg:$0x1]  }
0x409: {  	s0 =	sadd.s32 @!p0 $0x100000, s0  }
0x40a: {  	[sflag:s0] =	ssyncadd.tile.s32 @!p0 $0x1;
	_ =	shalt  }
.Lfunc_end2:
_tile_overlayer_lowered:
.L_overlay_start_2:
0x40b: {  	(tag) =	ssettag $0x2  }
0x40c: {  	s0 =	rddreg [dreg:$0x0];
	s2 =	stileid.u32  }
0x40d: {  	s1 =	rddreg [dreg:$0x1];
	p0 =	sne.s32 s2, $0x0  }
0x40e: {  	s3 =	rddreg [dreg:$0x2];
	[bflag:$0x3] =	sbarrier.arrive $0xFFFF;
	s2 =	simm.s32 @!p0 $0x1C09  }
0x40f: {  	[timem:s3], [sflag:s2] =	dma.local @!p0 [hbm:s0], s1  }
0x410: {  	s0 =	simm.s32 @!p0 $0x9  }
0x411: {  	_ =	swait.ge @!p0 [sflag:s0], s1  }
0x412: {  	s1 =	ssub.s32 @!p0 $0x0, s1;
	[sflag:s0] =	ssyncset.done @!p0 $0x0  }
0x413: {  	[sflag:s0] =	ssyncadd.s32 @!p0 s1  }
0x414: {  	[bflag:$0x3] =	sbarrier.arrive $0xFFFF  }
0x415: {  	_ =	shalt  }

</sc_bundles>
